<compile_context>
chip_gen: v7x
topology: tpu7x:2x2x1
jax: 0.10.2.dev20260603
libtpu: 0.0.44.dev20260713+nightly
codegen_flags: <defaults>
</compile_context>

<pallas_src>
import functools

import jax
import jax.numpy as jnp
from jax import lax
from jax.experimental import pallas as pl
from jax.experimental.pallas import tpu as pltpu
from jax.experimental.pallas import tpu_sc as plsc

NC = 2
NS = 16
LANES = 16
NW = NC * NS

ADD_SCORE = 0.5
EPS = 1e-16


def _i32(v):
    return jnp.int32(v)


def _tc_project(x, w8, b8, npad):
    n, d = x.shape
    bn = 2560
    assert npad % bn == 0

    def body(x_ref, w_ref, b_ref, o_ref, xo_ref):
        acc = lax.dot_general(
            w_ref[...], x_ref[...], (((1,), (1,)), ((), ())),
            preferred_element_type=jnp.float32)
        o_ref[...] = acc + b_ref[...][:, 0:1]
        xo_ref[...] = x_ref[...]

    return pl.pallas_call(
        body,
        grid=(npad // bn,),
        in_specs=[
            pl.BlockSpec((bn, d), lambda i: (i, i * 0)),
            pl.BlockSpec((8, d), lambda i: (i * 0, i * 0)),
            pl.BlockSpec((8, 128), lambda i: (i * 0, i * 0)),
        ],
        out_specs=[
            pl.BlockSpec((8, bn), lambda i: (i * 0, i)),
            pl.BlockSpec((bn, d), lambda i: (i, i * 0)),
        ],
        out_shape=[jax.ShapeDtypeStruct((8, npad), jnp.float32),
                   jax.ShapeDtypeStruct((n, d), jnp.float32)],
    )(x, w8, b8)


def _sc_pass1(ch, npad, pq, src3, dst3, zeros):
    mesh = plsc.VectorSubcoreMesh(
        core_axis_name="c", subcore_axis_name="s",
        num_cores=NC, num_subcores=NS)
    n = pq.shape[1]

    @functools.partial(
        pl.kernel, mesh=mesh,
        compiler_params=pltpu.CompilerParams(needs_layout_passes=False),
        out_type=(jax.ShapeDtypeStruct((2, NW, ch, 128), jnp.float32),
                  jax.ShapeDtypeStruct((4, npad), jnp.float32)),
        scratch_types=[
            pltpu.VMEM((n,), jnp.float32),
            pltpu.VMEM((n,), jnp.float32),
            pltpu.VMEM((n,), jnp.float32),
            pltpu.VMEM((n,), jnp.float32),
            pltpu.VMEM((ch, 128), jnp.int32),
            pltpu.VMEM((ch, 128), jnp.int32),
            pltpu.VMEM((ch, 128), jnp.float32),
            pltpu.VMEM((ch, 128), jnp.float32),
            pltpu.VMEM_SHARED((npad,), jnp.float32),
            pltpu.VMEM_SHARED((npad,), jnp.float32),
            pltpu.SemaphoreType.DMA,
            pltpu.SemaphoreType.DMA,
            pltpu.SemaphoreType.DMA,
        ])
    def kern(pq_hbm, src_hbm, dst_hbm, zeros_hbm, xexp_hbm, den_hbm,
             p0, p1, q0, q1, sv, dv, xb0, xb1, d0sh, d1sh,
             sem_in, sem_sc, sem_wb):
        c = lax.axis_index("c")
        s = lax.axis_index("s")
        wid = s * _i32(NC) + c
        cp = [
            pltpu.async_copy(src_hbm.at[wid], sv, sem_in),
            pltpu.async_copy(dst_hbm.at[wid], dv, sem_in),
            pltpu.async_copy(pq_hbm.at[_i32(0)], p0, sem_in),
            pltpu.async_copy(pq_hbm.at[_i32(1)], p1, sem_in),
            pltpu.async_copy(pq_hbm.at[_i32(2)], q0, sem_in),
            pltpu.async_copy(pq_hbm.at[_i32(3)], q1, sem_in),
        ]

        @pl.when(s == 0)
        def _():
            pltpu.sync_copy(zeros_hbm, d0sh)
            pltpu.sync_copy(zeros_hbm, d1sh)

        for desc in cp:
            desc.wait()
        plsc.subcore_barrier()

        def row(j, carry):
            for k in range(128 // LANES):
                sl = pl.ds(k * LANES, LANES)
                svv = sv[j, sl]
                dvv = dv[j, sl]
                x0 = jnp.exp(plsc.load_gather(p0, [svv]) +
                             plsc.load_gather(q0, [dvv]))
                x1 = jnp.exp(plsc.load_gather(p1, [svv]) +
                             plsc.load_gather(q1, [dvv]))
                xb0[j, sl] = x0
                xb1[j, sl] = x1
            pltpu.async_copy(xb0.at[j], d0sh.at[dv.at[j]], sem_sc, add=True)
            pltpu.async_copy(xb1.at[j], d1sh.at[dv.at[j]], sem_sc, add=True)
            return carry
        lax.fori_loop(_i32(0), _i32(ch), row, 0)

        wb0 = pltpu.async_copy(xb0, xexp_hbm.at[_i32(0), wid], sem_wb)
        wb1 = pltpu.async_copy(xb1, xexp_hbm.at[_i32(1), wid], sem_wb)
        pltpu.make_async_copy(xexp_hbm.at[_i32(0), wid], xb0, sem_sc).wait()
        pltpu.make_async_copy(xexp_hbm.at[_i32(1), wid], xb1, sem_sc).wait()
        wb0.wait()
        wb1.wait()
        plsc.subcore_barrier()

        @pl.when(s == 0)
        def _():
            dp0 = pltpu.async_copy(d0sh, den_hbm.at[_i32(2) * c], sem_wb)
            dp1 = pltpu.async_copy(d1sh, den_hbm.at[_i32(2) * c + _i32(1)],
                                   sem_wb)
            dp0.wait()
            dp1.wait()

    return kern(pq, src3, dst3, zeros)


def _sc_pass2(ch, npad, den, xexp, dst3):
    mesh = plsc.VectorSubcoreMesh(
        core_axis_name="c", subcore_axis_name="s",
        num_cores=NC, num_subcores=NS)

    @functools.partial(
        pl.kernel, mesh=mesh,
        compiler_params=pltpu.CompilerParams(needs_layout_passes=False),
        out_type=jax.ShapeDtypeStruct((2, NW, ch, 128), jnp.float32),
        scratch_types=[
            pltpu.VMEM((npad,), jnp.float32),
            pltpu.VMEM((npad,), jnp.float32),
            pltpu.VMEM((npad,), jnp.float32),
            pltpu.VMEM((npad,), jnp.float32),
            pltpu.VMEM((ch, 128), jnp.int32),
            pltpu.VMEM((ch, 128), jnp.float32),
            pltpu.VMEM((ch, 128), jnp.float32),
            pltpu.SemaphoreType.DMA,
            pltpu.SemaphoreType.DMA,
        ])
    def kern(den_hbm, xexp_hbm, dst_hbm, out_hbm,
             d0, d1, t0, t1, dv, xb0, xb1, sem_in, sem_wb):
        c = lax.axis_index("c")
        s = lax.axis_index("s")
        wid = s * _i32(NC) + c
        cp = [
            pltpu.async_copy(den_hbm.at[_i32(0)], d0, sem_in),
            pltpu.async_copy(den_hbm.at[_i32(2)], t0, sem_in),
            pltpu.async_copy(den_hbm.at[_i32(1)], d1, sem_in),
            pltpu.async_copy(den_hbm.at[_i32(3)], t1, sem_in),
            pltpu.async_copy(dst_hbm.at[wid], dv, sem_in),
            pltpu.async_copy(xexp_hbm.at[_i32(0), wid], xb0, sem_in),
            pltpu.async_copy(xexp_hbm.at[_i32(1), wid], xb1, sem_in),
        ]
        for desc in cp:
            desc.wait()

        def addloop(j, carry):
            for jj in range(8):
                sl = pl.ds(j * _i32(8 * LANES) + _i32(jj * LANES), LANES)
                d0[sl] = d0[sl] + t0[sl]
                d1[sl] = d1[sl] + t1[sl]
            return carry
        lax.fori_loop(_i32(0), _i32(npad // (8 * LANES)), addloop, 0)

        def row(j, carry):
            for k in range(128 // LANES):
                sl = pl.ds(k * LANES, LANES)
                dvv = dv[j, sl]
                g0 = plsc.load_gather(d0, [dvv])
                g1 = plsc.load_gather(d1, [dvv])
                xb0[j, sl] = xb0[j, sl] / (g0 + EPS) + ADD_SCORE
                xb1[j, sl] = xb1[j, sl] / (g1 + EPS) + ADD_SCORE
            return carry
        lax.fori_loop(_i32(0), _i32(ch), row, 0)

        wb0 = pltpu.async_copy(xb0, out_hbm.at[_i32(0), wid], sem_wb)
        wb1 = pltpu.async_copy(xb1, out_hbm.at[_i32(1), wid], sem_wb)
        wb0.wait()
        wb1.wait()

    return kern(den, xexp, dst3)


def kernel(x, edge_index, batch, W, b):
    n, d = x.shape
    e = edge_index.shape[1]
    npad = ((n + 1 + 255) // 256) * 256
    ept = ((e + NW * 128 - 1) // (NW * 128)) * 128
    ch = ept // 128
    e_pad = ept * NW

    xf = x.astype(jnp.float32)
    wf = W.astype(jnp.float32)
    bf = b.astype(jnp.float32)
    w8 = (jnp.zeros((8, d), jnp.float32)
          .at[0].set(wf[:d, 0]).at[1].set(wf[:d, 1])
          .at[2].set(wf[d:, 0]).at[3].set(wf[d:, 1]))
    b8 = (jnp.zeros((8, 128), jnp.float32)
          .at[2, :].set(bf[0]).at[3, :].set(bf[1]))
    pq, xcopy = _tc_project(xf, w8, b8, npad)

    pad = jnp.full((e_pad - e,), n, jnp.int32)
    src3 = jnp.concatenate([edge_index[0].astype(jnp.int32), pad]).reshape(
        NW, ch, 128)
    dst3 = jnp.concatenate([edge_index[1].astype(jnp.int32), pad]).reshape(
        NW, ch, 128)
    zeros = jnp.zeros((npad,), jnp.float32)

    xexp, den = _sc_pass1(ch, npad, pq, src3, dst3, zeros)
    outs = _sc_pass2(ch, npad, den, xexp, dst3)
    edge_scores = outs.reshape(2, e_pad)[:, :e].T
    return (xcopy, edge_index, batch, edge_scores)

# --- scband reference (transcript-rebuilt; emitter-appended) ---
"""Pipeline reference for scband-edger-10230612099726 (READ-ONLY COPY).

The authoritative reference and input builder live on the scoring server;
editing this copy changes nothing except your own understanding.
"""

import jax, jax.numpy as jnp
import numpy as np
jax.config.update("jax_enable_x64", True)

N = 10000
E = 160000
D = 256
ADD_TO_EDGE_SCORE = 0.5


def setup_inputs(seed: int = 0) -> dict:
    key = jax.random.key(seed)
    k1, k2, k3, k4, k5 = jax.random.split(key, 5)
    x = jax.random.normal(k1, (N, D), dtype=jnp.float32)
    edge_index = jax.random.randint(k2, (2, E), 0, N, dtype=jnp.int64)
    batch = jnp.sort(jax.random.randint(k3, (N,), 0, 8, dtype=jnp.int64))
    # Linear(2*in_channels, 2) parameters, torch default init bounds
    bound = 1.0 / np.sqrt(2 * D)
    W = jax.random.uniform(k4, (2 * D, 2), dtype=jnp.float32, minval=-bound, maxval=bound)
    b = jax.random.uniform(k5, (2,), dtype=jnp.float32, minval=-bound, maxval=bound)
    return {"x": x, "edge_index": edge_index, "batch": batch, "W": W, "b": b}


def _segment_softmax(e, index, num_segments):
    # torch_geometric-style softmax grouped by index (incoming edges per dst node)
    e_max = jax.ops.segment_max(e, index, num_segments=num_segments)
    e_max = jnp.where(jnp.isfinite(e_max), e_max, 0.0)
    e_exp = jnp.exp(e - e_max[index])
    denom = jax.ops.segment_sum(e_exp, index, num_segments=num_segments)
    return e_exp / (denom[index] + 1e-16)


def reference(x, edge_index, batch, W, b):
    src = edge_index[0]
    dst = edge_index[1]
    # e = cat([x[src], x[dst]], -1) -> Linear(2D, 2)
    e = jnp.concatenate([jnp.take(x, src, axis=0), jnp.take(x, dst, axis=0)], axis=-1)
    e = e @ W + b
    # dropout p=0 in eval -> identity
    e = _segment_softmax(e, dst, x.shape[0])
    edge_scores = e + ADD_TO_EDGE_SCORE
    return (x, edge_index, batch, edge_scores)

if __name__ == "__main__":
    import jax
    _d = setup_inputs()
    print(jax.jit(kernel)(*tuple(_d.values())))

</pallas_src>

<mosaic_0001>
#map = affine_map<(d0, d1) -> (0, 0)>
#map1 = affine_map<(d0, d1) -> (0, 0, 0, 0)>
#map2 = affine_map<(d0, d1) -> (0, 0, 0)>
module attributes {stable_mosaic.version = 14 : i64} {
  func.func @kern(%arg0: i32, %arg1: i32, %arg2: memref<4x10240xf32, #tpu.memory_space<hbm>>, %arg3: memref<2x32x40x128xf32, #tpu.memory_space<hbm>>, %arg4: memref<32x40x128xi32, #tpu.memory_space<hbm>>, %arg5: memref<2x32x40x128xf32, #tpu.memory_space<hbm>>, %arg6: memref<10240xf32, #tpu.memory_space<vmem>>, %arg7: memref<10240xf32, #tpu.memory_space<vmem>>, %arg8: memref<10240xf32, #tpu.memory_space<vmem>>, %arg9: memref<10240xf32, #tpu.memory_space<vmem>>, %arg10: memref<40x128xi32, #tpu.memory_space<vmem>>, %arg11: memref<40x128xf32, #tpu.memory_space<vmem>>, %arg12: memref<40x128xf32, #tpu.memory_space<vmem>>, %arg13: memref<!tpu.dma_semaphore, #tpu.memory_space<semaphore_mem>>, %arg14: memref<!tpu.dma_semaphore, #tpu.memory_space<semaphore_mem>>) attributes {dimension_semantics = [#tpu.dimension_semantics<core_parallel>, #tpu.dimension_semantics<subcore_parallel>], iteration_bounds = array<i64: 2, 16>, scalar_prefetch = 0 : i64, scratch_operands = 9 : i64, tpu.core_type = #tpu.core_type<sc_vector_subcore>, window_params = [{transform_indices = #map}, {transform_indices = #map1}, {transform_indices = #map2}, {transform_indices = #map1}]} {
    %mul3A = arith.constant 2 : i32
    %mul3A_0 = arith.muli %arg1, %mul3A : i32
    %add3A = arith.addi %mul3A_0, %arg0 : i32
    %dma_start3A = arith.constant 0 : i32
    %dma_start3A_1 = arith.constant 0 : i32
    %dma_start3A_2 = tpu.memref_slice %arg2[%dma_start3A, %dma_start3A_1] : memref<4x10240xf32, #tpu.memory_space<hbm>> -> memref<1x10240xf32, #tpu.memory_space<hbm>>
    %dma_start3A_3 = tpu.memref_squeeze %dma_start3A_2 : memref<1x10240xf32, #tpu.memory_space<hbm>> -> memref<10240xf32, #tpu.memory_space<hbm>>
    %dma_start3A_4 = arith.constant 0 : i32
    %dma_start3A_5 = tpu.memref_slice %arg2[%dma_start3A, %dma_start3A_4] : memref<4x10240xf32, #tpu.memory_space<hbm>> -> memref<1x10240xf32, #tpu.memory_space<hbm>>
    %dma_start3A_6 = tpu.memref_squeeze %dma_start3A_5 : memref<1x10240xf32, #tpu.memory_space<hbm>> -> memref<10240xf32, #tpu.memory_space<hbm>>
    tpu.enqueue_dma source(%dma_start3A_6 : memref<10240xf32, #tpu.memory_space<hbm>>) target(%arg6 : memref<10240xf32, #tpu.memory_space<vmem>>) target_semaphore(%arg13 : memref<!tpu.dma_semaphore, #tpu.memory_space<semaphore_mem>>)
    %dma_start3A_7 = arith.constant 2 : i32
    %dma_start3A_8 = arith.constant 0 : i32
    %dma_start3A_9 = tpu.memref_slice %arg2[%dma_start3A_7, %dma_start3A_8] : memref<4x10240xf32, #tpu.memory_space<hbm>> -> memref<1x10240xf32, #tpu.memory_space<hbm>>
    %dma_start3A_10 = tpu.memref_squeeze %dma_start3A_9 : memref<1x10240xf32, #tpu.memory_space<hbm>> -> memref<10240xf32, #tpu.memory_space<hbm>>
    %dma_start3A_11 = arith.constant 0 : i32
    %dma_start3A_12 = tpu.memref_slice %arg2[%dma_start3A_7, %dma_start3A_11] : memref<4x10240xf32, #tpu.memory_space<hbm>> -> memref<1x10240xf32, #tpu.memory_space<hbm>>
    %dma_start3A_13 = tpu.memref_squeeze %dma_start3A_12 : memref<1x10240xf32, #tpu.memory_space<hbm>> -> memref<10240xf32, #tpu.memory_space<hbm>>
    tpu.enqueue_dma source(%dma_start3A_13 : memref<10240xf32, #tpu.memory_space<hbm>>) target(%arg8 : memref<10240xf32, #tpu.memory_space<vmem>>) target_semaphore(%arg13 : memref<!tpu.dma_semaphore, #tpu.memory_space<semaphore_mem>>)
    %dma_start3A_14 = arith.constant 1 : i32
    %dma_start3A_15 = arith.constant 0 : i32
    %dma_start3A_16 = tpu.memref_slice %arg2[%dma_start3A_14, %dma_start3A_15] : memref<4x10240xf32, #tpu.memory_space<hbm>> -> memref<1x10240xf32, #tpu.memory_space<hbm>>
    %dma_start3A_17 = tpu.memref_squeeze %dma_start3A_16 : memref<1x10240xf32, #tpu.memory_space<hbm>> -> memref<10240xf32, #tpu.memory_space<hbm>>
    %dma_start3A_18 = arith.constant 0 : i32
    %dma_start3A_19 = tpu.memref_slice %arg2[%dma_start3A_14, %dma_start3A_18] : memref<4x10240xf32, #tpu.memory_space<hbm>> -> memref<1x10240xf32, #tpu.memory_space<hbm>>
    %dma_start3A_20 = tpu.memref_squeeze %dma_start3A_19 : memref<1x10240xf32, #tpu.memory_space<hbm>> -> memref<10240xf32, #tpu.memory_space<hbm>>
    tpu.enqueue_dma source(%dma_start3A_20 : memref<10240xf32, #tpu.memory_space<hbm>>) target(%arg7 : memref<10240xf32, #tpu.memory_space<vmem>>) target_semaphore(%arg13 : memref<!tpu.dma_semaphore, #tpu.memory_space<semaphore_mem>>)
    %dma_start3A_21 = arith.constant 3 : i32
    %dma_start3A_22 = arith.constant 0 : i32
    %dma_start3A_23 = tpu.memref_slice %arg2[%dma_start3A_21, %dma_start3A_22] : memref<4x10240xf32, #tpu.memory_space<hbm>> -> memref<1x10240xf32, #tpu.memory_space<hbm>>
    %dma_start3A_24 = tpu.memref_squeeze %dma_start3A_23 : memref<1x10240xf32, #tpu.memory_space<hbm>> -> memref<10240xf32, #tpu.memory_space<hbm>>
    %dma_start3A_25 = arith.constant 0 : i32
    %dma_start3A_26 = tpu.memref_slice %arg2[%dma_start3A_21, %dma_start3A_25] : memref<4x10240xf32, #tpu.memory_space<hbm>> -> memref<1x10240xf32, #tpu.memory_space<hbm>>
    %dma_start3A_27 = tpu.memref_squeeze %dma_start3A_26 : memref<1x10240xf32, #tpu.memory_space<hbm>> -> memref<10240xf32, #tpu.memory_space<hbm>>
    tpu.enqueue_dma source(%dma_start3A_27 : memref<10240xf32, #tpu.memory_space<hbm>>) target(%arg9 : memref<10240xf32, #tpu.memory_space<vmem>>) target_semaphore(%arg13 : memref<!tpu.dma_semaphore, #tpu.memory_space<semaphore_mem>>)
    %dma_start3A_28 = arith.constant 0 : i32
    %dma_start3A_29 = arith.constant 0 : i32
    %dma_start3A_30 = tpu.memref_slice %arg4[%add3A, %dma_start3A_28, %dma_start3A_29] : memref<32x40x128xi32, #tpu.memory_space<hbm>> -> memref<1x40x128xi32, #tpu.memory_space<hbm>>
    %dma_start3A_31 = tpu.memref_squeeze %dma_start3A_30 : memref<1x40x128xi32, #tpu.memory_space<hbm>> -> memref<40x128xi32, #tpu.memory_space<hbm>>
    %dma_start3A_32 = arith.constant 0 : i32
    %dma_start3A_33 = arith.constant 0 : i32
    %dma_start3A_34 = tpu.memref_slice %arg4[%add3A, %dma_start3A_32, %dma_start3A_33] : memref<32x40x128xi32, #tpu.memory_space<hbm>> -> memref<1x40x128xi32, #tpu.memory_space<hbm>>
    %dma_start3A_35 = tpu.memref_squeeze %dma_start3A_34 : memref<1x40x128xi32, #tpu.memory_space<hbm>> -> memref<40x128xi32, #tpu.memory_space<hbm>>
    tpu.enqueue_dma source(%dma_start3A_35 : memref<40x128xi32, #tpu.memory_space<hbm>>) target(%arg10 : memref<40x128xi32, #tpu.memory_space<vmem>>) target_semaphore(%arg13 : memref<!tpu.dma_semaphore, #tpu.memory_space<semaphore_mem>>)
    %dma_start3A_36 = arith.constant 0 : i32
    %dma_start3A_37 = arith.constant 0 : i32
    %dma_start3A_38 = arith.constant 0 : i32
    %dma_start3A_39 = tpu.memref_slice %arg3[%dma_start3A_36, %add3A, %dma_start3A_37, %dma_start3A_38] : memref<2x32x40x128xf32, #tpu.memory_space<hbm>> -> memref<1x1x40x128xf32, #tpu.memory_space<hbm>>
    %dma_start3A_40 = tpu.memref_squeeze %dma_start3A_39 : memref<1x1x40x128xf32, #tpu.memory_space<hbm>> -> memref<40x128xf32, #tpu.memory_space<hbm>>
    %dma_start3A_41 = arith.constant 0 : i32
    %dma_start3A_42 = arith.constant 0 : i32
    %dma_start3A_43 = tpu.memref_slice %arg3[%dma_start3A_36, %add3A, %dma_start3A_41, %dma_start3A_42] : memref<2x32x40x128xf32, #tpu.memory_space<hbm>> -> memref<1x1x40x128xf32, #tpu.memory_space<hbm>>
    %dma_start3A_44 = tpu.memref_squeeze %dma_start3A_43 : memref<1x1x40x128xf32, #tpu.memory_space<hbm>> -> memref<40x128xf32, #tpu.memory_space<hbm>>
    tpu.enqueue_dma source(%dma_start3A_44 : memref<40x128xf32, #tpu.memory_space<hbm>>) target(%arg11 : memref<40x128xf32, #tpu.memory_space<vmem>>) target_semaphore(%arg13 : memref<!tpu.dma_semaphore, #tpu.memory_space<semaphore_mem>>)
    %dma_start3A_45 = arith.constant 1 : i32
    %dma_start3A_46 = arith.constant 0 : i32
    %dma_start3A_47 = arith.constant 0 : i32
    %dma_start3A_48 = tpu.memref_slice %arg3[%dma_start3A_45, %add3A, %dma_start3A_46, %dma_start3A_47] : memref<2x32x40x128xf32, #tpu.memory_space<hbm>> -> memref<1x1x40x128xf32, #tpu.memory_space<hbm>>
    %dma_start3A_49 = tpu.memref_squeeze %dma_start3A_48 : memref<1x1x40x128xf32, #tpu.memory_space<hbm>> -> memref<40x128xf32, #tpu.memory_space<hbm>>
    %dma_start3A_50 = arith.constant 0 : i32
    %dma_start3A_51 = arith.constant 0 : i32
    %dma_start3A_52 = tpu.memref_slice %arg3[%dma_start3A_45, %add3A, %dma_start3A_50, %dma_start3A_51] : memref<2x32x40x128xf32, #tpu.memory_space<hbm>> -> memref<1x1x40x128xf32, #tpu.memory_space<hbm>>
    %dma_start3A_53 = tpu.memref_squeeze %dma_start3A_52 : memref<1x1x40x128xf32, #tpu.memory_space<hbm>> -> memref<40x128xf32, #tpu.memory_space<hbm>>
    tpu.enqueue_dma source(%dma_start3A_53 : memref<40x128xf32, #tpu.memory_space<hbm>>) target(%arg12 : memref<40x128xf32, #tpu.memory_space<vmem>>) target_semaphore(%arg13 : memref<!tpu.dma_semaphore, #tpu.memory_space<semaphore_mem>>)
    %dma_wait3A = arith.constant 0 : i32
    %dma_wait3A_54 = arith.constant 0 : i32
    %dma_wait3A_55 = tpu.memref_slice %arg2[%dma_wait3A, %dma_wait3A_54] : memref<4x10240xf32, #tpu.memory_space<hbm>> -> memref<1x10240xf32, #tpu.memory_space<hbm>>
    %dma_wait3A_56 = tpu.memref_squeeze %dma_wait3A_55 : memref<1x10240xf32, #tpu.memory_space<hbm>> -> memref<10240xf32, #tpu.memory_space<hbm>>
    %dma_wait3A_57 = arith.constant 0 : i32
    %dma_wait3A_58 = tpu.memref_slice %arg2[%dma_wait3A, %dma_wait3A_57] : memref<4x10240xf32, #tpu.memory_space<hbm>> -> memref<1x10240xf32, #tpu.memory_space<hbm>>
    %dma_wait3A_59 = tpu.memref_squeeze %dma_wait3A_58 : memref<1x10240xf32, #tpu.memory_space<hbm>> -> memref<10240xf32, #tpu.memory_space<hbm>>
    tpu.wait_dma2 semaphore(%arg13 : memref<!tpu.dma_semaphore, #tpu.memory_space<semaphore_mem>>) src(%dma_wait3A_59 : memref<10240xf32, #tpu.memory_space<hbm>>) dst(%arg6 : memref<10240xf32, #tpu.memory_space<vmem>>)
    %dma_wait3A_60 = arith.constant 2 : i32
    %dma_wait3A_61 = arith.constant 0 : i32
    %dma_wait3A_62 = tpu.memref_slice %arg2[%dma_wait3A_60, %dma_wait3A_61] : memref<4x10240xf32, #tpu.memory_space<hbm>> -> memref<1x10240xf32, #tpu.memory_space<hbm>>
    %dma_wait3A_63 = tpu.memref_squeeze %dma_wait3A_62 : memref<1x10240xf32, #tpu.memory_space<hbm>> -> memref<10240xf32, #tpu.memory_space<hbm>>
    %dma_wait3A_64 = arith.constant 0 : i32
    %dma_wait3A_65 = tpu.memref_slice %arg2[%dma_wait3A_60, %dma_wait3A_64] : memref<4x10240xf32, #tpu.memory_space<hbm>> -> memref<1x10240xf32, #tpu.memory_space<hbm>>
    %dma_wait3A_66 = tpu.memref_squeeze %dma_wait3A_65 : memref<1x10240xf32, #tpu.memory_space<hbm>> -> memref<10240xf32, #tpu.memory_space<hbm>>
    tpu.wait_dma2 semaphore(%arg13 : memref<!tpu.dma_semaphore, #tpu.memory_space<semaphore_mem>>) src(%dma_wait3A_66 : memref<10240xf32, #tpu.memory_space<hbm>>) dst(%arg8 : memref<10240xf32, #tpu.memory_space<vmem>>)
    %dma_wait3A_67 = arith.constant 1 : i32
    %dma_wait3A_68 = arith.constant 0 : i32
    %dma_wait3A_69 = tpu.memref_slice %arg2[%dma_wait3A_67, %dma_wait3A_68] : memref<4x10240xf32, #tpu.memory_space<hbm>> -> memref<1x10240xf32, #tpu.memory_space<hbm>>
    %dma_wait3A_70 = tpu.memref_squeeze %dma_wait3A_69 : memref<1x10240xf32, #tpu.memory_space<hbm>> -> memref<10240xf32, #tpu.memory_space<hbm>>
    %dma_wait3A_71 = arith.constant 0 : i32
    %dma_wait3A_72 = tpu.memref_slice %arg2[%dma_wait3A_67, %dma_wait3A_71] : memref<4x10240xf32, #tpu.memory_space<hbm>> -> memref<1x10240xf32, #tpu.memory_space<hbm>>
    %dma_wait3A_73 = tpu.memref_squeeze %dma_wait3A_72 : memref<1x10240xf32, #tpu.memory_space<hbm>> -> memref<10240xf32, #tpu.memory_space<hbm>>
    tpu.wait_dma2 semaphore(%arg13 : memref<!tpu.dma_semaphore, #tpu.memory_space<semaphore_mem>>) src(%dma_wait3A_73 : memref<10240xf32, #tpu.memory_space<hbm>>) dst(%arg7 : memref<10240xf32, #tpu.memory_space<vmem>>)
    %dma_wait3A_74 = arith.constant 3 : i32
    %dma_wait3A_75 = arith.constant 0 : i32
    %dma_wait3A_76 = tpu.memref_slice %arg2[%dma_wait3A_74, %dma_wait3A_75] : memref<4x10240xf32, #tpu.memory_space<hbm>> -> memref<1x10240xf32, #tpu.memory_space<hbm>>
    %dma_wait3A_77 = tpu.memref_squeeze %dma_wait3A_76 : memref<1x10240xf32, #tpu.memory_space<hbm>> -> memref<10240xf32, #tpu.memory_space<hbm>>
    %dma_wait3A_78 = arith.constant 0 : i32
    %dma_wait3A_79 = tpu.memref_slice %arg2[%dma_wait3A_74, %dma_wait3A_78] : memref<4x10240xf32, #tpu.memory_space<hbm>> -> memref<1x10240xf32, #tpu.memory_space<hbm>>
    %dma_wait3A_80 = tpu.memref_squeeze %dma_wait3A_79 : memref<1x10240xf32, #tpu.memory_space<hbm>> -> memref<10240xf32, #tpu.memory_space<hbm>>
    tpu.wait_dma2 semaphore(%arg13 : memref<!tpu.dma_semaphore, #tpu.memory_space<semaphore_mem>>) src(%dma_wait3A_80 : memref<10240xf32, #tpu.memory_space<hbm>>) dst(%arg9 : memref<10240xf32, #tpu.memory_space<vmem>>)
    %dma_wait3A_81 = arith.constant 0 : i32
    %dma_wait3A_82 = arith.constant 0 : i32
    %dma_wait3A_83 = tpu.memref_slice %arg4[%add3A, %dma_wait3A_81, %dma_wait3A_82] : memref<32x40x128xi32, #tpu.memory_space<hbm>> -> memref<1x40x128xi32, #tpu.memory_space<hbm>>
    %dma_wait3A_84 = tpu.memref_squeeze %dma_wait3A_83 : memref<1x40x128xi32, #tpu.memory_space<hbm>> -> memref<40x128xi32, #tpu.memory_space<hbm>>
    %dma_wait3A_85 = arith.constant 0 : i32
    %dma_wait3A_86 = arith.constant 0 : i32
    %dma_wait3A_87 = tpu.memref_slice %arg4[%add3A, %dma_wait3A_85, %dma_wait3A_86] : memref<32x40x128xi32, #tpu.memory_space<hbm>> -> memref<1x40x128xi32, #tpu.memory_space<hbm>>
    %dma_wait3A_88 = tpu.memref_squeeze %dma_wait3A_87 : memref<1x40x128xi32, #tpu.memory_space<hbm>> -> memref<40x128xi32, #tpu.memory_space<hbm>>
    tpu.wait_dma2 semaphore(%arg13 : memref<!tpu.dma_semaphore, #tpu.memory_space<semaphore_mem>>) src(%dma_wait3A_88 : memref<40x128xi32, #tpu.memory_space<hbm>>) dst(%arg10 : memref<40x128xi32, #tpu.memory_space<vmem>>)
    %dma_wait3A_89 = arith.constant 0 : i32
    %dma_wait3A_90 = arith.constant 0 : i32
    %dma_wait3A_91 = arith.constant 0 : i32
    %dma_wait3A_92 = tpu.memref_slice %arg3[%dma_wait3A_89, %add3A, %dma_wait3A_90, %dma_wait3A_91] : memref<2x32x40x128xf32, #tpu.memory_space<hbm>> -> memref<1x1x40x128xf32, #tpu.memory_space<hbm>>
    %dma_wait3A_93 = tpu.memref_squeeze %dma_wait3A_92 : memref<1x1x40x128xf32, #tpu.memory_space<hbm>> -> memref<40x128xf32, #tpu.memory_space<hbm>>
    %dma_wait3A_94 = arith.constant 0 : i32
    %dma_wait3A_95 = arith.constant 0 : i32
    %dma_wait3A_96 = tpu.memref_slice %arg3[%dma_wait3A_89, %add3A, %dma_wait3A_94, %dma_wait3A_95] : memref<2x32x40x128xf32, #tpu.memory_space<hbm>> -> memref<1x1x40x128xf32, #tpu.memory_space<hbm>>
    %dma_wait3A_97 = tpu.memref_squeeze %dma_wait3A_96 : memref<1x1x40x128xf32, #tpu.memory_space<hbm>> -> memref<40x128xf32, #tpu.memory_space<hbm>>
    tpu.wait_dma2 semaphore(%arg13 : memref<!tpu.dma_semaphore, #tpu.memory_space<semaphore_mem>>) src(%dma_wait3A_97 : memref<40x128xf32, #tpu.memory_space<hbm>>) dst(%arg11 : memref<40x128xf32, #tpu.memory_space<vmem>>)
    %dma_wait3A_98 = arith.constant 1 : i32
    %dma_wait3A_99 = arith.constant 0 : i32
    %dma_wait3A_100 = arith.constant 0 : i32
    %dma_wait3A_101 = tpu.memref_slice %arg3[%dma_wait3A_98, %add3A, %dma_wait3A_99, %dma_wait3A_100] : memref<2x32x40x128xf32, #tpu.memory_space<hbm>> -> memref<1x1x40x128xf32, #tpu.memory_space<hbm>>
    %dma_wait3A_102 = tpu.memref_squeeze %dma_wait3A_101 : memref<1x1x40x128xf32, #tpu.memory_space<hbm>> -> memref<40x128xf32, #tpu.memory_space<hbm>>
    %dma_wait3A_103 = arith.constant 0 : i32
    %dma_wait3A_104 = arith.constant 0 : i32
    %dma_wait3A_105 = tpu.memref_slice %arg3[%dma_wait3A_98, %add3A, %dma_wait3A_103, %dma_wait3A_104] : memref<2x32x40x128xf32, #tpu.memory_space<hbm>> -> memref<1x1x40x128xf32, #tpu.memory_space<hbm>>
    %dma_wait3A_106 = tpu.memref_squeeze %dma_wait3A_105 : memref<1x1x40x128xf32, #tpu.memory_space<hbm>> -> memref<40x128xf32, #tpu.memory_space<hbm>>
    tpu.wait_dma2 semaphore(%arg13 : memref<!tpu.dma_semaphore, #tpu.memory_space<semaphore_mem>>) src(%dma_wait3A_106 : memref<40x128xf32, #tpu.memory_space<hbm>>) dst(%arg12 : memref<40x128xf32, #tpu.memory_space<vmem>>)
    %while3A = arith.constant 0 : i64
    %while3A_107 = arith.constant 0 : i32
    %while3A_108 = arith.constant 80 : i32
    %while3A_109 = arith.subi %while3A_108, %while3A_107 : i32
    %while3A_110 = arith.addi %while3A_107, %while3A_109 : i32
    %while3A_111 = arith.constant 1 : i32
    %while3A_112 = arith.divsi %while3A_109, %while3A_111 : i32
    %while3A_113 = arith.muli %while3A_112, %while3A_111 : i32
    %while3A_114 = arith.addi %while3A_107, %while3A_113 : i32
    %while3A_115 = arith.constant 1 : i32
    scf.for %while3A_164 = %while3A_107 to %while3A_114 step %while3A_115  : i32 {
      %mul3A_165 = arith.constant 128 : i32
      %mul3A_166 = arith.muli %while3A_164, %mul3A_165 : i32
      %add3A_167 = arith.constant 0 : i32
      %add3A_168 = arith.addi %mul3A_166, %add3A_167 : i32
      %get3A = arith.index_cast %add3A_168 : i32 to index
      %get3A_169 = tpu.vector_load %arg6[%get3A] {strides = array<i32>} : memref<10240xf32, #tpu.memory_space<vmem>>, vector<16xf32>,
      %get3A_170 = arith.index_cast %add3A_168 : i32 to index
      %get3A_171 = tpu.vector_load %arg8[%get3A_170] {strides = array<i32>} : memref<10240xf32, #tpu.memory_space<vmem>>, vector<16xf32>,
      %add3A_172 = arith.addf %get3A_169, %get3A_171 : vector<16xf32>
      %swap3A = arith.index_cast %add3A_168 : i32 to index
      %swap3A_173 = tpu.vector_load %arg6[%swap3A] {strides = array<i32>} : memref<10240xf32, #tpu.memory_space<vmem>>, vector<16xf32>,
      tpu.vector_store %arg6[%swap3A], %add3A_172 {strides = array<i32>} : memref<10240xf32, #tpu.memory_space<vmem>>, vector<16xf32>,
      %get3A_174 = arith.index_cast %add3A_168 : i32 to index
      %get3A_175 = tpu.vector_load %arg7[%get3A_174] {strides = array<i32>} : memref<10240xf32, #tpu.memory_space<vmem>>, vector<16xf32>,
      %get3A_176 = arith.index_cast %add3A_168 : i32 to index
      %get3A_177 = tpu.vector_load %arg9[%get3A_176] {strides = array<i32>} : memref<10240xf32, #tpu.memory_space<vmem>>, vector<16xf32>,
      %add3A_178 = arith.addf %get3A_175, %get3A_177 : vector<16xf32>
      %swap3A_179 = arith.index_cast %add3A_168 : i32 to index
      %swap3A_180 = tpu.vector_load %arg7[%swap3A_179] {strides = array<i32>} : memref<10240xf32, #tpu.memory_space<vmem>>, vector<16xf32>,
      tpu.vector_store %arg7[%swap3A_179], %add3A_178 {strides = array<i32>} : memref<10240xf32, #tpu.memory_space<vmem>>, vector<16xf32>,
      %mul3A_181 = arith.constant 128 : i32
      %mul3A_182 = arith.muli %while3A_164, %mul3A_181 : i32
      %add3A_183 = arith.constant 16 : i32
      %add3A_184 = arith.addi %mul3A_182, %add3A_183 : i32
      %get3A_185 = arith.index_cast %add3A_184 : i32 to index
      %get3A_186 = tpu.vector_load %arg6[%get3A_185] {strides = array<i32>} : memref<10240xf32, #tpu.memory_space<vmem>>, vector<16xf32>,
      %get3A_187 = arith.index_cast %add3A_184 : i32 to index
      %get3A_188 = tpu.vector_load %arg8[%get3A_187] {strides = array<i32>} : memref<10240xf32, #tpu.memory_space<vmem>>, vector<16xf32>,
      %add3A_189 = arith.addf %get3A_186, %get3A_188 : vector<16xf32>
      %swap3A_190 = arith.index_cast %add3A_184 : i32 to index
      %swap3A_191 = tpu.vector_load %arg6[%swap3A_190] {strides = array<i32>} : memref<10240xf32, #tpu.memory_space<vmem>>, vector<16xf32>,
      tpu.vector_store %arg6[%swap3A_190], %add3A_189 {strides = array<i32>} : memref<10240xf32, #tpu.memory_space<vmem>>, vector<16xf32>,
      %get3A_192 = arith.index_cast %add3A_184 : i32 to index
      %get3A_193 = tpu.vector_load %arg7[%get3A_192] {strides = array<i32>} : memref<10240xf32, #tpu.memory_space<vmem>>, vector<16xf32>,
      %get3A_194 = arith.index_cast %add3A_184 : i32 to index
      %get3A_195 = tpu.vector_load %arg9[%get3A_194] {strides = array<i32>} : memref<10240xf32, #tpu.memory_space<vmem>>, vector<16xf32>,
      %add3A_196 = arith.addf %get3A_193, %get3A_195 : vector<16xf32>
      %swap3A_197 = arith.index_cast %add3A_184 : i32 to index
      %swap3A_198 = tpu.vector_load %arg7[%swap3A_197] {strides = array<i32>} : memref<10240xf32, #tpu.memory_space<vmem>>, vector<16xf32>,
      tpu.vector_store %arg7[%swap3A_197], %add3A_196 {strides = array<i32>} : memref<10240xf32, #tpu.memory_space<vmem>>, vector<16xf32>,
      %mul3A_199 = arith.constant 128 : i32
      %mul3A_200 = arith.muli %while3A_164, %mul3A_199 : i32
      %add3A_201 = arith.constant 32 : i32
      %add3A_202 = arith.addi %mul3A_200, %add3A_201 : i32
      %get3A_203 = arith.index_cast %add3A_202 : i32 to index
      %get3A_204 = tpu.vector_load %arg6[%get3A_203] {strides = array<i32>} : memref<10240xf32, #tpu.memory_space<vmem>>, vector<16xf32>,
      %get3A_205 = arith.index_cast %add3A_202 : i32 to index
      %get3A_206 = tpu.vector_load %arg8[%get3A_205] {strides = array<i32>} : memref<10240xf32, #tpu.memory_space<vmem>>, vector<16xf32>,
      %add3A_207 = arith.addf %get3A_204, %get3A_206 : vector<16xf32>
      %swap3A_208 = arith.index_cast %add3A_202 : i32 to index
      %swap3A_209 = tpu.vector_load %arg6[%swap3A_208] {strides = array<i32>} : memref<10240xf32, #tpu.memory_space<vmem>>, vector<16xf32>,
      tpu.vector_store %arg6[%swap3A_208], %add3A_207 {strides = array<i32>} : memref<10240xf32, #tpu.memory_space<vmem>>, vector<16xf32>,
      %get3A_210 = arith.index_cast %add3A_202 : i32 to index
      %get3A_211 = tpu.vector_load %arg7[%get3A_210] {strides = array<i32>} : memref<10240xf32, #tpu.memory_space<vmem>>, vector<16xf32>,
      %get3A_212 = arith.index_cast %add3A_202 : i32 to index
      %get3A_213 = tpu.vector_load %arg9[%get3A_212] {strides = array<i32>} : memref<10240xf32, #tpu.memory_space<vmem>>, vector<16xf32>,
      %add3A_214 = arith.addf %get3A_211, %get3A_213 : vector<16xf32>
      %swap3A_215 = arith.index_cast %add3A_202 : i32 to index
      %swap3A_216 = tpu.vector_load %arg7[%swap3A_215] {strides = array<i32>} : memref<10240xf32, #tpu.memory_space<vmem>>, vector<16xf32>,
      tpu.vector_store %arg7[%swap3A_215], %add3A_214 {strides = array<i32>} : memref<10240xf32, #tpu.memory_space<vmem>>, vector<16xf32>,
      %mul3A_217 = arith.constant 128 : i32
      %mul3A_218 = arith.muli %while3A_164, %mul3A_217 : i32
      %add3A_219 = arith.constant 48 : i32
      %add3A_220 = arith.addi %mul3A_218, %add3A_219 : i32
      %get3A_221 = arith.index_cast %add3A_220 : i32 to index
      %get3A_222 = tpu.vector_load %arg6[%get3A_221] {strides = array<i32>} : memref<10240xf32, #tpu.memory_space<vmem>>, vector<16xf32>,
      %get3A_223 = arith.index_cast %add3A_220 : i32 to index
      %get3A_224 = tpu.vector_load %arg8[%get3A_223] {strides = array<i32>} : memref<10240xf32, #tpu.memory_space<vmem>>, vector<16xf32>,
      %add3A_225 = arith.addf %get3A_222, %get3A_224 : vector<16xf32>
      %swap3A_226 = arith.index_cast %add3A_220 : i32 to index
      %swap3A_227 = tpu.vector_load %arg6[%swap3A_226] {strides = array<i32>} : memref<10240xf32, #tpu.memory_space<vmem>>, vector<16xf32>,
      tpu.vector_store %arg6[%swap3A_226], %add3A_225 {strides = array<i32>} : memref<10240xf32, #tpu.memory_space<vmem>>, vector<16xf32>,
      %get3A_228 = arith.index_cast %add3A_220 : i32 to index
      %get3A_229 = tpu.vector_load %arg7[%get3A_228] {strides = array<i32>} : memref<10240xf32, #tpu.memory_space<vmem>>, vector<16xf32>,
      %get3A_230 = arith.index_cast %add3A_220 : i32 to index
      %get3A_231 = tpu.vector_load %arg9[%get3A_230] {strides = array<i32>} : memref<10240xf32, #tpu.memory_space<vmem>>, vector<16xf32>,
      %add3A_232 = arith.addf %get3A_229, %get3A_231 : vector<16xf32>
      %swap3A_233 = arith.index_cast %add3A_220 : i32 to index
      %swap3A_234 = tpu.vector_load %arg7[%swap3A_233] {strides = array<i32>} : memref<10240xf32, #tpu.memory_space<vmem>>, vector<16xf32>,
      tpu.vector_store %arg7[%swap3A_233], %add3A_232 {strides = array<i32>} : memref<10240xf32, #tpu.memory_space<vmem>>, vector<16xf32>,
      %mul3A_235 = arith.constant 128 : i32
      %mul3A_236 = arith.muli %while3A_164, %mul3A_235 : i32
      %add3A_237 = arith.constant 64 : i32
      %add3A_238 = arith.addi %mul3A_236, %add3A_237 : i32
      %get3A_239 = arith.index_cast %add3A_238 : i32 to index
      %get3A_240 = tpu.vector_load %arg6[%get3A_239] {strides = array<i32>} : memref<10240xf32, #tpu.memory_space<vmem>>, vector<16xf32>,
      %get3A_241 = arith.index_cast %add3A_238 : i32 to index
      %get3A_242 = tpu.vector_load %arg8[%get3A_241] {strides = array<i32>} : memref<10240xf32, #tpu.memory_space<vmem>>, vector<16xf32>,
      %add3A_243 = arith.addf %get3A_240, %get3A_242 : vector<16xf32>
      %swap3A_244 = arith.index_cast %add3A_238 : i32 to index
      %swap3A_245 = tpu.vector_load %arg6[%swap3A_244] {strides = array<i32>} : memref<10240xf32, #tpu.memory_space<vmem>>, vector<16xf32>,
      tpu.vector_store %arg6[%swap3A_244], %add3A_243 {strides = array<i32>} : memref<10240xf32, #tpu.memory_space<vmem>>, vector<16xf32>,
      %get3A_246 = arith.index_cast %add3A_238 : i32 to index
      %get3A_247 = tpu.vector_load %arg7[%get3A_246] {strides = array<i32>} : memref<10240xf32, #tpu.memory_space<vmem>>, vector<16xf32>,
      %get3A_248 = arith.index_cast %add3A_238 : i32 to index
      %get3A_249 = tpu.vector_load %arg9[%get3A_248] {strides = array<i32>} : memref<10240xf32, #tpu.memory_space<vmem>>, vector<16xf32>,
      %add3A_250 = arith.addf %get3A_247, %get3A_249 : vector<16xf32>
      %swap3A_251 = arith.index_cast %add3A_238 : i32 to index
      %swap3A_252 = tpu.vector_load %arg7[%swap3A_251] {strides = array<i32>} : memref<10240xf32, #tpu.memory_space<vmem>>, vector<16xf32>,
      tpu.vector_store %arg7[%swap3A_251], %add3A_250 {strides = array<i32>} : memref<10240xf32, #tpu.memory_space<vmem>>, vector<16xf32>,
      %mul3A_253 = arith.constant 128 : i32
      %mul3A_254 = arith.muli %while3A_164, %mul3A_253 : i32
      %add3A_255 = arith.constant 80 : i32
      %add3A_256 = arith.addi %mul3A_254, %add3A_255 : i32
      %get3A_257 = arith.index_cast %add3A_256 : i32 to index
      %get3A_258 = tpu.vector_load %arg6[%get3A_257] {strides = array<i32>} : memref<10240xf32, #tpu.memory_space<vmem>>, vector<16xf32>,
      %get3A_259 = arith.index_cast %add3A_256 : i32 to index
      %get3A_260 = tpu.vector_load %arg8[%get3A_259] {strides = array<i32>} : memref<10240xf32, #tpu.memory_space<vmem>>, vector<16xf32>,
      %add3A_261 = arith.addf %get3A_258, %get3A_260 : vector<16xf32>
      %swap3A_262 = arith.index_cast %add3A_256 : i32 to index
      %swap3A_263 = tpu.vector_load %arg6[%swap3A_262] {strides = array<i32>} : memref<10240xf32, #tpu.memory_space<vmem>>, vector<16xf32>,
      tpu.vector_store %arg6[%swap3A_262], %add3A_261 {strides = array<i32>} : memref<10240xf32, #tpu.memory_space<vmem>>, vector<16xf32>,
      %get3A_264 = arith.index_cast %add3A_256 : i32 to index
      %get3A_265 = tpu.vector_load %arg7[%get3A_264] {strides = array<i32>} : memref<10240xf32, #tpu.memory_space<vmem>>, vector<16xf32>,
      %get3A_266 = arith.index_cast %add3A_256 : i32 to index
      %get3A_267 = tpu.vector_load %arg9[%get3A_266] {strides = array<i32>} : memref<10240xf32, #tpu.memory_space<vmem>>, vector<16xf32>,
      %add3A_268 = arith.addf %get3A_265, %get3A_267 : vector<16xf32>
      %swap3A_269 = arith.index_cast %add3A_256 : i32 to index
      %swap3A_270 = tpu.vector_load %arg7[%swap3A_269] {strides = array<i32>} : memref<10240xf32, #tpu.memory_space<vmem>>, vector<16xf32>,
      tpu.vector_store %arg7[%swap3A_269], %add3A_268 {strides = array<i32>} : memref<10240xf32, #tpu.memory_space<vmem>>, vector<16xf32>,
      %mul3A_271 = arith.constant 128 : i32
      %mul3A_272 = arith.muli %while3A_164, %mul3A_271 : i32
      %add3A_273 = arith.constant 96 : i32
      %add3A_274 = arith.addi %mul3A_272, %add3A_273 : i32
      %get3A_275 = arith.index_cast %add3A_274 : i32 to index
      %get3A_276 = tpu.vector_load %arg6[%get3A_275] {strides = array<i32>} : memref<10240xf32, #tpu.memory_space<vmem>>, vector<16xf32>,
      %get3A_277 = arith.index_cast %add3A_274 : i32 to index
      %get3A_278 = tpu.vector_load %arg8[%get3A_277] {strides = array<i32>} : memref<10240xf32, #tpu.memory_space<vmem>>, vector<16xf32>,
      %add3A_279 = arith.addf %get3A_276, %get3A_278 : vector<16xf32>
      %swap3A_280 = arith.index_cast %add3A_274 : i32 to index
      %swap3A_281 = tpu.vector_load %arg6[%swap3A_280] {strides = array<i32>} : memref<10240xf32, #tpu.memory_space<vmem>>, vector<16xf32>,
      tpu.vector_store %arg6[%swap3A_280], %add3A_279 {strides = array<i32>} : memref<10240xf32, #tpu.memory_space<vmem>>, vector<16xf32>,
      %get3A_282 = arith.index_cast %add3A_274 : i32 to index
      %get3A_283 = tpu.vector_load %arg7[%get3A_282] {strides = array<i32>} : memref<10240xf32, #tpu.memory_space<vmem>>, vector<16xf32>,
      %get3A_284 = arith.index_cast %add3A_274 : i32 to index
      %get3A_285 = tpu.vector_load %arg9[%get3A_284] {strides = array<i32>} : memref<10240xf32, #tpu.memory_space<vmem>>, vector<16xf32>,
      %add3A_286 = arith.addf %get3A_283, %get3A_285 : vector<16xf32>
      %swap3A_287 = arith.index_cast %add3A_274 : i32 to index
      %swap3A_288 = tpu.vector_load %arg7[%swap3A_287] {strides = array<i32>} : memref<10240xf32, #tpu.memory_space<vmem>>, vector<16xf32>,
      tpu.vector_store %arg7[%swap3A_287], %add3A_286 {strides = array<i32>} : memref<10240xf32, #tpu.memory_space<vmem>>, vector<16xf32>,
      %mul3A_289 = arith.constant 128 : i32
      %mul3A_290 = arith.muli %while3A_164, %mul3A_289 : i32
      %add3A_291 = arith.constant 112 : i32
      %add3A_292 = arith.addi %mul3A_290, %add3A_291 : i32
      %get3A_293 = arith.index_cast %add3A_292 : i32 to index
      %get3A_294 = tpu.vector_load %arg6[%get3A_293] {strides = array<i32>} : memref<10240xf32, #tpu.memory_space<vmem>>, vector<16xf32>,
      %get3A_295 = arith.index_cast %add3A_292 : i32 to index
      %get3A_296 = tpu.vector_load %arg8[%get3A_295] {strides = array<i32>} : memref<10240xf32, #tpu.memory_space<vmem>>, vector<16xf32>,
      %add3A_297 = arith.addf %get3A_294, %get3A_296 : vector<16xf32>
      %swap3A_298 = arith.index_cast %add3A_292 : i32 to index
      %swap3A_299 = tpu.vector_load %arg6[%swap3A_298] {strides = array<i32>} : memref<10240xf32, #tpu.memory_space<vmem>>, vector<16xf32>,
      tpu.vector_store %arg6[%swap3A_298], %add3A_297 {strides = array<i32>} : memref<10240xf32, #tpu.memory_space<vmem>>, vector<16xf32>,
      %get3A_300 = arith.index_cast %add3A_292 : i32 to index
      %get3A_301 = tpu.vector_load %arg7[%get3A_300] {strides = array<i32>} : memref<10240xf32, #tpu.memory_space<vmem>>, vector<16xf32>,
      %get3A_302 = arith.index_cast %add3A_292 : i32 to index
      %get3A_303 = tpu.vector_load %arg9[%get3A_302] {strides = array<i32>} : memref<10240xf32, #tpu.memory_space<vmem>>, vector<16xf32>,
      %add3A_304 = arith.addf %get3A_301, %get3A_303 : vector<16xf32>
      %swap3A_305 = arith.index_cast %add3A_292 : i32 to index
      %swap3A_306 = tpu.vector_load %arg7[%swap3A_305] {strides = array<i32>} : memref<10240xf32, #tpu.memory_space<vmem>>, vector<16xf32>,
      tpu.vector_store %arg7[%swap3A_305], %add3A_304 {strides = array<i32>} : memref<10240xf32, #tpu.memory_space<vmem>>, vector<16xf32>,
    }
    %while3A_116 = arith.constant 1 : i32
    scf.for %while3A_164 = %while3A_114 to %while3A_110 step %while3A_116  : i32 {
      %mul3A_165 = arith.constant 128 : i32
      %mul3A_166 = arith.muli %while3A_164, %mul3A_165 : i32
      %add3A_167 = arith.constant 0 : i32
      %add3A_168 = arith.addi %mul3A_166, %add3A_167 : i32
      %get3A = arith.index_cast %add3A_168 : i32 to index
      %get3A_169 = tpu.vector_load %arg6[%get3A] {strides = array<i32>} : memref<10240xf32, #tpu.memory_space<vmem>>, vector<16xf32>,
      %get3A_170 = arith.index_cast %add3A_168 : i32 to index
      %get3A_171 = tpu.vector_load %arg8[%get3A_170] {strides = array<i32>} : memref<10240xf32, #tpu.memory_space<vmem>>, vector<16xf32>,
      %add3A_172 = arith.addf %get3A_169, %get3A_171 : vector<16xf32>
      %swap3A = arith.index_cast %add3A_168 : i32 to index
      %swap3A_173 = tpu.vector_load %arg6[%swap3A] {strides = array<i32>} : memref<10240xf32, #tpu.memory_space<vmem>>, vector<16xf32>,
      tpu.vector_store %arg6[%swap3A], %add3A_172 {strides = array<i32>} : memref<10240xf32, #tpu.memory_space<vmem>>, vector<16xf32>,
      %get3A_174 = arith.index_cast %add3A_168 : i32 to index
      %get3A_175 = tpu.vector_load %arg7[%get3A_174] {strides = array<i32>} : memref<10240xf32, #tpu.memory_space<vmem>>, vector<16xf32>,
      %get3A_176 = arith.index_cast %add3A_168 : i32 to index
      %get3A_177 = tpu.vector_load %arg9[%get3A_176] {strides = array<i32>} : memref<10240xf32, #tpu.memory_space<vmem>>, vector<16xf32>,
      %add3A_178 = arith.addf %get3A_175, %get3A_177 : vector<16xf32>
      %swap3A_179 = arith.index_cast %add3A_168 : i32 to index
      %swap3A_180 = tpu.vector_load %arg7[%swap3A_179] {strides = array<i32>} : memref<10240xf32, #tpu.memory_space<vmem>>, vector<16xf32>,
      tpu.vector_store %arg7[%swap3A_179], %add3A_178 {strides = array<i32>} : memref<10240xf32, #tpu.memory_space<vmem>>, vector<16xf32>,
      %mul3A_181 = arith.constant 128 : i32
      %mul3A_182 = arith.muli %while3A_164, %mul3A_181 : i32
      %add3A_183 = arith.constant 16 : i32
      %add3A_184 = arith.addi %mul3A_182, %add3A_183 : i32
      %get3A_185 = arith.index_cast %add3A_184 : i32 to index
      %get3A_186 = tpu.vector_load %arg6[%get3A_185] {strides = array<i32>} : memref<10240xf32, #tpu.memory_space<vmem>>, vector<16xf32>,
      %get3A_187 = arith.index_cast %add3A_184 : i32 to index
      %get3A_188 = tpu.vector_load %arg8[%get3A_187] {strides = array<i32>} : memref<10240xf32, #tpu.memory_space<vmem>>, vector<16xf32>,
      %add3A_189 = arith.addf %get3A_186, %get3A_188 : vector<16xf32>
      %swap3A_190 = arith.index_cast %add3A_184 : i32 to index
      %swap3A_191 = tpu.vector_load %arg6[%swap3A_190] {strides = array<i32>} : memref<10240xf32, #tpu.memory_space<vmem>>, vector<16xf32>,
      tpu.vector_store %arg6[%swap3A_190], %add3A_189 {strides = array<i32>} : memref<10240xf32, #tpu.memory_space<vmem>>, vector<16xf32>,
      %get3A_192 = arith.index_cast %add3A_184 : i32 to index
      %get3A_193 = tpu.vector_load %arg7[%get3A_192] {strides = array<i32>} : memref<10240xf32, #tpu.memory_space<vmem>>, vector<16xf32>,
      %get3A_194 = arith.index_cast %add3A_184 : i32 to index
      %get3A_195 = tpu.vector_load %arg9[%get3A_194] {strides = array<i32>} : memref<10240xf32, #tpu.memory_space<vmem>>, vector<16xf32>,
      %add3A_196 = arith.addf %get3A_193, %get3A_195 : vector<16xf32>
      %swap3A_197 = arith.index_cast %add3A_184 : i32 to index
      %swap3A_198 = tpu.vector_load %arg7[%swap3A_197] {strides = array<i32>} : memref<10240xf32, #tpu.memory_space<vmem>>, vector<16xf32>,
      tpu.vector_store %arg7[%swap3A_197], %add3A_196 {strides = array<i32>} : memref<10240xf32, #tpu.memory_space<vmem>>, vector<16xf32>,
      %mul3A_199 = arith.constant 128 : i32
      %mul3A_200 = arith.muli %while3A_164, %mul3A_199 : i32
      %add3A_201 = arith.constant 32 : i32
      %add3A_202 = arith.addi %mul3A_200, %add3A_201 : i32
      %get3A_203 = arith.index_cast %add3A_202 : i32 to index
      %get3A_204 = tpu.vector_load %arg6[%get3A_203] {strides = array<i32>} : memref<10240xf32, #tpu.memory_space<vmem>>, vector<16xf32>,
      %get3A_205 = arith.index_cast %add3A_202 : i32 to index
      %get3A_206 = tpu.vector_load %arg8[%get3A_205] {strides = array<i32>} : memref<10240xf32, #tpu.memory_space<vmem>>, vector<16xf32>,
      %add3A_207 = arith.addf %get3A_204, %get3A_206 : vector<16xf32>
      %swap3A_208 = arith.index_cast %add3A_202 : i32 to index
      %swap3A_209 = tpu.vector_load %arg6[%swap3A_208] {strides = array<i32>} : memref<10240xf32, #tpu.memory_space<vmem>>, vector<16xf32>,
      tpu.vector_store %arg6[%swap3A_208], %add3A_207 {strides = array<i32>} : memref<10240xf32, #tpu.memory_space<vmem>>, vector<16xf32>,
      %get3A_210 = arith.index_cast %add3A_202 : i32 to index
      %get3A_211 = tpu.vector_load %arg7[%get3A_210] {strides = array<i32>} : memref<10240xf32, #tpu.memory_space<vmem>>, vector<16xf32>,
      %get3A_212 = arith.index_cast %add3A_202 : i32 to index
      %get3A_213 = tpu.vector_load %arg9[%get3A_212] {strides = array<i32>} : memref<10240xf32, #tpu.memory_space<vmem>>, vector<16xf32>,
      %add3A_214 = arith.addf %get3A_211, %get3A_213 : vector<16xf32>
      %swap3A_215 = arith.index_cast %add3A_202 : i32 to index
      %swap3A_216 = tpu.vector_load %arg7[%swap3A_215] {strides = array<i32>} : memref<10240xf32, #tpu.memory_space<vmem>>, vector<16xf32>,
      tpu.vector_store %arg7[%swap3A_215], %add3A_214 {strides = array<i32>} : memref<10240xf32, #tpu.memory_space<vmem>>, vector<16xf32>,
      %mul3A_217 = arith.constant 128 : i32
      %mul3A_218 = arith.muli %while3A_164, %mul3A_217 : i32
      %add3A_219 = arith.constant 48 : i32
      %add3A_220 = arith.addi %mul3A_218, %add3A_219 : i32
      %get3A_221 = arith.index_cast %add3A_220 : i32 to index
      %get3A_222 = tpu.vector_load %arg6[%get3A_221] {strides = array<i32>} : memref<10240xf32, #tpu.memory_space<vmem>>, vector<16xf32>,
      %get3A_223 = arith.index_cast %add3A_220 : i32 to index
      %get3A_224 = tpu.vector_load %arg8[%get3A_223] {strides = array<i32>} : memref<10240xf32, #tpu.memory_space<vmem>>, vector<16xf32>,
      %add3A_225 = arith.addf %get3A_222, %get3A_224 : vector<16xf32>
      %swap3A_226 = arith.index_cast %add3A_220 : i32 to index
      %swap3A_227 = tpu.vector_load %arg6[%swap3A_226] {strides = array<i32>} : memref<10240xf32, #tpu.memory_space<vmem>>, vector<16xf32>,
      tpu.vector_store %arg6[%swap3A_226], %add3A_225 {strides = array<i32>} : memref<10240xf32, #tpu.memory_space<vmem>>, vector<16xf32>,
      %get3A_228 = arith.index_cast %add3A_220 : i32 to index
      %get3A_229 = tpu.vector_load %arg7[%get3A_228] {strides = array<i32>} : memref<10240xf32, #tpu.memory_space<vmem>>, vector<16xf32>,
      %get3A_230 = arith.index_cast %add3A_220 : i32 to index
      %get3A_231 = tpu.vector_load %arg9[%get3A_230] {strides = array<i32>} : memref<10240xf32, #tpu.memory_space<vmem>>, vector<16xf32>,
      %add3A_232 = arith.addf %get3A_229, %get3A_231 : vector<16xf32>
      %swap3A_233 = arith.index_cast %add3A_220 : i32 to index
      %swap3A_234 = tpu.vector_load %arg7[%swap3A_233] {strides = array<i32>} : memref<10240xf32, #tpu.memory_space<vmem>>, vector<16xf32>,
      tpu.vector_store %arg7[%swap3A_233], %add3A_232 {strides = array<i32>} : memref<10240xf32, #tpu.memory_space<vmem>>, vector<16xf32>,
      %mul3A_235 = arith.constant 128 : i32
      %mul3A_236 = arith.muli %while3A_164, %mul3A_235 : i32
      %add3A_237 = arith.constant 64 : i32
      %add3A_238 = arith.addi %mul3A_236, %add3A_237 : i32
      %get3A_239 = arith.index_cast %add3A_238 : i32 to index
      %get3A_240 = tpu.vector_load %arg6[%get3A_239] {strides = array<i32>} : memref<10240xf32, #tpu.memory_space<vmem>>, vector<16xf32>,
      %get3A_241 = arith.index_cast %add3A_238 : i32 to index
      %get3A_242 = tpu.vector_load %arg8[%get3A_241] {strides = array<i32>} : memref<10240xf32, #tpu.memory_space<vmem>>, vector<16xf32>,
      %add3A_243 = arith.addf %get3A_240, %get3A_242 : vector<16xf32>
      %swap3A_244 = arith.index_cast %add3A_238 : i32 to index
      %swap3A_245 = tpu.vector_load %arg6[%swap3A_244] {strides = array<i32>} : memref<10240xf32, #tpu.memory_space<vmem>>, vector<16xf32>,
      tpu.vector_store %arg6[%swap3A_244], %add3A_243 {strides = array<i32>} : memref<10240xf32, #tpu.memory_space<vmem>>, vector<16xf32>,
      %get3A_246 = arith.index_cast %add3A_238 : i32 to index
      %get3A_247 = tpu.vector_load %arg7[%get3A_246] {strides = array<i32>} : memref<10240xf32, #tpu.memory_space<vmem>>, vector<16xf32>,
      %get3A_248 = arith.index_cast %add3A_238 : i32 to index
      %get3A_249 = tpu.vector_load %arg9[%get3A_248] {strides = array<i32>} : memref<10240xf32, #tpu.memory_space<vmem>>, vector<16xf32>,
      %add3A_250 = arith.addf %get3A_247, %get3A_249 : vector<16xf32>
      %swap3A_251 = arith.index_cast %add3A_238 : i32 to index
      %swap3A_252 = tpu.vector_load %arg7[%swap3A_251] {strides = array<i32>} : memref<10240xf32, #tpu.memory_space<vmem>>, vector<16xf32>,
      tpu.vector_store %arg7[%swap3A_251], %add3A_250 {strides = array<i32>} : memref<10240xf32, #tpu.memory_space<vmem>>, vector<16xf32>,
      %mul3A_253 = arith.constant 128 : i32
      %mul3A_254 = arith.muli %while3A_164, %mul3A_253 : i32
      %add3A_255 = arith.constant 80 : i32
      %add3A_256 = arith.addi %mul3A_254, %add3A_255 : i32
      %get3A_257 = arith.index_cast %add3A_256 : i32 to index
      %get3A_258 = tpu.vector_load %arg6[%get3A_257] {strides = array<i32>} : memref<10240xf32, #tpu.memory_space<vmem>>, vector<16xf32>,
      %get3A_259 = arith.index_cast %add3A_256 : i32 to index
      %get3A_260 = tpu.vector_load %arg8[%get3A_259] {strides = array<i32>} : memref<10240xf32, #tpu.memory_space<vmem>>, vector<16xf32>,
      %add3A_261 = arith.addf %get3A_258, %get3A_260 : vector<16xf32>
      %swap3A_262 = arith.index_cast %add3A_256 : i32 to index
      %swap3A_263 = tpu.vector_load %arg6[%swap3A_262] {strides = array<i32>} : memref<10240xf32, #tpu.memory_space<vmem>>, vector<16xf32>,
      tpu.vector_store %arg6[%swap3A_262], %add3A_261 {strides = array<i32>} : memref<10240xf32, #tpu.memory_space<vmem>>, vector<16xf32>,
      %get3A_264 = arith.index_cast %add3A_256 : i32 to index
      %get3A_265 = tpu.vector_load %arg7[%get3A_264] {strides = array<i32>} : memref<10240xf32, #tpu.memory_space<vmem>>, vector<16xf32>,
      %get3A_266 = arith.index_cast %add3A_256 : i32 to index
      %get3A_267 = tpu.vector_load %arg9[%get3A_266] {strides = array<i32>} : memref<10240xf32, #tpu.memory_space<vmem>>, vector<16xf32>,
      %add3A_268 = arith.addf %get3A_265, %get3A_267 : vector<16xf32>
      %swap3A_269 = arith.index_cast %add3A_256 : i32 to index
      %swap3A_270 = tpu.vector_load %arg7[%swap3A_269] {strides = array<i32>} : memref<10240xf32, #tpu.memory_space<vmem>>, vector<16xf32>,
      tpu.vector_store %arg7[%swap3A_269], %add3A_268 {strides = array<i32>} : memref<10240xf32, #tpu.memory_space<vmem>>, vector<16xf32>,
      %mul3A_271 = arith.constant 128 : i32
      %mul3A_272 = arith.muli %while3A_164, %mul3A_271 : i32
      %add3A_273 = arith.constant 96 : i32
      %add3A_274 = arith.addi %mul3A_272, %add3A_273 : i32
      %get3A_275 = arith.index_cast %add3A_274 : i32 to index
      %get3A_276 = tpu.vector_load %arg6[%get3A_275] {strides = array<i32>} : memref<10240xf32, #tpu.memory_space<vmem>>, vector<16xf32>,
      %get3A_277 = arith.index_cast %add3A_274 : i32 to index
      %get3A_278 = tpu.vector_load %arg8[%get3A_277] {strides = array<i32>} : memref<10240xf32, #tpu.memory_space<vmem>>, vector<16xf32>,
      %add3A_279 = arith.addf %get3A_276, %get3A_278 : vector<16xf32>
      %swap3A_280 = arith.index_cast %add3A_274 : i32 to index
      %swap3A_281 = tpu.vector_load %arg6[%swap3A_280] {strides = array<i32>} : memref<10240xf32, #tpu.memory_space<vmem>>, vector<16xf32>,
      tpu.vector_store %arg6[%swap3A_280], %add3A_279 {strides = array<i32>} : memref<10240xf32, #tpu.memory_space<vmem>>, vector<16xf32>,
      %get3A_282 = arith.index_cast %add3A_274 : i32 to index
      %get3A_283 = tpu.vector_load %arg7[%get3A_282] {strides = array<i32>} : memref<10240xf32, #tpu.memory_space<vmem>>, vector<16xf32>,
      %get3A_284 = arith.index_cast %add3A_274 : i32 to index
      %get3A_285 = tpu.vector_load %arg9[%get3A_284] {strides = array<i32>} : memref<10240xf32, #tpu.memory_space<vmem>>, vector<16xf32>,
      %add3A_286 = arith.addf %get3A_283, %get3A_285 : vector<16xf32>
      %swap3A_287 = arith.index_cast %add3A_274 : i32 to index
      %swap3A_288 = tpu.vector_load %arg7[%swap3A_287] {strides = array<i32>} : memref<10240xf32, #tpu.memory_space<vmem>>, vector<16xf32>,
      tpu.vector_store %arg7[%swap3A_287], %add3A_286 {strides = array<i32>} : memref<10240xf32, #tpu.memory_space<vmem>>, vector<16xf32>,
      %mul3A_289 = arith.constant 128 : i32
      %mul3A_290 = arith.muli %while3A_164, %mul3A_289 : i32
      %add3A_291 = arith.constant 112 : i32
      %add3A_292 = arith.addi %mul3A_290, %add3A_291 : i32
      %get3A_293 = arith.index_cast %add3A_292 : i32 to index
      %get3A_294 = tpu.vector_load %arg6[%get3A_293] {strides = array<i32>} : memref<10240xf32, #tpu.memory_space<vmem>>, vector<16xf32>,
      %get3A_295 = arith.index_cast %add3A_292 : i32 to index
      %get3A_296 = tpu.vector_load %arg8[%get3A_295] {strides = array<i32>} : memref<10240xf32, #tpu.memory_space<vmem>>, vector<16xf32>,
      %add3A_297 = arith.addf %get3A_294, %get3A_296 : vector<16xf32>
      %swap3A_298 = arith.index_cast %add3A_292 : i32 to index
      %swap3A_299 = tpu.vector_load %arg6[%swap3A_298] {strides = array<i32>} : memref<10240xf32, #tpu.memory_space<vmem>>, vector<16xf32>,
      tpu.vector_store %arg6[%swap3A_298], %add3A_297 {strides = array<i32>} : memref<10240xf32, #tpu.memory_space<vmem>>, vector<16xf32>,
      %get3A_300 = arith.index_cast %add3A_292 : i32 to index
      %get3A_301 = tpu.vector_load %arg7[%get3A_300] {strides = array<i32>} : memref<10240xf32, #tpu.memory_space<vmem>>, vector<16xf32>,
      %get3A_302 = arith.index_cast %add3A_292 : i32 to index
      %get3A_303 = tpu.vector_load %arg9[%get3A_302] {strides = array<i32>} : memref<10240xf32, #tpu.memory_space<vmem>>, vector<16xf32>,
      %add3A_304 = arith.addf %get3A_301, %get3A_303 : vector<16xf32>
      %swap3A_305 = arith.index_cast %add3A_292 : i32 to index
      %swap3A_306 = tpu.vector_load %arg7[%swap3A_305] {strides = array<i32>} : memref<10240xf32, #tpu.memory_space<vmem>>, vector<16xf32>,
      tpu.vector_store %arg7[%swap3A_305], %add3A_304 {strides = array<i32>} : memref<10240xf32, #tpu.memory_space<vmem>>, vector<16xf32>,
    }
    %while3A_117 = arith.constant 0 : i64
    %while3A_118 = arith.constant 0 : i32
    %while3A_119 = arith.constant 40 : i32
    %while3A_120 = arith.subi %while3A_119, %while3A_118 : i32
    %while3A_121 = arith.addi %while3A_118, %while3A_120 : i32
    %while3A_122 = arith.constant 1 : i32
    %while3A_123 = arith.divsi %while3A_120, %while3A_122 : i32
    %while3A_124 = arith.muli %while3A_123, %while3A_122 : i32
    %while3A_125 = arith.addi %while3A_118, %while3A_124 : i32
    %while3A_126 = arith.constant 1 : i32
    scf.for %while3A_164 = %while3A_118 to %while3A_125 step %while3A_126  : i32 {
      %get3A = arith.index_cast %while3A_164 : i32 to index
      %get3A_165 = arith.constant 0 : index
      %get3A_166 = tpu.vector_load %arg10[%get3A, %get3A_165] {strides = array<i32>} : memref<40x128xi32, #tpu.memory_space<vmem>>, vector<16xi32>,
      %gather3A = tpu.vector_load_idx %arg6[%get3A_166] : memref<10240xf32, #tpu.memory_space<vmem>>[vector<16xi32>], vector<16xf32>,
      %gather3A_167 = tpu.vector_load_idx %arg7[%get3A_166] : memref<10240xf32, #tpu.memory_space<vmem>>[vector<16xi32>], vector<16xf32>,
      %get3A_168 = arith.index_cast %while3A_164 : i32 to index
      %get3A_169 = arith.constant 0 : index
      %get3A_170 = tpu.vector_load %arg11[%get3A_168, %get3A_169] {strides = array<i32>} : memref<40x128xf32, #tpu.memory_space<vmem>>, vector<16xf32>,
      %add3A_171 = arith.constant 1.000000e-16 : f32
      %add3A_172 = vector.broadcast %add3A_171 : f32 to vector<16xf32>
      %add3A_173 = arith.addf %gather3A, %add3A_172 : vector<16xf32>
      %div3A = arith.divf %get3A_170, %add3A_173 : vector<16xf32>
      %add3A_174 = arith.constant 5.000000e-01 : f32
      %add3A_175 = vector.broadcast %add3A_174 : f32 to vector<16xf32>
      %add3A_176 = arith.addf %div3A, %add3A_175 : vector<16xf32>
      %swap3A = arith.index_cast %while3A_164 : i32 to index
      %swap3A_177 = arith.constant 0 : index
      %swap3A_178 = tpu.vector_load %arg11[%swap3A, %swap3A_177] {strides = array<i32>} : memref<40x128xf32, #tpu.memory_space<vmem>>, vector<16xf32>,
      tpu.vector_store %arg11[%swap3A, %swap3A_177], %add3A_176 {strides = array<i32>} : memref<40x128xf32, #tpu.memory_space<vmem>>, vector<16xf32>,
      %get3A_179 = arith.index_cast %while3A_164 : i32 to index
      %get3A_180 = arith.constant 0 : index
      %get3A_181 = tpu.vector_load %arg12[%get3A_179, %get3A_180] {strides = array<i32>} : memref<40x128xf32, #tpu.memory_space<vmem>>, vector<16xf32>,
      %add3A_182 = arith.constant 1.000000e-16 : f32
      %add3A_183 = vector.broadcast %add3A_182 : f32 to vector<16xf32>
      %add3A_184 = arith.addf %gather3A_167, %add3A_183 : vector<16xf32>
      %div3A_185 = arith.divf %get3A_181, %add3A_184 : vector<16xf32>
      %add3A_186 = arith.constant 5.000000e-01 : f32
      %add3A_187 = vector.broadcast %add3A_186 : f32 to vector<16xf32>
      %add3A_188 = arith.addf %div3A_185, %add3A_187 : vector<16xf32>
      %swap3A_189 = arith.index_cast %while3A_164 : i32 to index
      %swap3A_190 = arith.constant 0 : index
      %swap3A_191 = tpu.vector_load %arg12[%swap3A_189, %swap3A_190] {strides = array<i32>} : memref<40x128xf32, #tpu.memory_space<vmem>>, vector<16xf32>,
      tpu.vector_store %arg12[%swap3A_189, %swap3A_190], %add3A_188 {strides = array<i32>} : memref<40x128xf32, #tpu.memory_space<vmem>>, vector<16xf32>,
      %get3A_192 = arith.index_cast %while3A_164 : i32 to index
      %get3A_193 = arith.constant 16 : index
      %get3A_194 = tpu.vector_load %arg10[%get3A_192, %get3A_193] {strides = array<i32>} : memref<40x128xi32, #tpu.memory_space<vmem>>, vector<16xi32>,
      %gather3A_195 = tpu.vector_load_idx %arg6[%get3A_194] : memref<10240xf32, #tpu.memory_space<vmem>>[vector<16xi32>], vector<16xf32>,
      %gather3A_196 = tpu.vector_load_idx %arg7[%get3A_194] : memref<10240xf32, #tpu.memory_space<vmem>>[vector<16xi32>], vector<16xf32>,
      %get3A_197 = arith.index_cast %while3A_164 : i32 to index
      %get3A_198 = arith.constant 16 : index
      %get3A_199 = tpu.vector_load %arg11[%get3A_197, %get3A_198] {strides = array<i32>} : memref<40x128xf32, #tpu.memory_space<vmem>>, vector<16xf32>,
      %add3A_200 = arith.constant 1.000000e-16 : f32
      %add3A_201 = vector.broadcast %add3A_200 : f32 to vector<16xf32>
      %add3A_202 = arith.addf %gather3A_195, %add3A_201 : vector<16xf32>
      %div3A_203 = arith.divf %get3A_199, %add3A_202 : vector<16xf32>
      %add3A_204 = arith.constant 5.000000e-01 : f32
      %add3A_205 = vector.broadcast %add3A_204 : f32 to vector<16xf32>
      %add3A_206 = arith.addf %div3A_203, %add3A_205 : vector<16xf32>
      %swap3A_207 = arith.index_cast %while3A_164 : i32 to index
      %swap3A_208 = arith.constant 16 : index
      %swap3A_209 = tpu.vector_load %arg11[%swap3A_207, %swap3A_208] {strides = array<i32>} : memref<40x128xf32, #tpu.memory_space<vmem>>, vector<16xf32>,
      tpu.vector_store %arg11[%swap3A_207, %swap3A_208], %add3A_206 {strides = array<i32>} : memref<40x128xf32, #tpu.memory_space<vmem>>, vector<16xf32>,
      %get3A_210 = arith.index_cast %while3A_164 : i32 to index
      %get3A_211 = arith.constant 16 : index
      %get3A_212 = tpu.vector_load %arg12[%get3A_210, %get3A_211] {strides = array<i32>} : memref<40x128xf32, #tpu.memory_space<vmem>>, vector<16xf32>,
      %add3A_213 = arith.constant 1.000000e-16 : f32
      %add3A_214 = vector.broadcast %add3A_213 : f32 to vector<16xf32>
      %add3A_215 = arith.addf %gather3A_196, %add3A_214 : vector<16xf32>
      %div3A_216 = arith.divf %get3A_212, %add3A_215 : vector<16xf32>
      %add3A_217 = arith.constant 5.000000e-01 : f32
      %add3A_218 = vector.broadcast %add3A_217 : f32 to vector<16xf32>
      %add3A_219 = arith.addf %div3A_216, %add3A_218 : vector<16xf32>
      %swap3A_220 = arith.index_cast %while3A_164 : i32 to index
      %swap3A_221 = arith.constant 16 : index
      %swap3A_222 = tpu.vector_load %arg12[%swap3A_220, %swap3A_221] {strides = array<i32>} : memref<40x128xf32, #tpu.memory_space<vmem>>, vector<16xf32>,
      tpu.vector_store %arg12[%swap3A_220, %swap3A_221], %add3A_219 {strides = array<i32>} : memref<40x128xf32, #tpu.memory_space<vmem>>, vector<16xf32>,
      %get3A_223 = arith.index_cast %while3A_164 : i32 to index
      %get3A_224 = arith.constant 32 : index
      %get3A_225 = tpu.vector_load %arg10[%get3A_223, %get3A_224] {strides = array<i32>} : memref<40x128xi32, #tpu.memory_space<vmem>>, vector<16xi32>,
      %gather3A_226 = tpu.vector_load_idx %arg6[%get3A_225] : memref<10240xf32, #tpu.memory_space<vmem>>[vector<16xi32>], vector<16xf32>,
      %gather3A_227 = tpu.vector_load_idx %arg7[%get3A_225] : memref<10240xf32, #tpu.memory_space<vmem>>[vector<16xi32>], vector<16xf32>,
      %get3A_228 = arith.index_cast %while3A_164 : i32 to index
      %get3A_229 = arith.constant 32 : index
      %get3A_230 = tpu.vector_load %arg11[%get3A_228, %get3A_229] {strides = array<i32>} : memref<40x128xf32, #tpu.memory_space<vmem>>, vector<16xf32>,
      %add3A_231 = arith.constant 1.000000e-16 : f32
      %add3A_232 = vector.broadcast %add3A_231 : f32 to vector<16xf32>
      %add3A_233 = arith.addf %gather3A_226, %add3A_232 : vector<16xf32>
      %div3A_234 = arith.divf %get3A_230, %add3A_233 : vector<16xf32>
      %add3A_235 = arith.constant 5.000000e-01 : f32
      %add3A_236 = vector.broadcast %add3A_235 : f32 to vector<16xf32>
      %add3A_237 = arith.addf %div3A_234, %add3A_236 : vector<16xf32>
      %swap3A_238 = arith.index_cast %while3A_164 : i32 to index
      %swap3A_239 = arith.constant 32 : index
      %swap3A_240 = tpu.vector_load %arg11[%swap3A_238, %swap3A_239] {strides = array<i32>} : memref<40x128xf32, #tpu.memory_space<vmem>>, vector<16xf32>,
      tpu.vector_store %arg11[%swap3A_238, %swap3A_239], %add3A_237 {strides = array<i32>} : memref<40x128xf32, #tpu.memory_space<vmem>>, vector<16xf32>,
      %get3A_241 = arith.index_cast %while3A_164 : i32 to index
      %get3A_242 = arith.constant 32 : index
      %get3A_243 = tpu.vector_load %arg12[%get3A_241, %get3A_242] {strides = array<i32>} : memref<40x128xf32, #tpu.memory_space<vmem>>, vector<16xf32>,
      %add3A_244 = arith.constant 1.000000e-16 : f32
      %add3A_245 = vector.broadcast %add3A_244 : f32 to vector<16xf32>
      %add3A_246 = arith.addf %gather3A_227, %add3A_245 : vector<16xf32>
      %div3A_247 = arith.divf %get3A_243, %add3A_246 : vector<16xf32>
      %add3A_248 = arith.constant 5.000000e-01 : f32
      %add3A_249 = vector.broadcast %add3A_248 : f32 to vector<16xf32>
      %add3A_250 = arith.addf %div3A_247, %add3A_249 : vector<16xf32>
      %swap3A_251 = arith.index_cast %while3A_164 : i32 to index
      %swap3A_252 = arith.constant 32 : index
      %swap3A_253 = tpu.vector_load %arg12[%swap3A_251, %swap3A_252] {strides = array<i32>} : memref<40x128xf32, #tpu.memory_space<vmem>>, vector<16xf32>,
      tpu.vector_store %arg12[%swap3A_251, %swap3A_252], %add3A_250 {strides = array<i32>} : memref<40x128xf32, #tpu.memory_space<vmem>>, vector<16xf32>,
      %get3A_254 = arith.index_cast %while3A_164 : i32 to index
      %get3A_255 = arith.constant 48 : index
      %get3A_256 = tpu.vector_load %arg10[%get3A_254, %get3A_255] {strides = array<i32>} : memref<40x128xi32, #tpu.memory_space<vmem>>, vector<16xi32>,
      %gather3A_257 = tpu.vector_load_idx %arg6[%get3A_256] : memref<10240xf32, #tpu.memory_space<vmem>>[vector<16xi32>], vector<16xf32>,
      %gather3A_258 = tpu.vector_load_idx %arg7[%get3A_256] : memref<10240xf32, #tpu.memory_space<vmem>>[vector<16xi32>], vector<16xf32>,
      %get3A_259 = arith.index_cast %while3A_164 : i32 to index
      %get3A_260 = arith.constant 48 : index
      %get3A_261 = tpu.vector_load %arg11[%get3A_259, %get3A_260] {strides = array<i32>} : memref<40x128xf32, #tpu.memory_space<vmem>>, vector<16xf32>,
      %add3A_262 = arith.constant 1.000000e-16 : f32
      %add3A_263 = vector.broadcast %add3A_262 : f32 to vector<16xf32>
      %add3A_264 = arith.addf %gather3A_257, %add3A_263 : vector<16xf32>
      %div3A_265 = arith.divf %get3A_261, %add3A_264 : vector<16xf32>
      %add3A_266 = arith.constant 5.000000e-01 : f32
      %add3A_267 = vector.broadcast %add3A_266 : f32 to vector<16xf32>
      %add3A_268 = arith.addf %div3A_265, %add3A_267 : vector<16xf32>
      %swap3A_269 = arith.index_cast %while3A_164 : i32 to index
      %swap3A_270 = arith.constant 48 : index
      %swap3A_271 = tpu.vector_load %arg11[%swap3A_269, %swap3A_270] {strides = array<i32>} : memref<40x128xf32, #tpu.memory_space<vmem>>, vector<16xf32>,
      tpu.vector_store %arg11[%swap3A_269, %swap3A_270], %add3A_268 {strides = array<i32>} : memref<40x128xf32, #tpu.memory_space<vmem>>, vector<16xf32>,
      %get3A_272 = arith.index_cast %while3A_164 : i32 to index
      %get3A_273 = arith.constant 48 : index
      %get3A_274 = tpu.vector_load %arg12[%get3A_272, %get3A_273] {strides = array<i32>} : memref<40x128xf32, #tpu.memory_space<vmem>>, vector<16xf32>,
      %add3A_275 = arith.constant 1.000000e-16 : f32
      %add3A_276 = vector.broadcast %add3A_275 : f32 to vector<16xf32>
      %add3A_277 = arith.addf %gather3A_258, %add3A_276 : vector<16xf32>
      %div3A_278 = arith.divf %get3A_274, %add3A_277 : vector<16xf32>
      %add3A_279 = arith.constant 5.000000e-01 : f32
      %add3A_280 = vector.broadcast %add3A_279 : f32 to vector<16xf32>
      %add3A_281 = arith.addf %div3A_278, %add3A_280 : vector<16xf32>
      %swap3A_282 = arith.index_cast %while3A_164 : i32 to index
      %swap3A_283 = arith.constant 48 : index
      %swap3A_284 = tpu.vector_load %arg12[%swap3A_282, %swap3A_283] {strides = array<i32>} : memref<40x128xf32, #tpu.memory_space<vmem>>, vector<16xf32>,
      tpu.vector_store %arg12[%swap3A_282, %swap3A_283], %add3A_281 {strides = array<i32>} : memref<40x128xf32, #tpu.memory_space<vmem>>, vector<16xf32>,
      %get3A_285 = arith.index_cast %while3A_164 : i32 to index
      %get3A_286 = arith.constant 64 : index
      %get3A_287 = tpu.vector_load %arg10[%get3A_285, %get3A_286] {strides = array<i32>} : memref<40x128xi32, #tpu.memory_space<vmem>>, vector<16xi32>,
      %gather3A_288 = tpu.vector_load_idx %arg6[%get3A_287] : memref<10240xf32, #tpu.memory_space<vmem>>[vector<16xi32>], vector<16xf32>,
      %gather3A_289 = tpu.vector_load_idx %arg7[%get3A_287] : memref<10240xf32, #tpu.memory_space<vmem>>[vector<16xi32>], vector<16xf32>,
      %get3A_290 = arith.index_cast %while3A_164 : i32 to index
      %get3A_291 = arith.constant 64 : index
      %get3A_292 = tpu.vector_load %arg11[%get3A_290, %get3A_291] {strides = array<i32>} : memref<40x128xf32, #tpu.memory_space<vmem>>, vector<16xf32>,
      %add3A_293 = arith.constant 1.000000e-16 : f32
      %add3A_294 = vector.broadcast %add3A_293 : f32 to vector<16xf32>
      %add3A_295 = arith.addf %gather3A_288, %add3A_294 : vector<16xf32>
      %div3A_296 = arith.divf %get3A_292, %add3A_295 : vector<16xf32>
      %add3A_297 = arith.constant 5.000000e-01 : f32
      %add3A_298 = vector.broadcast %add3A_297 : f32 to vector<16xf32>
      %add3A_299 = arith.addf %div3A_296, %add3A_298 : vector<16xf32>
      %swap3A_300 = arith.index_cast %while3A_164 : i32 to index
      %swap3A_301 = arith.constant 64 : index
      %swap3A_302 = tpu.vector_load %arg11[%swap3A_300, %swap3A_301] {strides = array<i32>} : memref<40x128xf32, #tpu.memory_space<vmem>>, vector<16xf32>,
      tpu.vector_store %arg11[%swap3A_300, %swap3A_301], %add3A_299 {strides = array<i32>} : memref<40x128xf32, #tpu.memory_space<vmem>>, vector<16xf32>,
      %get3A_303 = arith.index_cast %while3A_164 : i32 to index
      %get3A_304 = arith.constant 64 : index
      %get3A_305 = tpu.vector_load %arg12[%get3A_303, %get3A_304] {strides = array<i32>} : memref<40x128xf32, #tpu.memory_space<vmem>>, vector<16xf32>,
      %add3A_306 = arith.constant 1.000000e-16 : f32
      %add3A_307 = vector.broadcast %add3A_306 : f32 to vector<16xf32>
      %add3A_308 = arith.addf %gather3A_289, %add3A_307 : vector<16xf32>
      %div3A_309 = arith.divf %get3A_305, %add3A_308 : vector<16xf32>
      %add3A_310 = arith.constant 5.000000e-01 : f32
      %add3A_311 = vector.broadcast %add3A_310 : f32 to vector<16xf32>
      %add3A_312 = arith.addf %div3A_309, %add3A_311 : vector<16xf32>
      %swap3A_313 = arith.index_cast %while3A_164 : i32 to index
      %swap3A_314 = arith.constant 64 : index
      %swap3A_315 = tpu.vector_load %arg12[%swap3A_313, %swap3A_314] {strides = array<i32>} : memref<40x128xf32, #tpu.memory_space<vmem>>, vector<16xf32>,
      tpu.vector_store %arg12[%swap3A_313, %swap3A_314], %add3A_312 {strides = array<i32>} : memref<40x128xf32, #tpu.memory_space<vmem>>, vector<16xf32>,
      %get3A_316 = arith.index_cast %while3A_164 : i32 to index
      %get3A_317 = arith.constant 80 : index
      %get3A_318 = tpu.vector_load %arg10[%get3A_316, %get3A_317] {strides = array<i32>} : memref<40x128xi32, #tpu.memory_space<vmem>>, vector<16xi32>,
      %gather3A_319 = tpu.vector_load_idx %arg6[%get3A_318] : memref<10240xf32, #tpu.memory_space<vmem>>[vector<16xi32>], vector<16xf32>,
      %gather3A_320 = tpu.vector_load_idx %arg7[%get3A_318] : memref<10240xf32, #tpu.memory_space<vmem>>[vector<16xi32>], vector<16xf32>,
      %get3A_321 = arith.index_cast %while3A_164 : i32 to index
      %get3A_322 = arith.constant 80 : index
      %get3A_323 = tpu.vector_load %arg11[%get3A_321, %get3A_322] {strides = array<i32>} : memref<40x128xf32, #tpu.memory_space<vmem>>, vector<16xf32>,
      %add3A_324 = arith.constant 1.000000e-16 : f32
      %add3A_325 = vector.broadcast %add3A_324 : f32 to vector<16xf32>
      %add3A_326 = arith.addf %gather3A_319, %add3A_325 : vector<16xf32>
      %div3A_327 = arith.divf %get3A_323, %add3A_326 : vector<16xf32>
      %add3A_328 = arith.constant 5.000000e-01 : f32
      %add3A_329 = vector.broadcast %add3A_328 : f32 to vector<16xf32>
      %add3A_330 = arith.addf %div3A_327, %add3A_329 : vector<16xf32>
      %swap3A_331 = arith.index_cast %while3A_164 : i32 to index
      %swap3A_332 = arith.constant 80 : index
      %swap3A_333 = tpu.vector_load %arg11[%swap3A_331, %swap3A_332] {strides = array<i32>} : memref<40x128xf32, #tpu.memory_space<vmem>>, vector<16xf32>,
      tpu.vector_store %arg11[%swap3A_331, %swap3A_332], %add3A_330 {strides = array<i32>} : memref<40x128xf32, #tpu.memory_space<vmem>>, vector<16xf32>,
      %get3A_334 = arith.index_cast %while3A_164 : i32 to index
      %get3A_335 = arith.constant 80 : index
      %get3A_336 = tpu.vector_load %arg12[%get3A_334, %get3A_335] {strides = array<i32>} : memref<40x128xf32, #tpu.memory_space<vmem>>, vector<16xf32>,
      %add3A_337 = arith.constant 1.000000e-16 : f32
      %add3A_338 = vector.broadcast %add3A_337 : f32 to vector<16xf32>
      %add3A_339 = arith.addf %gather3A_320, %add3A_338 : vector<16xf32>
      %div3A_340 = arith.divf %get3A_336, %add3A_339 : vector<16xf32>
      %add3A_341 = arith.constant 5.000000e-01 : f32
      %add3A_342 = vector.broadcast %add3A_341 : f32 to vector<16xf32>
      %add3A_343 = arith.addf %div3A_340, %add3A_342 : vector<16xf32>
      %swap3A_344 = arith.index_cast %while3A_164 : i32 to index
      %swap3A_345 = arith.constant 80 : index
      %swap3A_346 = tpu.vector_load %arg12[%swap3A_344, %swap3A_345] {strides = array<i32>} : memref<40x128xf32, #tpu.memory_space<vmem>>, vector<16xf32>,
      tpu.vector_store %arg12[%swap3A_344, %swap3A_345], %add3A_343 {strides = array<i32>} : memref<40x128xf32, #tpu.memory_space<vmem>>, vector<16xf32>,
      %get3A_347 = arith.index_cast %while3A_164 : i32 to index
      %get3A_348 = arith.constant 96 : index
      %get3A_349 = tpu.vector_load %arg10[%get3A_347, %get3A_348] {strides = array<i32>} : memref<40x128xi32, #tpu.memory_space<vmem>>, vector<16xi32>,
      %gather3A_350 = tpu.vector_load_idx %arg6[%get3A_349] : memref<10240xf32, #tpu.memory_space<vmem>>[vector<16xi32>], vector<16xf32>,
      %gather3A_351 = tpu.vector_load_idx %arg7[%get3A_349] : memref<10240xf32, #tpu.memory_space<vmem>>[vector<16xi32>], vector<16xf32>,
      %get3A_352 = arith.index_cast %while3A_164 : i32 to index
      %get3A_353 = arith.constant 96 : index
      %get3A_354 = tpu.vector_load %arg11[%get3A_352, %get3A_353] {strides = array<i32>} : memref<40x128xf32, #tpu.memory_space<vmem>>, vector<16xf32>,
      %add3A_355 = arith.constant 1.000000e-16 : f32
      %add3A_356 = vector.broadcast %add3A_355 : f32 to vector<16xf32>
      %add3A_357 = arith.addf %gather3A_350, %add3A_356 : vector<16xf32>
      %div3A_358 = arith.divf %get3A_354, %add3A_357 : vector<16xf32>
      %add3A_359 = arith.constant 5.000000e-01 : f32
      %add3A_360 = vector.broadcast %add3A_359 : f32 to vector<16xf32>
      %add3A_361 = arith.addf %div3A_358, %add3A_360 : vector<16xf32>
      %swap3A_362 = arith.index_cast %while3A_164 : i32 to index
      %swap3A_363 = arith.constant 96 : index
      %swap3A_364 = tpu.vector_load %arg11[%swap3A_362, %swap3A_363] {strides = array<i32>} : memref<40x128xf32, #tpu.memory_space<vmem>>, vector<16xf32>,
      tpu.vector_store %arg11[%swap3A_362, %swap3A_363], %add3A_361 {strides = array<i32>} : memref<40x128xf32, #tpu.memory_space<vmem>>, vector<16xf32>,
      %get3A_365 = arith.index_cast %while3A_164 : i32 to index
      %get3A_366 = arith.constant 96 : index
      %get3A_367 = tpu.vector_load %arg12[%get3A_365, %get3A_366] {strides = array<i32>} : memref<40x128xf32, #tpu.memory_space<vmem>>, vector<16xf32>,
      %add3A_368 = arith.constant 1.000000e-16 : f32
      %add3A_369 = vector.broadcast %add3A_368 : f32 to vector<16xf32>
      %add3A_370 = arith.addf %gather3A_351, %add3A_369 : vector<16xf32>
      %div3A_371 = arith.divf %get3A_367, %add3A_370 : vector<16xf32>
      %add3A_372 = arith.constant 5.000000e-01 : f32
      %add3A_373 = vector.broadcast %add3A_372 : f32 to vector<16xf32>
      %add3A_374 = arith.addf %div3A_371, %add3A_373 : vector<16xf32>
      %swap3A_375 = arith.index_cast %while3A_164 : i32 to index
      %swap3A_376 = arith.constant 96 : index
      %swap3A_377 = tpu.vector_load %arg12[%swap3A_375, %swap3A_376] {strides = array<i32>} : memref<40x128xf32, #tpu.memory_space<vmem>>, vector<16xf32>,
      tpu.vector_store %arg12[%swap3A_375, %swap3A_376], %add3A_374 {strides = array<i32>} : memref<40x128xf32, #tpu.memory_space<vmem>>, vector<16xf32>,
      %get3A_378 = arith.index_cast %while3A_164 : i32 to index
      %get3A_379 = arith.constant 112 : index
      %get3A_380 = tpu.vector_load %arg10[%get3A_378, %get3A_379] {strides = array<i32>} : memref<40x128xi32, #tpu.memory_space<vmem>>, vector<16xi32>,
      %gather3A_381 = tpu.vector_load_idx %arg6[%get3A_380] : memref<10240xf32, #tpu.memory_space<vmem>>[vector<16xi32>], vector<16xf32>,
      %gather3A_382 = tpu.vector_load_idx %arg7[%get3A_380] : memref<10240xf32, #tpu.memory_space<vmem>>[vector<16xi32>], vector<16xf32>,
      %get3A_383 = arith.index_cast %while3A_164 : i32 to index
      %get3A_384 = arith.constant 112 : index
      %get3A_385 = tpu.vector_load %arg11[%get3A_383, %get3A_384] {strides = array<i32>} : memref<40x128xf32, #tpu.memory_space<vmem>>, vector<16xf32>,
      %add3A_386 = arith.constant 1.000000e-16 : f32
      %add3A_387 = vector.broadcast %add3A_386 : f32 to vector<16xf32>
      %add3A_388 = arith.addf %gather3A_381, %add3A_387 : vector<16xf32>
      %div3A_389 = arith.divf %get3A_385, %add3A_388 : vector<16xf32>
      %add3A_390 = arith.constant 5.000000e-01 : f32
      %add3A_391 = vector.broadcast %add3A_390 : f32 to vector<16xf32>
      %add3A_392 = arith.addf %div3A_389, %add3A_391 : vector<16xf32>
      %swap3A_393 = arith.index_cast %while3A_164 : i32 to index
      %swap3A_394 = arith.constant 112 : index
      %swap3A_395 = tpu.vector_load %arg11[%swap3A_393, %swap3A_394] {strides = array<i32>} : memref<40x128xf32, #tpu.memory_space<vmem>>, vector<16xf32>,
      tpu.vector_store %arg11[%swap3A_393, %swap3A_394], %add3A_392 {strides = array<i32>} : memref<40x128xf32, #tpu.memory_space<vmem>>, vector<16xf32>,
      %get3A_396 = arith.index_cast %while3A_164 : i32 to index
      %get3A_397 = arith.constant 112 : index
      %get3A_398 = tpu.vector_load %arg12[%get3A_396, %get3A_397] {strides = array<i32>} : memref<40x128xf32, #tpu.memory_space<vmem>>, vector<16xf32>,
      %add3A_399 = arith.constant 1.000000e-16 : f32
      %add3A_400 = vector.broadcast %add3A_399 : f32 to vector<16xf32>
      %add3A_401 = arith.addf %gather3A_382, %add3A_400 : vector<16xf32>
      %div3A_402 = arith.divf %get3A_398, %add3A_401 : vector<16xf32>
      %add3A_403 = arith.constant 5.000000e-01 : f32
      %add3A_404 = vector.broadcast %add3A_403 : f32 to vector<16xf32>
      %add3A_405 = arith.addf %div3A_402, %add3A_404 : vector<16xf32>
      %swap3A_406 = arith.index_cast %while3A_164 : i32 to index
      %swap3A_407 = arith.constant 112 : index
      %swap3A_408 = tpu.vector_load %arg12[%swap3A_406, %swap3A_407] {strides = array<i32>} : memref<40x128xf32, #tpu.memory_space<vmem>>, vector<16xf32>,
      tpu.vector_store %arg12[%swap3A_406, %swap3A_407], %add3A_405 {strides = array<i32>} : memref<40x128xf32, #tpu.memory_space<vmem>>, vector<16xf32>,
    }
    %while3A_127 = arith.constant 1 : i32
    scf.for %while3A_164 = %while3A_125 to %while3A_121 step %while3A_127  : i32 {
      %get3A = arith.index_cast %while3A_164 : i32 to index
      %get3A_165 = arith.constant 0 : index
      %get3A_166 = tpu.vector_load %arg10[%get3A, %get3A_165] {strides = array<i32>} : memref<40x128xi32, #tpu.memory_space<vmem>>, vector<16xi32>,
      %gather3A = tpu.vector_load_idx %arg6[%get3A_166] : memref<10240xf32, #tpu.memory_space<vmem>>[vector<16xi32>], vector<16xf32>,
      %gather3A_167 = tpu.vector_load_idx %arg7[%get3A_166] : memref<10240xf32, #tpu.memory_space<vmem>>[vector<16xi32>], vector<16xf32>,
      %get3A_168 = arith.index_cast %while3A_164 : i32 to index
      %get3A_169 = arith.constant 0 : index
      %get3A_170 = tpu.vector_load %arg11[%get3A_168, %get3A_169] {strides = array<i32>} : memref<40x128xf32, #tpu.memory_space<vmem>>, vector<16xf32>,
      %add3A_171 = arith.constant 1.000000e-16 : f32
      %add3A_172 = vector.broadcast %add3A_171 : f32 to vector<16xf32>
      %add3A_173 = arith.addf %gather3A, %add3A_172 : vector<16xf32>
      %div3A = arith.divf %get3A_170, %add3A_173 : vector<16xf32>
      %add3A_174 = arith.constant 5.000000e-01 : f32
      %add3A_175 = vector.broadcast %add3A_174 : f32 to vector<16xf32>
      %add3A_176 = arith.addf %div3A, %add3A_175 : vector<16xf32>
      %swap3A = arith.index_cast %while3A_164 : i32 to index
      %swap3A_177 = arith.constant 0 : index
      %swap3A_178 = tpu.vector_load %arg11[%swap3A, %swap3A_177] {strides = array<i32>} : memref<40x128xf32, #tpu.memory_space<vmem>>, vector<16xf32>,
      tpu.vector_store %arg11[%swap3A, %swap3A_177], %add3A_176 {strides = array<i32>} : memref<40x128xf32, #tpu.memory_space<vmem>>, vector<16xf32>,
      %get3A_179 = arith.index_cast %while3A_164 : i32 to index
      %get3A_180 = arith.constant 0 : index
      %get3A_181 = tpu.vector_load %arg12[%get3A_179, %get3A_180] {strides = array<i32>} : memref<40x128xf32, #tpu.memory_space<vmem>>, vector<16xf32>,
      %add3A_182 = arith.constant 1.000000e-16 : f32
      %add3A_183 = vector.broadcast %add3A_182 : f32 to vector<16xf32>
      %add3A_184 = arith.addf %gather3A_167, %add3A_183 : vector<16xf32>
      %div3A_185 = arith.divf %get3A_181, %add3A_184 : vector<16xf32>
      %add3A_186 = arith.constant 5.000000e-01 : f32
      %add3A_187 = vector.broadcast %add3A_186 : f32 to vector<16xf32>
      %add3A_188 = arith.addf %div3A_185, %add3A_187 : vector<16xf32>
      %swap3A_189 = arith.index_cast %while3A_164 : i32 to index
      %swap3A_190 = arith.constant 0 : index
      %swap3A_191 = tpu.vector_load %arg12[%swap3A_189, %swap3A_190] {strides = array<i32>} : memref<40x128xf32, #tpu.memory_space<vmem>>, vector<16xf32>,
      tpu.vector_store %arg12[%swap3A_189, %swap3A_190], %add3A_188 {strides = array<i32>} : memref<40x128xf32, #tpu.memory_space<vmem>>, vector<16xf32>,
      %get3A_192 = arith.index_cast %while3A_164 : i32 to index
      %get3A_193 = arith.constant 16 : index
      %get3A_194 = tpu.vector_load %arg10[%get3A_192, %get3A_193] {strides = array<i32>} : memref<40x128xi32, #tpu.memory_space<vmem>>, vector<16xi32>,
      %gather3A_195 = tpu.vector_load_idx %arg6[%get3A_194] : memref<10240xf32, #tpu.memory_space<vmem>>[vector<16xi32>], vector<16xf32>,
      %gather3A_196 = tpu.vector_load_idx %arg7[%get3A_194] : memref<10240xf32, #tpu.memory_space<vmem>>[vector<16xi32>], vector<16xf32>,
      %get3A_197 = arith.index_cast %while3A_164 : i32 to index
      %get3A_198 = arith.constant 16 : index
      %get3A_199 = tpu.vector_load %arg11[%get3A_197, %get3A_198] {strides = array<i32>} : memref<40x128xf32, #tpu.memory_space<vmem>>, vector<16xf32>,
      %add3A_200 = arith.constant 1.000000e-16 : f32
      %add3A_201 = vector.broadcast %add3A_200 : f32 to vector<16xf32>
      %add3A_202 = arith.addf %gather3A_195, %add3A_201 : vector<16xf32>
      %div3A_203 = arith.divf %get3A_199, %add3A_202 : vector<16xf32>
      %add3A_204 = arith.constant 5.000000e-01 : f32
      %add3A_205 = vector.broadcast %add3A_204 : f32 to vector<16xf32>
      %add3A_206 = arith.addf %div3A_203, %add3A_205 : vector<16xf32>
      %swap3A_207 = arith.index_cast %while3A_164 : i32 to index
      %swap3A_208 = arith.constant 16 : index
      %swap3A_209 = tpu.vector_load %arg11[%swap3A_207, %swap3A_208] {strides = array<i32>} : memref<40x128xf32, #tpu.memory_space<vmem>>, vector<16xf32>,
      tpu.vector_store %arg11[%swap3A_207, %swap3A_208], %add3A_206 {strides = array<i32>} : memref<40x128xf32, #tpu.memory_space<vmem>>, vector<16xf32>,
      %get3A_210 = arith.index_cast %while3A_164 : i32 to index
      %get3A_211 = arith.constant 16 : index
      %get3A_212 = tpu.vector_load %arg12[%get3A_210, %get3A_211] {strides = array<i32>} : memref<40x128xf32, #tpu.memory_space<vmem>>, vector<16xf32>,
      %add3A_213 = arith.constant 1.000000e-16 : f32
      %add3A_214 = vector.broadcast %add3A_213 : f32 to vector<16xf32>
      %add3A_215 = arith.addf %gather3A_196, %add3A_214 : vector<16xf32>
      %div3A_216 = arith.divf %get3A_212, %add3A_215 : vector<16xf32>
      %add3A_217 = arith.constant 5.000000e-01 : f32
      %add3A_218 = vector.broadcast %add3A_217 : f32 to vector<16xf32>
      %add3A_219 = arith.addf %div3A_216, %add3A_218 : vector<16xf32>
      %swap3A_220 = arith.index_cast %while3A_164 : i32 to index
      %swap3A_221 = arith.constant 16 : index
      %swap3A_222 = tpu.vector_load %arg12[%swap3A_220, %swap3A_221] {strides = array<i32>} : memref<40x128xf32, #tpu.memory_space<vmem>>, vector<16xf32>,
      tpu.vector_store %arg12[%swap3A_220, %swap3A_221], %add3A_219 {strides = array<i32>} : memref<40x128xf32, #tpu.memory_space<vmem>>, vector<16xf32>,
      %get3A_223 = arith.index_cast %while3A_164 : i32 to index
      %get3A_224 = arith.constant 32 : index
      %get3A_225 = tpu.vector_load %arg10[%get3A_223, %get3A_224] {strides = array<i32>} : memref<40x128xi32, #tpu.memory_space<vmem>>, vector<16xi32>,
      %gather3A_226 = tpu.vector_load_idx %arg6[%get3A_225] : memref<10240xf32, #tpu.memory_space<vmem>>[vector<16xi32>], vector<16xf32>,
      %gather3A_227 = tpu.vector_load_idx %arg7[%get3A_225] : memref<10240xf32, #tpu.memory_space<vmem>>[vector<16xi32>], vector<16xf32>,
      %get3A_228 = arith.index_cast %while3A_164 : i32 to index
      %get3A_229 = arith.constant 32 : index
      %get3A_230 = tpu.vector_load %arg11[%get3A_228, %get3A_229] {strides = array<i32>} : memref<40x128xf32, #tpu.memory_space<vmem>>, vector<16xf32>,
      %add3A_231 = arith.constant 1.000000e-16 : f32
      %add3A_232 = vector.broadcast %add3A_231 : f32 to vector<16xf32>
      %add3A_233 = arith.addf %gather3A_226, %add3A_232 : vector<16xf32>
      %div3A_234 = arith.divf %get3A_230, %add3A_233 : vector<16xf32>
      %add3A_235 = arith.constant 5.000000e-01 : f32
      %add3A_236 = vector.broadcast %add3A_235 : f32 to vector<16xf32>
      %add3A_237 = arith.addf %div3A_234, %add3A_236 : vector<16xf32>
      %swap3A_238 = arith.index_cast %while3A_164 : i32 to index
      %swap3A_239 = arith.constant 32 : index
      %swap3A_240 = tpu.vector_load %arg11[%swap3A_238, %swap3A_239] {strides = array<i32>} : memref<40x128xf32, #tpu.memory_space<vmem>>, vector<16xf32>,
      tpu.vector_store %arg11[%swap3A_238, %swap3A_239], %add3A_237 {strides = array<i32>} : memref<40x128xf32, #tpu.memory_space<vmem>>, vector<16xf32>,
      %get3A_241 = arith.index_cast %while3A_164 : i32 to index
      %get3A_242 = arith.constant 32 : index
      %get3A_243 = tpu.vector_load %arg12[%get3A_241, %get3A_242] {strides = array<i32>} : memref<40x128xf32, #tpu.memory_space<vmem>>, vector<16xf32>,
      %add3A_244 = arith.constant 1.000000e-16 : f32
      %add3A_245 = vector.broadcast %add3A_244 : f32 to vector<16xf32>
      %add3A_246 = arith.addf %gather3A_227, %add3A_245 : vector<16xf32>
      %div3A_247 = arith.divf %get3A_243, %add3A_246 : vector<16xf32>
      %add3A_248 = arith.constant 5.000000e-01 : f32
      %add3A_249 = vector.broadcast %add3A_248 : f32 to vector<16xf32>
      %add3A_250 = arith.addf %div3A_247, %add3A_249 : vector<16xf32>
      %swap3A_251 = arith.index_cast %while3A_164 : i32 to index
      %swap3A_252 = arith.constant 32 : index
      %swap3A_253 = tpu.vector_load %arg12[%swap3A_251, %swap3A_252] {strides = array<i32>} : memref<40x128xf32, #tpu.memory_space<vmem>>, vector<16xf32>,
      tpu.vector_store %arg12[%swap3A_251, %swap3A_252], %add3A_250 {strides = array<i32>} : memref<40x128xf32, #tpu.memory_space<vmem>>, vector<16xf32>,
      %get3A_254 = arith.index_cast %while3A_164 : i32 to index
      %get3A_255 = arith.constant 48 : index
      %get3A_256 = tpu.vector_load %arg10[%get3A_254, %get3A_255] {strides = array<i32>} : memref<40x128xi32, #tpu.memory_space<vmem>>, vector<16xi32>,
      %gather3A_257 = tpu.vector_load_idx %arg6[%get3A_256] : memref<10240xf32, #tpu.memory_space<vmem>>[vector<16xi32>], vector<16xf32>,
      %gather3A_258 = tpu.vector_load_idx %arg7[%get3A_256] : memref<10240xf32, #tpu.memory_space<vmem>>[vector<16xi32>], vector<16xf32>,
      %get3A_259 = arith.index_cast %while3A_164 : i32 to index
      %get3A_260 = arith.constant 48 : index
      %get3A_261 = tpu.vector_load %arg11[%get3A_259, %get3A_260] {strides = array<i32>} : memref<40x128xf32, #tpu.memory_space<vmem>>, vector<16xf32>,
      %add3A_262 = arith.constant 1.000000e-16 : f32
      %add3A_263 = vector.broadcast %add3A_262 : f32 to vector<16xf32>
      %add3A_264 = arith.addf %gather3A_257, %add3A_263 : vector<16xf32>
      %div3A_265 = arith.divf %get3A_261, %add3A_264 : vector<16xf32>
      %add3A_266 = arith.constant 5.000000e-01 : f32
      %add3A_267 = vector.broadcast %add3A_266 : f32 to vector<16xf32>
      %add3A_268 = arith.addf %div3A_265, %add3A_267 : vector<16xf32>
      %swap3A_269 = arith.index_cast %while3A_164 : i32 to index
      %swap3A_270 = arith.constant 48 : index
      %swap3A_271 = tpu.vector_load %arg11[%swap3A_269, %swap3A_270] {strides = array<i32>} : memref<40x128xf32, #tpu.memory_space<vmem>>, vector<16xf32>,
      tpu.vector_store %arg11[%swap3A_269, %swap3A_270], %add3A_268 {strides = array<i32>} : memref<40x128xf32, #tpu.memory_space<vmem>>, vector<16xf32>,
      %get3A_272 = arith.index_cast %while3A_164 : i32 to index
      %get3A_273 = arith.constant 48 : index
      %get3A_274 = tpu.vector_load %arg12[%get3A_272, %get3A_273] {strides = array<i32>} : memref<40x128xf32, #tpu.memory_space<vmem>>, vector<16xf32>,
      %add3A_275 = arith.constant 1.000000e-16 : f32
      %add3A_276 = vector.broadcast %add3A_275 : f32 to vector<16xf32>
      %add3A_277 = arith.addf %gather3A_258, %add3A_276 : vector<16xf32>
      %div3A_278 = arith.divf %get3A_274, %add3A_277 : vector<16xf32>
      %add3A_279 = arith.constant 5.000000e-01 : f32
      %add3A_280 = vector.broadcast %add3A_279 : f32 to vector<16xf32>
      %add3A_281 = arith.addf %div3A_278, %add3A_280 : vector<16xf32>
      %swap3A_282 = arith.index_cast %while3A_164 : i32 to index
      %swap3A_283 = arith.constant 48 : index
      %swap3A_284 = tpu.vector_load %arg12[%swap3A_282, %swap3A_283] {strides = array<i32>} : memref<40x128xf32, #tpu.memory_space<vmem>>, vector<16xf32>,
      tpu.vector_store %arg12[%swap3A_282, %swap3A_283], %add3A_281 {strides = array<i32>} : memref<40x128xf32, #tpu.memory_space<vmem>>, vector<16xf32>,
      %get3A_285 = arith.index_cast %while3A_164 : i32 to index
      %get3A_286 = arith.constant 64 : index
      %get3A_287 = tpu.vector_load %arg10[%get3A_285, %get3A_286] {strides = array<i32>} : memref<40x128xi32, #tpu.memory_space<vmem>>, vector<16xi32>,
      %gather3A_288 = tpu.vector_load_idx %arg6[%get3A_287] : memref<10240xf32, #tpu.memory_space<vmem>>[vector<16xi32>], vector<16xf32>,
      %gather3A_289 = tpu.vector_load_idx %arg7[%get3A_287] : memref<10240xf32, #tpu.memory_space<vmem>>[vector<16xi32>], vector<16xf32>,
      %get3A_290 = arith.index_cast %while3A_164 : i32 to index
      %get3A_291 = arith.constant 64 : index
      %get3A_292 = tpu.vector_load %arg11[%get3A_290, %get3A_291] {strides = array<i32>} : memref<40x128xf32, #tpu.memory_space<vmem>>, vector<16xf32>,
      %add3A_293 = arith.constant 1.000000e-16 : f32
      %add3A_294 = vector.broadcast %add3A_293 : f32 to vector<16xf32>
      %add3A_295 = arith.addf %gather3A_288, %add3A_294 : vector<16xf32>
      %div3A_296 = arith.divf %get3A_292, %add3A_295 : vector<16xf32>
      %add3A_297 = arith.constant 5.000000e-01 : f32
      %add3A_298 = vector.broadcast %add3A_297 : f32 to vector<16xf32>
      %add3A_299 = arith.addf %div3A_296, %add3A_298 : vector<16xf32>
      %swap3A_300 = arith.index_cast %while3A_164 : i32 to index
      %swap3A_301 = arith.constant 64 : index
      %swap3A_302 = tpu.vector_load %arg11[%swap3A_300, %swap3A_301] {strides = array<i32>} : memref<40x128xf32, #tpu.memory_space<vmem>>, vector<16xf32>,
      tpu.vector_store %arg11[%swap3A_300, %swap3A_301], %add3A_299 {strides = array<i32>} : memref<40x128xf32, #tpu.memory_space<vmem>>, vector<16xf32>,
      %get3A_303 = arith.index_cast %while3A_164 : i32 to index
      %get3A_304 = arith.constant 64 : index
      %get3A_305 = tpu.vector_load %arg12[%get3A_303, %get3A_304] {strides = array<i32>} : memref<40x128xf32, #tpu.memory_space<vmem>>, vector<16xf32>,
      %add3A_306 = arith.constant 1.000000e-16 : f32
      %add3A_307 = vector.broadcast %add3A_306 : f32 to vector<16xf32>
      %add3A_308 = arith.addf %gather3A_289, %add3A_307 : vector<16xf32>
      %div3A_309 = arith.divf %get3A_305, %add3A_308 : vector<16xf32>
      %add3A_310 = arith.constant 5.000000e-01 : f32
      %add3A_311 = vector.broadcast %add3A_310 : f32 to vector<16xf32>
      %add3A_312 = arith.addf %div3A_309, %add3A_311 : vector<16xf32>
      %swap3A_313 = arith.index_cast %while3A_164 : i32 to index
      %swap3A_314 = arith.constant 64 : index
      %swap3A_315 = tpu.vector_load %arg12[%swap3A_313, %swap3A_314] {strides = array<i32>} : memref<40x128xf32, #tpu.memory_space<vmem>>, vector<16xf32>,
      tpu.vector_store %arg12[%swap3A_313, %swap3A_314], %add3A_312 {strides = array<i32>} : memref<40x128xf32, #tpu.memory_space<vmem>>, vector<16xf32>,
      %get3A_316 = arith.index_cast %while3A_164 : i32 to index
      %get3A_317 = arith.constant 80 : index
      %get3A_318 = tpu.vector_load %arg10[%get3A_316, %get3A_317] {strides = array<i32>} : memref<40x128xi32, #tpu.memory_space<vmem>>, vector<16xi32>,
      %gather3A_319 = tpu.vector_load_idx %arg6[%get3A_318] : memref<10240xf32, #tpu.memory_space<vmem>>[vector<16xi32>], vector<16xf32>,
      %gather3A_320 = tpu.vector_load_idx %arg7[%get3A_318] : memref<10240xf32, #tpu.memory_space<vmem>>[vector<16xi32>], vector<16xf32>,
      %get3A_321 = arith.index_cast %while3A_164 : i32 to index
      %get3A_322 = arith.constant 80 : index
      %get3A_323 = tpu.vector_load %arg11[%get3A_321, %get3A_322] {strides = array<i32>} : memref<40x128xf32, #tpu.memory_space<vmem>>, vector<16xf32>,
      %add3A_324 = arith.constant 1.000000e-16 : f32
      %add3A_325 = vector.broadcast %add3A_324 : f32 to vector<16xf32>
      %add3A_326 = arith.addf %gather3A_319, %add3A_325 : vector<16xf32>
      %div3A_327 = arith.divf %get3A_323, %add3A_326 : vector<16xf32>
      %add3A_328 = arith.constant 5.000000e-01 : f32
      %add3A_329 = vector.broadcast %add3A_328 : f32 to vector<16xf32>
      %add3A_330 = arith.addf %div3A_327, %add3A_329 : vector<16xf32>
      %swap3A_331 = arith.index_cast %while3A_164 : i32 to index
      %swap3A_332 = arith.constant 80 : index
      %swap3A_333 = tpu.vector_load %arg11[%swap3A_331, %swap3A_332] {strides = array<i32>} : memref<40x128xf32, #tpu.memory_space<vmem>>, vector<16xf32>,
      tpu.vector_store %arg11[%swap3A_331, %swap3A_332], %add3A_330 {strides = array<i32>} : memref<40x128xf32, #tpu.memory_space<vmem>>, vector<16xf32>,
      %get3A_334 = arith.index_cast %while3A_164 : i32 to index
      %get3A_335 = arith.constant 80 : index
      %get3A_336 = tpu.vector_load %arg12[%get3A_334, %get3A_335] {strides = array<i32>} : memref<40x128xf32, #tpu.memory_space<vmem>>, vector<16xf32>,
      %add3A_337 = arith.constant 1.000000e-16 : f32
      %add3A_338 = vector.broadcast %add3A_337 : f32 to vector<16xf32>
      %add3A_339 = arith.addf %gather3A_320, %add3A_338 : vector<16xf32>
      %div3A_340 = arith.divf %get3A_336, %add3A_339 : vector<16xf32>
      %add3A_341 = arith.constant 5.000000e-01 : f32
      %add3A_342 = vector.broadcast %add3A_341 : f32 to vector<16xf32>
      %add3A_343 = arith.addf %div3A_340, %add3A_342 : vector<16xf32>
      %swap3A_344 = arith.index_cast %while3A_164 : i32 to index
      %swap3A_345 = arith.constant 80 : index
      %swap3A_346 = tpu.vector_load %arg12[%swap3A_344, %swap3A_345] {strides = array<i32>} : memref<40x128xf32, #tpu.memory_space<vmem>>, vector<16xf32>,
      tpu.vector_store %arg12[%swap3A_344, %swap3A_345], %add3A_343 {strides = array<i32>} : memref<40x128xf32, #tpu.memory_space<vmem>>, vector<16xf32>,
      %get3A_347 = arith.index_cast %while3A_164 : i32 to index
      %get3A_348 = arith.constant 96 : index
      %get3A_349 = tpu.vector_load %arg10[%get3A_347, %get3A_348] {strides = array<i32>} : memref<40x128xi32, #tpu.memory_space<vmem>>, vector<16xi32>,
      %gather3A_350 = tpu.vector_load_idx %arg6[%get3A_349] : memref<10240xf32, #tpu.memory_space<vmem>>[vector<16xi32>], vector<16xf32>,
      %gather3A_351 = tpu.vector_load_idx %arg7[%get3A_349] : memref<10240xf32, #tpu.memory_space<vmem>>[vector<16xi32>], vector<16xf32>,
      %get3A_352 = arith.index_cast %while3A_164 : i32 to index
      %get3A_353 = arith.constant 96 : index
      %get3A_354 = tpu.vector_load %arg11[%get3A_352, %get3A_353] {strides = array<i32>} : memref<40x128xf32, #tpu.memory_space<vmem>>, vector<16xf32>,
      %add3A_355 = arith.constant 1.000000e-16 : f32
      %add3A_356 = vector.broadcast %add3A_355 : f32 to vector<16xf32>
      %add3A_357 = arith.addf %gather3A_350, %add3A_356 : vector<16xf32>
      %div3A_358 = arith.divf %get3A_354, %add3A_357 : vector<16xf32>
      %add3A_359 = arith.constant 5.000000e-01 : f32
      %add3A_360 = vector.broadcast %add3A_359 : f32 to vector<16xf32>
      %add3A_361 = arith.addf %div3A_358, %add3A_360 : vector<16xf32>
      %swap3A_362 = arith.index_cast %while3A_164 : i32 to index
      %swap3A_363 = arith.constant 96 : index
      %swap3A_364 = tpu.vector_load %arg11[%swap3A_362, %swap3A_363] {strides = array<i32>} : memref<40x128xf32, #tpu.memory_space<vmem>>, vector<16xf32>,
      tpu.vector_store %arg11[%swap3A_362, %swap3A_363], %add3A_361 {strides = array<i32>} : memref<40x128xf32, #tpu.memory_space<vmem>>, vector<16xf32>,
      %get3A_365 = arith.index_cast %while3A_164 : i32 to index
      %get3A_366 = arith.constant 96 : index
      %get3A_367 = tpu.vector_load %arg12[%get3A_365, %get3A_366] {strides = array<i32>} : memref<40x128xf32, #tpu.memory_space<vmem>>, vector<16xf32>,
      %add3A_368 = arith.constant 1.000000e-16 : f32
      %add3A_369 = vector.broadcast %add3A_368 : f32 to vector<16xf32>
      %add3A_370 = arith.addf %gather3A_351, %add3A_369 : vector<16xf32>
      %div3A_371 = arith.divf %get3A_367, %add3A_370 : vector<16xf32>
      %add3A_372 = arith.constant 5.000000e-01 : f32
      %add3A_373 = vector.broadcast %add3A_372 : f32 to vector<16xf32>
      %add3A_374 = arith.addf %div3A_371, %add3A_373 : vector<16xf32>
      %swap3A_375 = arith.index_cast %while3A_164 : i32 to index
      %swap3A_376 = arith.constant 96 : index
      %swap3A_377 = tpu.vector_load %arg12[%swap3A_375, %swap3A_376] {strides = array<i32>} : memref<40x128xf32, #tpu.memory_space<vmem>>, vector<16xf32>,
      tpu.vector_store %arg12[%swap3A_375, %swap3A_376], %add3A_374 {strides = array<i32>} : memref<40x128xf32, #tpu.memory_space<vmem>>, vector<16xf32>,
      %get3A_378 = arith.index_cast %while3A_164 : i32 to index
      %get3A_379 = arith.constant 112 : index
      %get3A_380 = tpu.vector_load %arg10[%get3A_378, %get3A_379] {strides = array<i32>} : memref<40x128xi32, #tpu.memory_space<vmem>>, vector<16xi32>,
      %gather3A_381 = tpu.vector_load_idx %arg6[%get3A_380] : memref<10240xf32, #tpu.memory_space<vmem>>[vector<16xi32>], vector<16xf32>,
      %gather3A_382 = tpu.vector_load_idx %arg7[%get3A_380] : memref<10240xf32, #tpu.memory_space<vmem>>[vector<16xi32>], vector<16xf32>,
      %get3A_383 = arith.index_cast %while3A_164 : i32 to index
      %get3A_384 = arith.constant 112 : index
      %get3A_385 = tpu.vector_load %arg11[%get3A_383, %get3A_384] {strides = array<i32>} : memref<40x128xf32, #tpu.memory_space<vmem>>, vector<16xf32>,
      %add3A_386 = arith.constant 1.000000e-16 : f32
      %add3A_387 = vector.broadcast %add3A_386 : f32 to vector<16xf32>
      %add3A_388 = arith.addf %gather3A_381, %add3A_387 : vector<16xf32>
      %div3A_389 = arith.divf %get3A_385, %add3A_388 : vector<16xf32>
      %add3A_390 = arith.constant 5.000000e-01 : f32
      %add3A_391 = vector.broadcast %add3A_390 : f32 to vector<16xf32>
      %add3A_392 = arith.addf %div3A_389, %add3A_391 : vector<16xf32>
      %swap3A_393 = arith.index_cast %while3A_164 : i32 to index
      %swap3A_394 = arith.constant 112 : index
      %swap3A_395 = tpu.vector_load %arg11[%swap3A_393, %swap3A_394] {strides = array<i32>} : memref<40x128xf32, #tpu.memory_space<vmem>>, vector<16xf32>,
      tpu.vector_store %arg11[%swap3A_393, %swap3A_394], %add3A_392 {strides = array<i32>} : memref<40x128xf32, #tpu.memory_space<vmem>>, vector<16xf32>,
      %get3A_396 = arith.index_cast %while3A_164 : i32 to index
      %get3A_397 = arith.constant 112 : index
      %get3A_398 = tpu.vector_load %arg12[%get3A_396, %get3A_397] {strides = array<i32>} : memref<40x128xf32, #tpu.memory_space<vmem>>, vector<16xf32>,
      %add3A_399 = arith.constant 1.000000e-16 : f32
      %add3A_400 = vector.broadcast %add3A_399 : f32 to vector<16xf32>
      %add3A_401 = arith.addf %gather3A_382, %add3A_400 : vector<16xf32>
      %div3A_402 = arith.divf %get3A_398, %add3A_401 : vector<16xf32>
      %add3A_403 = arith.constant 5.000000e-01 : f32
      %add3A_404 = vector.broadcast %add3A_403 : f32 to vector<16xf32>
      %add3A_405 = arith.addf %div3A_402, %add3A_404 : vector<16xf32>
      %swap3A_406 = arith.index_cast %while3A_164 : i32 to index
      %swap3A_407 = arith.constant 112 : index
      %swap3A_408 = tpu.vector_load %arg12[%swap3A_406, %swap3A_407] {strides = array<i32>} : memref<40x128xf32, #tpu.memory_space<vmem>>, vector<16xf32>,
      tpu.vector_store %arg12[%swap3A_406, %swap3A_407], %add3A_405 {strides = array<i32>} : memref<40x128xf32, #tpu.memory_space<vmem>>, vector<16xf32>,
    }
    %dma_start3A_128 = arith.constant 0 : i32
    %dma_start3A_129 = arith.constant 0 : i32
    %dma_start3A_130 = arith.constant 0 : i32
    %dma_start3A_131 = tpu.memref_slice %arg5[%dma_start3A_128, %add3A, %dma_start3A_129, %dma_start3A_130] : memref<2x32x40x128xf32, #tpu.memory_space<hbm>> -> memref<1x1x40x128xf32, #tpu.memory_space<hbm>>
    %dma_start3A_132 = tpu.memref_squeeze %dma_start3A_131 : memref<1x1x40x128xf32, #tpu.memory_space<hbm>> -> memref<40x128xf32, #tpu.memory_space<hbm>>
    %dma_start3A_133 = arith.constant 0 : i32
    %dma_start3A_134 = arith.constant 0 : i32
    %dma_start3A_135 = tpu.memref_slice %arg5[%dma_start3A_128, %add3A, %dma_start3A_133, %dma_start3A_134] : memref<2x32x40x128xf32, #tpu.memory_space<hbm>> -> memref<1x1x40x128xf32, #tpu.memory_space<hbm>>
    %dma_start3A_136 = tpu.memref_squeeze %dma_start3A_135 : memref<1x1x40x128xf32, #tpu.memory_space<hbm>> -> memref<40x128xf32, #tpu.memory_space<hbm>>
    tpu.enqueue_dma source(%arg11 : memref<40x128xf32, #tpu.memory_space<vmem>>) target(%dma_start3A_136 : memref<40x128xf32, #tpu.memory_space<hbm>>) target_semaphore(%arg14 : memref<!tpu.dma_semaphore, #tpu.memory_space<semaphore_mem>>)
    %dma_start3A_137 = arith.constant 1 : i32
    %dma_start3A_138 = arith.constant 0 : i32
    %dma_start3A_139 = arith.constant 0 : i32
    %dma_start3A_140 = tpu.memref_slice %arg5[%dma_start3A_137, %add3A, %dma_start3A_138, %dma_start3A_139] : memref<2x32x40x128xf32, #tpu.memory_space<hbm>> -> memref<1x1x40x128xf32, #tpu.memory_space<hbm>>
    %dma_start3A_141 = tpu.memref_squeeze %dma_start3A_140 : memref<1x1x40x128xf32, #tpu.memory_space<hbm>> -> memref<40x128xf32, #tpu.memory_space<hbm>>
    %dma_start3A_142 = arith.constant 0 : i32
    %dma_start3A_143 = arith.constant 0 : i32
    %dma_start3A_144 = tpu.memref_slice %arg5[%dma_start3A_137, %add3A, %dma_start3A_142, %dma_start3A_143] : memref<2x32x40x128xf32, #tpu.memory_space<hbm>> -> memref<1x1x40x128xf32, #tpu.memory_space<hbm>>
    %dma_start3A_145 = tpu.memref_squeeze %dma_start3A_144 : memref<1x1x40x128xf32, #tpu.memory_space<hbm>> -> memref<40x128xf32, #tpu.memory_space<hbm>>
    tpu.enqueue_dma source(%arg12 : memref<40x128xf32, #tpu.memory_space<vmem>>) target(%dma_start3A_145 : memref<40x128xf32, #tpu.memory_space<hbm>>) target_semaphore(%arg14 : memref<!tpu.dma_semaphore, #tpu.memory_space<semaphore_mem>>)
    %dma_wait3A_146 = arith.constant 0 : i32
    %dma_wait3A_147 = arith.constant 0 : i32
    %dma_wait3A_148 = arith.constant 0 : i32
    %dma_wait3A_149 = tpu.memref_slice %arg5[%dma_wait3A_146, %add3A, %dma_wait3A_147, %dma_wait3A_148] : memref<2x32x40x128xf32, #tpu.memory_space<hbm>> -> memref<1x1x40x128xf32, #tpu.memory_space<hbm>>
    %dma_wait3A_150 = tpu.memref_squeeze %dma_wait3A_149 : memref<1x1x40x128xf32, #tpu.memory_space<hbm>> -> memref<40x128xf32, #tpu.memory_space<hbm>>
    %dma_wait3A_151 = arith.constant 0 : i32
    %dma_wait3A_152 = arith.constant 0 : i32
    %dma_wait3A_153 = tpu.memref_slice %arg5[%dma_wait3A_146, %add3A, %dma_wait3A_151, %dma_wait3A_152] : memref<2x32x40x128xf32, #tpu.memory_space<hbm>> -> memref<1x1x40x128xf32, #tpu.memory_space<hbm>>
    %dma_wait3A_154 = tpu.memref_squeeze %dma_wait3A_153 : memref<1x1x40x128xf32, #tpu.memory_space<hbm>> -> memref<40x128xf32, #tpu.memory_space<hbm>>
    tpu.wait_dma2 semaphore(%arg14 : memref<!tpu.dma_semaphore, #tpu.memory_space<semaphore_mem>>) src(%arg11 : memref<40x128xf32, #tpu.memory_space<vmem>>) dst(%dma_wait3A_154 : memref<40x128xf32, #tpu.memory_space<hbm>>)
    %dma_wait3A_155 = arith.constant 1 : i32
    %dma_wait3A_156 = arith.constant 0 : i32
    %dma_wait3A_157 = arith.constant 0 : i32
    %dma_wait3A_158 = tpu.memref_slice %arg5[%dma_wait3A_155, %add3A, %dma_wait3A_156, %dma_wait3A_157] : memref<2x32x40x128xf32, #tpu.memory_space<hbm>> -> memref<1x1x40x128xf32, #tpu.memory_space<hbm>>
    %dma_wait3A_159 = tpu.memref_squeeze %dma_wait3A_158 : memref<1x1x40x128xf32, #tpu.memory_space<hbm>> -> memref<40x128xf32, #tpu.memory_space<hbm>>
    %dma_wait3A_160 = arith.constant 0 : i32
    %dma_wait3A_161 = arith.constant 0 : i32
    %dma_wait3A_162 = tpu.memref_slice %arg5[%dma_wait3A_155, %add3A, %dma_wait3A_160, %dma_wait3A_161] : memref<2x32x40x128xf32, #tpu.memory_space<hbm>> -> memref<1x1x40x128xf32, #tpu.memory_space<hbm>>
    %dma_wait3A_163 = tpu.memref_squeeze %dma_wait3A_162 : memref<1x1x40x128xf32, #tpu.memory_space<hbm>> -> memref<40x128xf32, #tpu.memory_space<hbm>>
    tpu.wait_dma2 semaphore(%arg14 : memref<!tpu.dma_semaphore, #tpu.memory_space<semaphore_mem>>) src(%arg12 : memref<40x128xf32, #tpu.memory_space<vmem>>) dst(%dma_wait3A_163 : memref<40x128xf32, #tpu.memory_space<hbm>>)
    return
  }
}

#map = affine_map<(d0, d1) -> (0, 0)>
#map1 = affine_map<(d0, d1) -> (0, 0, 0)>
#map2 = affine_map<(d0, d1) -> (0)>
#map3 = affine_map<(d0, d1) -> (0, 0, 0, 0)>
module attributes {stable_mosaic.version = 14 : i64} {
  func.func @kern(%arg0: i32, %arg1: i32, %arg2: memref<8x10240xf32, #tpu.memory_space<hbm>>, %arg3: memref<32x40x128xi32, #tpu.memory_space<hbm>>, %arg4: memref<32x40x128xi32, #tpu.memory_space<hbm>>, %arg5: memref<10240xf32, #tpu.memory_space<hbm>>, %arg6: memref<2x32x40x128xf32, #tpu.memory_space<hbm>>, %arg7: memref<4x10240xf32, #tpu.memory_space<hbm>>, %arg8: memref<10240xf32, #tpu.memory_space<vmem>>, %arg9: memref<10240xf32, #tpu.memory_space<vmem>>, %arg10: memref<10240xf32, #tpu.memory_space<vmem>>, %arg11: memref<10240xf32, #tpu.memory_space<vmem>>, %arg12: memref<40x128xi32, #tpu.memory_space<vmem>>, %arg13: memref<40x128xi32, #tpu.memory_space<vmem>>, %arg14: memref<40x128xf32, #tpu.memory_space<vmem>>, %arg15: memref<40x128xf32, #tpu.memory_space<vmem>>, %arg16: memref<10240xf32, #tpu.memory_space<vmem_shared>>, %arg17: memref<10240xf32, #tpu.memory_space<vmem_shared>>, %arg18: memref<!tpu.dma_semaphore, #tpu.memory_space<semaphore_mem>>, %arg19: memref<!tpu.dma_semaphore, #tpu.memory_space<semaphore_mem>>, %arg20: memref<!tpu.dma_semaphore, #tpu.memory_space<semaphore_mem>>) attributes {dimension_semantics = [#tpu.dimension_semantics<core_parallel>, #tpu.dimension_semantics<subcore_parallel>], iteration_bounds = array<i64: 2, 16>, scalar_prefetch = 0 : i64, scratch_operands = 13 : i64, tpu.core_type = #tpu.core_type<sc_vector_subcore>, window_params = [{transform_indices = #map}, {transform_indices = #map1}, {transform_indices = #map1}, {transform_indices = #map2}, {transform_indices = #map3}, {transform_indices = #map}]} {
    %mul3A = arith.constant 2 : i32
    %mul3A_0 = arith.muli %arg1, %mul3A : i32
    %add3A = arith.addi %mul3A_0, %arg0 : i32
    %dma_start3A = arith.constant 0 : i32
    %dma_start3A_1 = arith.constant 0 : i32
    %dma_start3A_2 = tpu.memref_slice %arg3[%add3A, %dma_start3A, %dma_start3A_1] : memref<32x40x128xi32, #tpu.memory_space<hbm>> -> memref<1x40x128xi32, #tpu.memory_space<hbm>>
    %dma_start3A_3 = tpu.memref_squeeze %dma_start3A_2 : memref<1x40x128xi32, #tpu.memory_space<hbm>> -> memref<40x128xi32, #tpu.memory_space<hbm>>
    %dma_start3A_4 = arith.constant 0 : i32
    %dma_start3A_5 = arith.constant 0 : i32
    %dma_start3A_6 = tpu.memref_slice %arg3[%add3A, %dma_start3A_4, %dma_start3A_5] : memref<32x40x128xi32, #tpu.memory_space<hbm>> -> memref<1x40x128xi32, #tpu.memory_space<hbm>>
    %dma_start3A_7 = tpu.memref_squeeze %dma_start3A_6 : memref<1x40x128xi32, #tpu.memory_space<hbm>> -> memref<40x128xi32, #tpu.memory_space<hbm>>
    tpu.enqueue_dma source(%dma_start3A_7 : memref<40x128xi32, #tpu.memory_space<hbm>>) target(%arg12 : memref<40x128xi32, #tpu.memory_space<vmem>>) target_semaphore(%arg18 : memref<!tpu.dma_semaphore, #tpu.memory_space<semaphore_mem>>)
    %dma_start3A_8 = arith.constant 0 : i32
    %dma_start3A_9 = arith.constant 0 : i32
    %dma_start3A_10 = tpu.memref_slice %arg4[%add3A, %dma_start3A_8, %dma_start3A_9] : memref<32x40x128xi32, #tpu.memory_space<hbm>> -> memref<1x40x128xi32, #tpu.memory_space<hbm>>
    %dma_start3A_11 = tpu.memref_squeeze %dma_start3A_10 : memref<1x40x128xi32, #tpu.memory_space<hbm>> -> memref<40x128xi32, #tpu.memory_space<hbm>>
    %dma_start3A_12 = arith.constant 0 : i32
    %dma_start3A_13 = arith.constant 0 : i32
    %dma_start3A_14 = tpu.memref_slice %arg4[%add3A, %dma_start3A_12, %dma_start3A_13] : memref<32x40x128xi32, #tpu.memory_space<hbm>> -> memref<1x40x128xi32, #tpu.memory_space<hbm>>
    %dma_start3A_15 = tpu.memref_squeeze %dma_start3A_14 : memref<1x40x128xi32, #tpu.memory_space<hbm>> -> memref<40x128xi32, #tpu.memory_space<hbm>>
    tpu.enqueue_dma source(%dma_start3A_15 : memref<40x128xi32, #tpu.memory_space<hbm>>) target(%arg13 : memref<40x128xi32, #tpu.memory_space<vmem>>) target_semaphore(%arg18 : memref<!tpu.dma_semaphore, #tpu.memory_space<semaphore_mem>>)
    %dma_start3A_16 = arith.constant 0 : i32
    %dma_start3A_17 = arith.constant 0 : i32
    %dma_start3A_18 = tpu.memref_slice %arg2[%dma_start3A_16, %dma_start3A_17] : memref<8x10240xf32, #tpu.memory_space<hbm>> -> memref<1x10240xf32, #tpu.memory_space<hbm>>
    %dma_start3A_19 = tpu.memref_squeeze %dma_start3A_18 : memref<1x10240xf32, #tpu.memory_space<hbm>> -> memref<10240xf32, #tpu.memory_space<hbm>>
    %dma_start3A_20 = arith.constant 0 : i32
    %dma_start3A_21 = tpu.memref_slice %arg2[%dma_start3A_16, %dma_start3A_20] : memref<8x10240xf32, #tpu.memory_space<hbm>> -> memref<1x10240xf32, #tpu.memory_space<hbm>>
    %dma_start3A_22 = tpu.memref_squeeze %dma_start3A_21 : memref<1x10240xf32, #tpu.memory_space<hbm>> -> memref<10240xf32, #tpu.memory_space<hbm>>
    tpu.enqueue_dma source(%dma_start3A_22 : memref<10240xf32, #tpu.memory_space<hbm>>) target(%arg8 : memref<10240xf32, #tpu.memory_space<vmem>>) target_semaphore(%arg18 : memref<!tpu.dma_semaphore, #tpu.memory_space<semaphore_mem>>)
    %dma_start3A_23 = arith.constant 1 : i32
    %dma_start3A_24 = arith.constant 0 : i32
    %dma_start3A_25 = tpu.memref_slice %arg2[%dma_start3A_23, %dma_start3A_24] : memref<8x10240xf32, #tpu.memory_space<hbm>> -> memref<1x10240xf32, #tpu.memory_space<hbm>>
    %dma_start3A_26 = tpu.memref_squeeze %dma_start3A_25 : memref<1x10240xf32, #tpu.memory_space<hbm>> -> memref<10240xf32, #tpu.memory_space<hbm>>
    %dma_start3A_27 = arith.constant 0 : i32
    %dma_start3A_28 = tpu.memref_slice %arg2[%dma_start3A_23, %dma_start3A_27] : memref<8x10240xf32, #tpu.memory_space<hbm>> -> memref<1x10240xf32, #tpu.memory_space<hbm>>
    %dma_start3A_29 = tpu.memref_squeeze %dma_start3A_28 : memref<1x10240xf32, #tpu.memory_space<hbm>> -> memref<10240xf32, #tpu.memory_space<hbm>>
    tpu.enqueue_dma source(%dma_start3A_29 : memref<10240xf32, #tpu.memory_space<hbm>>) target(%arg9 : memref<10240xf32, #tpu.memory_space<vmem>>) target_semaphore(%arg18 : memref<!tpu.dma_semaphore, #tpu.memory_space<semaphore_mem>>)
    %dma_start3A_30 = arith.constant 2 : i32
    %dma_start3A_31 = arith.constant 0 : i32
    %dma_start3A_32 = tpu.memref_slice %arg2[%dma_start3A_30, %dma_start3A_31] : memref<8x10240xf32, #tpu.memory_space<hbm>> -> memref<1x10240xf32, #tpu.memory_space<hbm>>
    %dma_start3A_33 = tpu.memref_squeeze %dma_start3A_32 : memref<1x10240xf32, #tpu.memory_space<hbm>> -> memref<10240xf32, #tpu.memory_space<hbm>>
    %dma_start3A_34 = arith.constant 0 : i32
    %dma_start3A_35 = tpu.memref_slice %arg2[%dma_start3A_30, %dma_start3A_34] : memref<8x10240xf32, #tpu.memory_space<hbm>> -> memref<1x10240xf32, #tpu.memory_space<hbm>>
    %dma_start3A_36 = tpu.memref_squeeze %dma_start3A_35 : memref<1x10240xf32, #tpu.memory_space<hbm>> -> memref<10240xf32, #tpu.memory_space<hbm>>
    tpu.enqueue_dma source(%dma_start3A_36 : memref<10240xf32, #tpu.memory_space<hbm>>) target(%arg10 : memref<10240xf32, #tpu.memory_space<vmem>>) target_semaphore(%arg18 : memref<!tpu.dma_semaphore, #tpu.memory_space<semaphore_mem>>)
    %dma_start3A_37 = arith.constant 3 : i32
    %dma_start3A_38 = arith.constant 0 : i32
    %dma_start3A_39 = tpu.memref_slice %arg2[%dma_start3A_37, %dma_start3A_38] : memref<8x10240xf32, #tpu.memory_space<hbm>> -> memref<1x10240xf32, #tpu.memory_space<hbm>>
    %dma_start3A_40 = tpu.memref_squeeze %dma_start3A_39 : memref<1x10240xf32, #tpu.memory_space<hbm>> -> memref<10240xf32, #tpu.memory_space<hbm>>
    %dma_start3A_41 = arith.constant 0 : i32
    %dma_start3A_42 = tpu.memref_slice %arg2[%dma_start3A_37, %dma_start3A_41] : memref<8x10240xf32, #tpu.memory_space<hbm>> -> memref<1x10240xf32, #tpu.memory_space<hbm>>
    %dma_start3A_43 = tpu.memref_squeeze %dma_start3A_42 : memref<1x10240xf32, #tpu.memory_space<hbm>> -> memref<10240xf32, #tpu.memory_space<hbm>>
    tpu.enqueue_dma source(%dma_start3A_43 : memref<10240xf32, #tpu.memory_space<hbm>>) target(%arg11 : memref<10240xf32, #tpu.memory_space<vmem>>) target_semaphore(%arg18 : memref<!tpu.dma_semaphore, #tpu.memory_space<semaphore_mem>>)
    %eq3A = arith.constant 0 : i32
    %eq3A_44 = arith.cmpi eq, %arg1, %eq3A : i32
    %convert_element_type3A = arith.extui %eq3A_44 : i1 to i32
    %cond3A = arith.constant 0 : i32
    %cond3A_45 = arith.cmpi ne, %convert_element_type3A, %cond3A : i32
    scf.if %cond3A_45 {
      "tpu.region"() ({
        %run_scoped3A = tpu.sem_alloc : memref<!tpu.dma_semaphore, #tpu.memory_space<semaphore_mem>>
        tpu.enqueue_dma source(%arg5 : memref<10240xf32, #tpu.memory_space<hbm>>) target(%arg16 : memref<10240xf32, #tpu.memory_space<vmem_shared>>) target_semaphore(%run_scoped3A : memref<!tpu.dma_semaphore, #tpu.memory_space<semaphore_mem>>)
        tpu.wait_dma2 semaphore(%run_scoped3A : memref<!tpu.dma_semaphore, #tpu.memory_space<semaphore_mem>>) src(%arg5 : memref<10240xf32, #tpu.memory_space<hbm>>) dst(%arg16 : memref<10240xf32, #tpu.memory_space<vmem_shared>>)
        tpu.yield
      }) : () -> ()
      "tpu.region"() ({
        %run_scoped3A = tpu.sem_alloc : memref<!tpu.dma_semaphore, #tpu.memory_space<semaphore_mem>>
        tpu.enqueue_dma source(%arg5 : memref<10240xf32, #tpu.memory_space<hbm>>) target(%arg17 : memref<10240xf32, #tpu.memory_space<vmem_shared>>) target_semaphore(%run_scoped3A : memref<!tpu.dma_semaphore, #tpu.memory_space<semaphore_mem>>)
        tpu.wait_dma2 semaphore(%run_scoped3A : memref<!tpu.dma_semaphore, #tpu.memory_space<semaphore_mem>>) src(%arg5 : memref<10240xf32, #tpu.memory_space<hbm>>) dst(%arg17 : memref<10240xf32, #tpu.memory_space<vmem_shared>>)
        tpu.yield
      }) : () -> ()
    } else {
    }
    %dma_wait3A = arith.constant 0 : i32
    %dma_wait3A_46 = arith.constant 0 : i32
    %dma_wait3A_47 = tpu.memref_slice %arg3[%add3A, %dma_wait3A, %dma_wait3A_46] : memref<32x40x128xi32, #tpu.memory_space<hbm>> -> memref<1x40x128xi32, #tpu.memory_space<hbm>>
    %dma_wait3A_48 = tpu.memref_squeeze %dma_wait3A_47 : memref<1x40x128xi32, #tpu.memory_space<hbm>> -> memref<40x128xi32, #tpu.memory_space<hbm>>
    %dma_wait3A_49 = arith.constant 0 : i32
    %dma_wait3A_50 = arith.constant 0 : i32
    %dma_wait3A_51 = tpu.memref_slice %arg3[%add3A, %dma_wait3A_49, %dma_wait3A_50] : memref<32x40x128xi32, #tpu.memory_space<hbm>> -> memref<1x40x128xi32, #tpu.memory_space<hbm>>
    %dma_wait3A_52 = tpu.memref_squeeze %dma_wait3A_51 : memref<1x40x128xi32, #tpu.memory_space<hbm>> -> memref<40x128xi32, #tpu.memory_space<hbm>>
    tpu.wait_dma2 semaphore(%arg18 : memref<!tpu.dma_semaphore, #tpu.memory_space<semaphore_mem>>) src(%dma_wait3A_52 : memref<40x128xi32, #tpu.memory_space<hbm>>) dst(%arg12 : memref<40x128xi32, #tpu.memory_space<vmem>>)
    %dma_wait3A_53 = arith.constant 0 : i32
    %dma_wait3A_54 = arith.constant 0 : i32
    %dma_wait3A_55 = tpu.memref_slice %arg4[%add3A, %dma_wait3A_53, %dma_wait3A_54] : memref<32x40x128xi32, #tpu.memory_space<hbm>> -> memref<1x40x128xi32, #tpu.memory_space<hbm>>
    %dma_wait3A_56 = tpu.memref_squeeze %dma_wait3A_55 : memref<1x40x128xi32, #tpu.memory_space<hbm>> -> memref<40x128xi32, #tpu.memory_space<hbm>>
    %dma_wait3A_57 = arith.constant 0 : i32
    %dma_wait3A_58 = arith.constant 0 : i32
    %dma_wait3A_59 = tpu.memref_slice %arg4[%add3A, %dma_wait3A_57, %dma_wait3A_58] : memref<32x40x128xi32, #tpu.memory_space<hbm>> -> memref<1x40x128xi32, #tpu.memory_space<hbm>>
    %dma_wait3A_60 = tpu.memref_squeeze %dma_wait3A_59 : memref<1x40x128xi32, #tpu.memory_space<hbm>> -> memref<40x128xi32, #tpu.memory_space<hbm>>
    tpu.wait_dma2 semaphore(%arg18 : memref<!tpu.dma_semaphore, #tpu.memory_space<semaphore_mem>>) src(%dma_wait3A_60 : memref<40x128xi32, #tpu.memory_space<hbm>>) dst(%arg13 : memref<40x128xi32, #tpu.memory_space<vmem>>)
    %dma_wait3A_61 = arith.constant 0 : i32
    %dma_wait3A_62 = arith.constant 0 : i32
    %dma_wait3A_63 = tpu.memref_slice %arg2[%dma_wait3A_61, %dma_wait3A_62] : memref<8x10240xf32, #tpu.memory_space<hbm>> -> memref<1x10240xf32, #tpu.memory_space<hbm>>
    %dma_wait3A_64 = tpu.memref_squeeze %dma_wait3A_63 : memref<1x10240xf32, #tpu.memory_space<hbm>> -> memref<10240xf32, #tpu.memory_space<hbm>>
    %dma_wait3A_65 = arith.constant 0 : i32
    %dma_wait3A_66 = tpu.memref_slice %arg2[%dma_wait3A_61, %dma_wait3A_65] : memref<8x10240xf32, #tpu.memory_space<hbm>> -> memref<1x10240xf32, #tpu.memory_space<hbm>>
    %dma_wait3A_67 = tpu.memref_squeeze %dma_wait3A_66 : memref<1x10240xf32, #tpu.memory_space<hbm>> -> memref<10240xf32, #tpu.memory_space<hbm>>
    tpu.wait_dma2 semaphore(%arg18 : memref<!tpu.dma_semaphore, #tpu.memory_space<semaphore_mem>>) src(%dma_wait3A_67 : memref<10240xf32, #tpu.memory_space<hbm>>) dst(%arg8 : memref<10240xf32, #tpu.memory_space<vmem>>)
    %dma_wait3A_68 = arith.constant 1 : i32
    %dma_wait3A_69 = arith.constant 0 : i32
    %dma_wait3A_70 = tpu.memref_slice %arg2[%dma_wait3A_68, %dma_wait3A_69] : memref<8x10240xf32, #tpu.memory_space<hbm>> -> memref<1x10240xf32, #tpu.memory_space<hbm>>
    %dma_wait3A_71 = tpu.memref_squeeze %dma_wait3A_70 : memref<1x10240xf32, #tpu.memory_space<hbm>> -> memref<10240xf32, #tpu.memory_space<hbm>>
    %dma_wait3A_72 = arith.constant 0 : i32
    %dma_wait3A_73 = tpu.memref_slice %arg2[%dma_wait3A_68, %dma_wait3A_72] : memref<8x10240xf32, #tpu.memory_space<hbm>> -> memref<1x10240xf32, #tpu.memory_space<hbm>>
    %dma_wait3A_74 = tpu.memref_squeeze %dma_wait3A_73 : memref<1x10240xf32, #tpu.memory_space<hbm>> -> memref<10240xf32, #tpu.memory_space<hbm>>
    tpu.wait_dma2 semaphore(%arg18 : memref<!tpu.dma_semaphore, #tpu.memory_space<semaphore_mem>>) src(%dma_wait3A_74 : memref<10240xf32, #tpu.memory_space<hbm>>) dst(%arg9 : memref<10240xf32, #tpu.memory_space<vmem>>)
    %dma_wait3A_75 = arith.constant 2 : i32
    %dma_wait3A_76 = arith.constant 0 : i32
    %dma_wait3A_77 = tpu.memref_slice %arg2[%dma_wait3A_75, %dma_wait3A_76] : memref<8x10240xf32, #tpu.memory_space<hbm>> -> memref<1x10240xf32, #tpu.memory_space<hbm>>
    %dma_wait3A_78 = tpu.memref_squeeze %dma_wait3A_77 : memref<1x10240xf32, #tpu.memory_space<hbm>> -> memref<10240xf32, #tpu.memory_space<hbm>>
    %dma_wait3A_79 = arith.constant 0 : i32
    %dma_wait3A_80 = tpu.memref_slice %arg2[%dma_wait3A_75, %dma_wait3A_79] : memref<8x10240xf32, #tpu.memory_space<hbm>> -> memref<1x10240xf32, #tpu.memory_space<hbm>>
    %dma_wait3A_81 = tpu.memref_squeeze %dma_wait3A_80 : memref<1x10240xf32, #tpu.memory_space<hbm>> -> memref<10240xf32, #tpu.memory_space<hbm>>
    tpu.wait_dma2 semaphore(%arg18 : memref<!tpu.dma_semaphore, #tpu.memory_space<semaphore_mem>>) src(%dma_wait3A_81 : memref<10240xf32, #tpu.memory_space<hbm>>) dst(%arg10 : memref<10240xf32, #tpu.memory_space<vmem>>)
    %dma_wait3A_82 = arith.constant 3 : i32
    %dma_wait3A_83 = arith.constant 0 : i32
    %dma_wait3A_84 = tpu.memref_slice %arg2[%dma_wait3A_82, %dma_wait3A_83] : memref<8x10240xf32, #tpu.memory_space<hbm>> -> memref<1x10240xf32, #tpu.memory_space<hbm>>
    %dma_wait3A_85 = tpu.memref_squeeze %dma_wait3A_84 : memref<1x10240xf32, #tpu.memory_space<hbm>> -> memref<10240xf32, #tpu.memory_space<hbm>>
    %dma_wait3A_86 = arith.constant 0 : i32
    %dma_wait3A_87 = tpu.memref_slice %arg2[%dma_wait3A_82, %dma_wait3A_86] : memref<8x10240xf32, #tpu.memory_space<hbm>> -> memref<1x10240xf32, #tpu.memory_space<hbm>>
    %dma_wait3A_88 = tpu.memref_squeeze %dma_wait3A_87 : memref<1x10240xf32, #tpu.memory_space<hbm>> -> memref<10240xf32, #tpu.memory_space<hbm>>
    tpu.wait_dma2 semaphore(%arg18 : memref<!tpu.dma_semaphore, #tpu.memory_space<semaphore_mem>>) src(%dma_wait3A_88 : memref<10240xf32, #tpu.memory_space<hbm>>) dst(%arg11 : memref<10240xf32, #tpu.memory_space<vmem>>)
    %barrier3A = arith.constant 0 : index
    tpu.barrier barrier_id(%barrier3A)
    %while3A = arith.constant 0 : i64
    %while3A_89 = arith.constant 0 : i32
    %while3A_90 = arith.constant 40 : i32
    %while3A_91 = arith.subi %while3A_90, %while3A_89 : i32
    %while3A_92 = arith.addi %while3A_89, %while3A_91 : i32
    %while3A_93 = arith.constant 1 : i32
    %while3A_94 = arith.divsi %while3A_91, %while3A_93 : i32
    %while3A_95 = arith.muli %while3A_94, %while3A_93 : i32
    %while3A_96 = arith.addi %while3A_89, %while3A_95 : i32
    %while3A_97 = arith.constant 1 : i32
    scf.for %while3A_159 = %while3A_89 to %while3A_96 step %while3A_97  : i32 {
      %get3A = arith.index_cast %while3A_159 : i32 to index
      %get3A_160 = arith.constant 0 : index
      %get3A_161 = tpu.vector_load %arg12[%get3A, %get3A_160] {strides = array<i32>} : memref<40x128xi32, #tpu.memory_space<vmem>>, vector<16xi32>,
      %get3A_162 = arith.index_cast %while3A_159 : i32 to index
      %get3A_163 = arith.constant 0 : index
      %get3A_164 = tpu.vector_load %arg13[%get3A_162, %get3A_163] {strides = array<i32>} : memref<40x128xi32, #tpu.memory_space<vmem>>, vector<16xi32>,
      %gather3A = tpu.vector_load_idx %arg8[%get3A_161] : memref<10240xf32, #tpu.memory_space<vmem>>[vector<16xi32>], vector<16xf32>,
      %gather3A_165 = tpu.vector_load_idx %arg10[%get3A_164] : memref<10240xf32, #tpu.memory_space<vmem>>[vector<16xi32>], vector<16xf32>,
      %add3A_166 = arith.addf %gather3A, %gather3A_165 : vector<16xf32>
      %exp3A = math.exp %add3A_166 : vector<16xf32>
      %gather3A_167 = tpu.vector_load_idx %arg9[%get3A_161] : memref<10240xf32, #tpu.memory_space<vmem>>[vector<16xi32>], vector<16xf32>,
      %gather3A_168 = tpu.vector_load_idx %arg11[%get3A_164] : memref<10240xf32, #tpu.memory_space<vmem>>[vector<16xi32>], vector<16xf32>,
      %add3A_169 = arith.addf %gather3A_167, %gather3A_168 : vector<16xf32>
      %exp3A_170 = math.exp %add3A_169 : vector<16xf32>
      %swap3A = arith.index_cast %while3A_159 : i32 to index
      %swap3A_171 = arith.constant 0 : index
      %swap3A_172 = tpu.vector_load %arg14[%swap3A, %swap3A_171] {strides = array<i32>} : memref<40x128xf32, #tpu.memory_space<vmem>>, vector<16xf32>,
      tpu.vector_store %arg14[%swap3A, %swap3A_171], %exp3A {strides = array<i32>} : memref<40x128xf32, #tpu.memory_space<vmem>>, vector<16xf32>,
      %swap3A_173 = arith.index_cast %while3A_159 : i32 to index
      %swap3A_174 = arith.constant 0 : index
      %swap3A_175 = tpu.vector_load %arg15[%swap3A_173, %swap3A_174] {strides = array<i32>} : memref<40x128xf32, #tpu.memory_space<vmem>>, vector<16xf32>,
      tpu.vector_store %arg15[%swap3A_173, %swap3A_174], %exp3A_170 {strides = array<i32>} : memref<40x128xf32, #tpu.memory_space<vmem>>, vector<16xf32>,
      %get3A_176 = arith.index_cast %while3A_159 : i32 to index
      %get3A_177 = arith.constant 16 : index
      %get3A_178 = tpu.vector_load %arg12[%get3A_176, %get3A_177] {strides = array<i32>} : memref<40x128xi32, #tpu.memory_space<vmem>>, vector<16xi32>,
      %get3A_179 = arith.index_cast %while3A_159 : i32 to index
      %get3A_180 = arith.constant 16 : index
      %get3A_181 = tpu.vector_load %arg13[%get3A_179, %get3A_180] {strides = array<i32>} : memref<40x128xi32, #tpu.memory_space<vmem>>, vector<16xi32>,
      %gather3A_182 = tpu.vector_load_idx %arg8[%get3A_178] : memref<10240xf32, #tpu.memory_space<vmem>>[vector<16xi32>], vector<16xf32>,
      %gather3A_183 = tpu.vector_load_idx %arg10[%get3A_181] : memref<10240xf32, #tpu.memory_space<vmem>>[vector<16xi32>], vector<16xf32>,
      %add3A_184 = arith.addf %gather3A_182, %gather3A_183 : vector<16xf32>
      %exp3A_185 = math.exp %add3A_184 : vector<16xf32>
      %gather3A_186 = tpu.vector_load_idx %arg9[%get3A_178] : memref<10240xf32, #tpu.memory_space<vmem>>[vector<16xi32>], vector<16xf32>,
      %gather3A_187 = tpu.vector_load_idx %arg11[%get3A_181] : memref<10240xf32, #tpu.memory_space<vmem>>[vector<16xi32>], vector<16xf32>,
      %add3A_188 = arith.addf %gather3A_186, %gather3A_187 : vector<16xf32>
      %exp3A_189 = math.exp %add3A_188 : vector<16xf32>
      %swap3A_190 = arith.index_cast %while3A_159 : i32 to index
      %swap3A_191 = arith.constant 16 : index
      %swap3A_192 = tpu.vector_load %arg14[%swap3A_190, %swap3A_191] {strides = array<i32>} : memref<40x128xf32, #tpu.memory_space<vmem>>, vector<16xf32>,
      tpu.vector_store %arg14[%swap3A_190, %swap3A_191], %exp3A_185 {strides = array<i32>} : memref<40x128xf32, #tpu.memory_space<vmem>>, vector<16xf32>,
      %swap3A_193 = arith.index_cast %while3A_159 : i32 to index
      %swap3A_194 = arith.constant 16 : index
      %swap3A_195 = tpu.vector_load %arg15[%swap3A_193, %swap3A_194] {strides = array<i32>} : memref<40x128xf32, #tpu.memory_space<vmem>>, vector<16xf32>,
      tpu.vector_store %arg15[%swap3A_193, %swap3A_194], %exp3A_189 {strides = array<i32>} : memref<40x128xf32, #tpu.memory_space<vmem>>, vector<16xf32>,
      %get3A_196 = arith.index_cast %while3A_159 : i32 to index
      %get3A_197 = arith.constant 32 : index
      %get3A_198 = tpu.vector_load %arg12[%get3A_196, %get3A_197] {strides = array<i32>} : memref<40x128xi32, #tpu.memory_space<vmem>>, vector<16xi32>,
      %get3A_199 = arith.index_cast %while3A_159 : i32 to index
      %get3A_200 = arith.constant 32 : index
      %get3A_201 = tpu.vector_load %arg13[%get3A_199, %get3A_200] {strides = array<i32>} : memref<40x128xi32, #tpu.memory_space<vmem>>, vector<16xi32>,
      %gather3A_202 = tpu.vector_load_idx %arg8[%get3A_198] : memref<10240xf32, #tpu.memory_space<vmem>>[vector<16xi32>], vector<16xf32>,
      %gather3A_203 = tpu.vector_load_idx %arg10[%get3A_201] : memref<10240xf32, #tpu.memory_space<vmem>>[vector<16xi32>], vector<16xf32>,
      %add3A_204 = arith.addf %gather3A_202, %gather3A_203 : vector<16xf32>
      %exp3A_205 = math.exp %add3A_204 : vector<16xf32>
      %gather3A_206 = tpu.vector_load_idx %arg9[%get3A_198] : memref<10240xf32, #tpu.memory_space<vmem>>[vector<16xi32>], vector<16xf32>,
      %gather3A_207 = tpu.vector_load_idx %arg11[%get3A_201] : memref<10240xf32, #tpu.memory_space<vmem>>[vector<16xi32>], vector<16xf32>,
      %add3A_208 = arith.addf %gather3A_206, %gather3A_207 : vector<16xf32>
      %exp3A_209 = math.exp %add3A_208 : vector<16xf32>
      %swap3A_210 = arith.index_cast %while3A_159 : i32 to index
      %swap3A_211 = arith.constant 32 : index
      %swap3A_212 = tpu.vector_load %arg14[%swap3A_210, %swap3A_211] {strides = array<i32>} : memref<40x128xf32, #tpu.memory_space<vmem>>, vector<16xf32>,
      tpu.vector_store %arg14[%swap3A_210, %swap3A_211], %exp3A_205 {strides = array<i32>} : memref<40x128xf32, #tpu.memory_space<vmem>>, vector<16xf32>,
      %swap3A_213 = arith.index_cast %while3A_159 : i32 to index
      %swap3A_214 = arith.constant 32 : index
      %swap3A_215 = tpu.vector_load %arg15[%swap3A_213, %swap3A_214] {strides = array<i32>} : memref<40x128xf32, #tpu.memory_space<vmem>>, vector<16xf32>,
      tpu.vector_store %arg15[%swap3A_213, %swap3A_214], %exp3A_209 {strides = array<i32>} : memref<40x128xf32, #tpu.memory_space<vmem>>, vector<16xf32>,
      %get3A_216 = arith.index_cast %while3A_159 : i32 to index
      %get3A_217 = arith.constant 48 : index
      %get3A_218 = tpu.vector_load %arg12[%get3A_216, %get3A_217] {strides = array<i32>} : memref<40x128xi32, #tpu.memory_space<vmem>>, vector<16xi32>,
      %get3A_219 = arith.index_cast %while3A_159 : i32 to index
      %get3A_220 = arith.constant 48 : index
      %get3A_221 = tpu.vector_load %arg13[%get3A_219, %get3A_220] {strides = array<i32>} : memref<40x128xi32, #tpu.memory_space<vmem>>, vector<16xi32>,
      %gather3A_222 = tpu.vector_load_idx %arg8[%get3A_218] : memref<10240xf32, #tpu.memory_space<vmem>>[vector<16xi32>], vector<16xf32>,
      %gather3A_223 = tpu.vector_load_idx %arg10[%get3A_221] : memref<10240xf32, #tpu.memory_space<vmem>>[vector<16xi32>], vector<16xf32>,
      %add3A_224 = arith.addf %gather3A_222, %gather3A_223 : vector<16xf32>
      %exp3A_225 = math.exp %add3A_224 : vector<16xf32>
      %gather3A_226 = tpu.vector_load_idx %arg9[%get3A_218] : memref<10240xf32, #tpu.memory_space<vmem>>[vector<16xi32>], vector<16xf32>,
      %gather3A_227 = tpu.vector_load_idx %arg11[%get3A_221] : memref<10240xf32, #tpu.memory_space<vmem>>[vector<16xi32>], vector<16xf32>,
      %add3A_228 = arith.addf %gather3A_226, %gather3A_227 : vector<16xf32>
      %exp3A_229 = math.exp %add3A_228 : vector<16xf32>
      %swap3A_230 = arith.index_cast %while3A_159 : i32 to index
      %swap3A_231 = arith.constant 48 : index
      %swap3A_232 = tpu.vector_load %arg14[%swap3A_230, %swap3A_231] {strides = array<i32>} : memref<40x128xf32, #tpu.memory_space<vmem>>, vector<16xf32>,
      tpu.vector_store %arg14[%swap3A_230, %swap3A_231], %exp3A_225 {strides = array<i32>} : memref<40x128xf32, #tpu.memory_space<vmem>>, vector<16xf32>,
      %swap3A_233 = arith.index_cast %while3A_159 : i32 to index
      %swap3A_234 = arith.constant 48 : index
      %swap3A_235 = tpu.vector_load %arg15[%swap3A_233, %swap3A_234] {strides = array<i32>} : memref<40x128xf32, #tpu.memory_space<vmem>>, vector<16xf32>,
      tpu.vector_store %arg15[%swap3A_233, %swap3A_234], %exp3A_229 {strides = array<i32>} : memref<40x128xf32, #tpu.memory_space<vmem>>, vector<16xf32>,
      %get3A_236 = arith.index_cast %while3A_159 : i32 to index
      %get3A_237 = arith.constant 64 : index
      %get3A_238 = tpu.vector_load %arg12[%get3A_236, %get3A_237] {strides = array<i32>} : memref<40x128xi32, #tpu.memory_space<vmem>>, vector<16xi32>,
      %get3A_239 = arith.index_cast %while3A_159 : i32 to index
      %get3A_240 = arith.constant 64 : index
      %get3A_241 = tpu.vector_load %arg13[%get3A_239, %get3A_240] {strides = array<i32>} : memref<40x128xi32, #tpu.memory_space<vmem>>, vector<16xi32>,
      %gather3A_242 = tpu.vector_load_idx %arg8[%get3A_238] : memref<10240xf32, #tpu.memory_space<vmem>>[vector<16xi32>], vector<16xf32>,
      %gather3A_243 = tpu.vector_load_idx %arg10[%get3A_241] : memref<10240xf32, #tpu.memory_space<vmem>>[vector<16xi32>], vector<16xf32>,
      %add3A_244 = arith.addf %gather3A_242, %gather3A_243 : vector<16xf32>
      %exp3A_245 = math.exp %add3A_244 : vector<16xf32>
      %gather3A_246 = tpu.vector_load_idx %arg9[%get3A_238] : memref<10240xf32, #tpu.memory_space<vmem>>[vector<16xi32>], vector<16xf32>,
      %gather3A_247 = tpu.vector_load_idx %arg11[%get3A_241] : memref<10240xf32, #tpu.memory_space<vmem>>[vector<16xi32>], vector<16xf32>,
      %add3A_248 = arith.addf %gather3A_246, %gather3A_247 : vector<16xf32>
      %exp3A_249 = math.exp %add3A_248 : vector<16xf32>
      %swap3A_250 = arith.index_cast %while3A_159 : i32 to index
      %swap3A_251 = arith.constant 64 : index
      %swap3A_252 = tpu.vector_load %arg14[%swap3A_250, %swap3A_251] {strides = array<i32>} : memref<40x128xf32, #tpu.memory_space<vmem>>, vector<16xf32>,
      tpu.vector_store %arg14[%swap3A_250, %swap3A_251], %exp3A_245 {strides = array<i32>} : memref<40x128xf32, #tpu.memory_space<vmem>>, vector<16xf32>,
      %swap3A_253 = arith.index_cast %while3A_159 : i32 to index
      %swap3A_254 = arith.constant 64 : index
      %swap3A_255 = tpu.vector_load %arg15[%swap3A_253, %swap3A_254] {strides = array<i32>} : memref<40x128xf32, #tpu.memory_space<vmem>>, vector<16xf32>,
      tpu.vector_store %arg15[%swap3A_253, %swap3A_254], %exp3A_249 {strides = array<i32>} : memref<40x128xf32, #tpu.memory_space<vmem>>, vector<16xf32>,
      %get3A_256 = arith.index_cast %while3A_159 : i32 to index
      %get3A_257 = arith.constant 80 : index
      %get3A_258 = tpu.vector_load %arg12[%get3A_256, %get3A_257] {strides = array<i32>} : memref<40x128xi32, #tpu.memory_space<vmem>>, vector<16xi32>,
      %get3A_259 = arith.index_cast %while3A_159 : i32 to index
      %get3A_260 = arith.constant 80 : index
      %get3A_261 = tpu.vector_load %arg13[%get3A_259, %get3A_260] {strides = array<i32>} : memref<40x128xi32, #tpu.memory_space<vmem>>, vector<16xi32>,
      %gather3A_262 = tpu.vector_load_idx %arg8[%get3A_258] : memref<10240xf32, #tpu.memory_space<vmem>>[vector<16xi32>], vector<16xf32>,
      %gather3A_263 = tpu.vector_load_idx %arg10[%get3A_261] : memref<10240xf32, #tpu.memory_space<vmem>>[vector<16xi32>], vector<16xf32>,
      %add3A_264 = arith.addf %gather3A_262, %gather3A_263 : vector<16xf32>
      %exp3A_265 = math.exp %add3A_264 : vector<16xf32>
      %gather3A_266 = tpu.vector_load_idx %arg9[%get3A_258] : memref<10240xf32, #tpu.memory_space<vmem>>[vector<16xi32>], vector<16xf32>,
      %gather3A_267 = tpu.vector_load_idx %arg11[%get3A_261] : memref<10240xf32, #tpu.memory_space<vmem>>[vector<16xi32>], vector<16xf32>,
      %add3A_268 = arith.addf %gather3A_266, %gather3A_267 : vector<16xf32>
      %exp3A_269 = math.exp %add3A_268 : vector<16xf32>
      %swap3A_270 = arith.index_cast %while3A_159 : i32 to index
      %swap3A_271 = arith.constant 80 : index
      %swap3A_272 = tpu.vector_load %arg14[%swap3A_270, %swap3A_271] {strides = array<i32>} : memref<40x128xf32, #tpu.memory_space<vmem>>, vector<16xf32>,
      tpu.vector_store %arg14[%swap3A_270, %swap3A_271], %exp3A_265 {strides = array<i32>} : memref<40x128xf32, #tpu.memory_space<vmem>>, vector<16xf32>,
      %swap3A_273 = arith.index_cast %while3A_159 : i32 to index
      %swap3A_274 = arith.constant 80 : index
      %swap3A_275 = tpu.vector_load %arg15[%swap3A_273, %swap3A_274] {strides = array<i32>} : memref<40x128xf32, #tpu.memory_space<vmem>>, vector<16xf32>,
      tpu.vector_store %arg15[%swap3A_273, %swap3A_274], %exp3A_269 {strides = array<i32>} : memref<40x128xf32, #tpu.memory_space<vmem>>, vector<16xf32>,
      %get3A_276 = arith.index_cast %while3A_159 : i32 to index
      %get3A_277 = arith.constant 96 : index
      %get3A_278 = tpu.vector_load %arg12[%get3A_276, %get3A_277] {strides = array<i32>} : memref<40x128xi32, #tpu.memory_space<vmem>>, vector<16xi32>,
      %get3A_279 = arith.index_cast %while3A_159 : i32 to index
      %get3A_280 = arith.constant 96 : index
      %get3A_281 = tpu.vector_load %arg13[%get3A_279, %get3A_280] {strides = array<i32>} : memref<40x128xi32, #tpu.memory_space<vmem>>, vector<16xi32>,
      %gather3A_282 = tpu.vector_load_idx %arg8[%get3A_278] : memref<10240xf32, #tpu.memory_space<vmem>>[vector<16xi32>], vector<16xf32>,
      %gather3A_283 = tpu.vector_load_idx %arg10[%get3A_281] : memref<10240xf32, #tpu.memory_space<vmem>>[vector<16xi32>], vector<16xf32>,
      %add3A_284 = arith.addf %gather3A_282, %gather3A_283 : vector<16xf32>
      %exp3A_285 = math.exp %add3A_284 : vector<16xf32>
      %gather3A_286 = tpu.vector_load_idx %arg9[%get3A_278] : memref<10240xf32, #tpu.memory_space<vmem>>[vector<16xi32>], vector<16xf32>,
      %gather3A_287 = tpu.vector_load_idx %arg11[%get3A_281] : memref<10240xf32, #tpu.memory_space<vmem>>[vector<16xi32>], vector<16xf32>,
      %add3A_288 = arith.addf %gather3A_286, %gather3A_287 : vector<16xf32>
      %exp3A_289 = math.exp %add3A_288 : vector<16xf32>
      %swap3A_290 = arith.index_cast %while3A_159 : i32 to index
      %swap3A_291 = arith.constant 96 : index
      %swap3A_292 = tpu.vector_load %arg14[%swap3A_290, %swap3A_291] {strides = array<i32>} : memref<40x128xf32, #tpu.memory_space<vmem>>, vector<16xf32>,
      tpu.vector_store %arg14[%swap3A_290, %swap3A_291], %exp3A_285 {strides = array<i32>} : memref<40x128xf32, #tpu.memory_space<vmem>>, vector<16xf32>,
      %swap3A_293 = arith.index_cast %while3A_159 : i32 to index
      %swap3A_294 = arith.constant 96 : index
      %swap3A_295 = tpu.vector_load %arg15[%swap3A_293, %swap3A_294] {strides = array<i32>} : memref<40x128xf32, #tpu.memory_space<vmem>>, vector<16xf32>,
      tpu.vector_store %arg15[%swap3A_293, %swap3A_294], %exp3A_289 {strides = array<i32>} : memref<40x128xf32, #tpu.memory_space<vmem>>, vector<16xf32>,
      %get3A_296 = arith.index_cast %while3A_159 : i32 to index
      %get3A_297 = arith.constant 112 : index
      %get3A_298 = tpu.vector_load %arg12[%get3A_296, %get3A_297] {strides = array<i32>} : memref<40x128xi32, #tpu.memory_space<vmem>>, vector<16xi32>,
      %get3A_299 = arith.index_cast %while3A_159 : i32 to index
      %get3A_300 = arith.constant 112 : index
      %get3A_301 = tpu.vector_load %arg13[%get3A_299, %get3A_300] {strides = array<i32>} : memref<40x128xi32, #tpu.memory_space<vmem>>, vector<16xi32>,
      %gather3A_302 = tpu.vector_load_idx %arg8[%get3A_298] : memref<10240xf32, #tpu.memory_space<vmem>>[vector<16xi32>], vector<16xf32>,
      %gather3A_303 = tpu.vector_load_idx %arg10[%get3A_301] : memref<10240xf32, #tpu.memory_space<vmem>>[vector<16xi32>], vector<16xf32>,
      %add3A_304 = arith.addf %gather3A_302, %gather3A_303 : vector<16xf32>
      %exp3A_305 = math.exp %add3A_304 : vector<16xf32>
      %gather3A_306 = tpu.vector_load_idx %arg9[%get3A_298] : memref<10240xf32, #tpu.memory_space<vmem>>[vector<16xi32>], vector<16xf32>,
      %gather3A_307 = tpu.vector_load_idx %arg11[%get3A_301] : memref<10240xf32, #tpu.memory_space<vmem>>[vector<16xi32>], vector<16xf32>,
      %add3A_308 = arith.addf %gather3A_306, %gather3A_307 : vector<16xf32>
      %exp3A_309 = math.exp %add3A_308 : vector<16xf32>
      %swap3A_310 = arith.index_cast %while3A_159 : i32 to index
      %swap3A_311 = arith.constant 112 : index
      %swap3A_312 = tpu.vector_load %arg14[%swap3A_310, %swap3A_311] {strides = array<i32>} : memref<40x128xf32, #tpu.memory_space<vmem>>, vector<16xf32>,
      tpu.vector_store %arg14[%swap3A_310, %swap3A_311], %exp3A_305 {strides = array<i32>} : memref<40x128xf32, #tpu.memory_space<vmem>>, vector<16xf32>,
      %swap3A_313 = arith.index_cast %while3A_159 : i32 to index
      %swap3A_314 = arith.constant 112 : index
      %swap3A_315 = tpu.vector_load %arg15[%swap3A_313, %swap3A_314] {strides = array<i32>} : memref<40x128xf32, #tpu.memory_space<vmem>>, vector<16xf32>,
      tpu.vector_store %arg15[%swap3A_313, %swap3A_314], %exp3A_309 {strides = array<i32>} : memref<40x128xf32, #tpu.memory_space<vmem>>, vector<16xf32>,
      %dma_start3A_316 = arith.constant 0 : i32
      %dma_start3A_317 = tpu.memref_slice %arg14[%while3A_159, %dma_start3A_316] : memref<40x128xf32, #tpu.memory_space<vmem>> -> memref<1x128xf32, #tpu.memory_space<vmem>>
      %dma_start3A_318 = tpu.memref_squeeze %dma_start3A_317 : memref<1x128xf32, #tpu.memory_space<vmem>> -> memref<128xf32, #tpu.memory_space<vmem>>
      %dma_start3A_319 = arith.constant 0 : i32
      %dma_start3A_320 = tpu.memref_slice %arg13[%while3A_159, %dma_start3A_319] : memref<40x128xi32, #tpu.memory_space<vmem>> -> memref<1x128xi32, #tpu.memory_space<vmem>>
      %dma_start3A_321 = tpu.memref_squeeze %dma_start3A_320 : memref<1x128xi32, #tpu.memory_space<vmem>> -> memref<128xi32, #tpu.memory_space<vmem>>
      %dma_start3A_322 = arith.constant 0 : i32
      %dma_start3A_323 = tpu.memref_slice %arg16[%dma_start3A_322] : memref<10240xf32, #tpu.memory_space<vmem_shared>> -> memref<10240xf32, #tpu.memory_space<vmem_shared>>
      tpu.enqueue_indirect_dma source(%dma_start3A_318 : memref<128xf32, #tpu.memory_space<vmem>>) target(%dma_start3A_323 : memref<10240xf32, #tpu.memory_space<vmem_shared>>) offsets(%dma_start3A_321 : memref<128xi32, #tpu.memory_space<vmem>>) semaphore(%arg19 : memref<!tpu.dma_semaphore, #tpu.memory_space<semaphore_mem>>) {add = true}
      %dma_start3A_324 = arith.constant 0 : i32
      %dma_start3A_325 = tpu.memref_slice %arg15[%while3A_159, %dma_start3A_324] : memref<40x128xf32, #tpu.memory_space<vmem>> -> memref<1x128xf32, #tpu.memory_space<vmem>>
      %dma_start3A_326 = tpu.memref_squeeze %dma_start3A_325 : memref<1x128xf32, #tpu.memory_space<vmem>> -> memref<128xf32, #tpu.memory_space<vmem>>
      %dma_start3A_327 = arith.constant 0 : i32
      %dma_start3A_328 = tpu.memref_slice %arg13[%while3A_159, %dma_start3A_327] : memref<40x128xi32, #tpu.memory_space<vmem>> -> memref<1x128xi32, #tpu.memory_space<vmem>>
      %dma_start3A_329 = tpu.memref_squeeze %dma_start3A_328 : memref<1x128xi32, #tpu.memory_space<vmem>> -> memref<128xi32, #tpu.memory_space<vmem>>
      %dma_start3A_330 = arith.constant 0 : i32
      %dma_start3A_331 = tpu.memref_slice %arg17[%dma_start3A_330] : memref<10240xf32, #tpu.memory_space<vmem_shared>> -> memref<10240xf32, #tpu.memory_space<vmem_shared>>
      tpu.enqueue_indirect_dma source(%dma_start3A_326 : memref<128xf32, #tpu.memory_space<vmem>>) target(%dma_start3A_331 : memref<10240xf32, #tpu.memory_space<vmem_shared>>) offsets(%dma_start3A_329 : memref<128xi32, #tpu.memory_space<vmem>>) semaphore(%arg19 : memref<!tpu.dma_semaphore, #tpu.memory_space<semaphore_mem>>) {add = true}
    }
    %while3A_98 = arith.constant 1 : i32
    scf.for %while3A_159 = %while3A_96 to %while3A_92 step %while3A_98  : i32 {
      %get3A = arith.index_cast %while3A_159 : i32 to index
      %get3A_160 = arith.constant 0 : index
      %get3A_161 = tpu.vector_load %arg12[%get3A, %get3A_160] {strides = array<i32>} : memref<40x128xi32, #tpu.memory_space<vmem>>, vector<16xi32>,
      %get3A_162 = arith.index_cast %while3A_159 : i32 to index
      %get3A_163 = arith.constant 0 : index
      %get3A_164 = tpu.vector_load %arg13[%get3A_162, %get3A_163] {strides = array<i32>} : memref<40x128xi32, #tpu.memory_space<vmem>>, vector<16xi32>,
      %gather3A = tpu.vector_load_idx %arg8[%get3A_161] : memref<10240xf32, #tpu.memory_space<vmem>>[vector<16xi32>], vector<16xf32>,
      %gather3A_165 = tpu.vector_load_idx %arg10[%get3A_164] : memref<10240xf32, #tpu.memory_space<vmem>>[vector<16xi32>], vector<16xf32>,
      %add3A_166 = arith.addf %gather3A, %gather3A_165 : vector<16xf32>
      %exp3A = math.exp %add3A_166 : vector<16xf32>
      %gather3A_167 = tpu.vector_load_idx %arg9[%get3A_161] : memref<10240xf32, #tpu.memory_space<vmem>>[vector<16xi32>], vector<16xf32>,
      %gather3A_168 = tpu.vector_load_idx %arg11[%get3A_164] : memref<10240xf32, #tpu.memory_space<vmem>>[vector<16xi32>], vector<16xf32>,
      %add3A_169 = arith.addf %gather3A_167, %gather3A_168 : vector<16xf32>
      %exp3A_170 = math.exp %add3A_169 : vector<16xf32>
      %swap3A = arith.index_cast %while3A_159 : i32 to index
      %swap3A_171 = arith.constant 0 : index
      %swap3A_172 = tpu.vector_load %arg14[%swap3A, %swap3A_171] {strides = array<i32>} : memref<40x128xf32, #tpu.memory_space<vmem>>, vector<16xf32>,
      tpu.vector_store %arg14[%swap3A, %swap3A_171], %exp3A {strides = array<i32>} : memref<40x128xf32, #tpu.memory_space<vmem>>, vector<16xf32>,
      %swap3A_173 = arith.index_cast %while3A_159 : i32 to index
      %swap3A_174 = arith.constant 0 : index
      %swap3A_175 = tpu.vector_load %arg15[%swap3A_173, %swap3A_174] {strides = array<i32>} : memref<40x128xf32, #tpu.memory_space<vmem>>, vector<16xf32>,
      tpu.vector_store %arg15[%swap3A_173, %swap3A_174], %exp3A_170 {strides = array<i32>} : memref<40x128xf32, #tpu.memory_space<vmem>>, vector<16xf32>,
      %get3A_176 = arith.index_cast %while3A_159 : i32 to index
      %get3A_177 = arith.constant 16 : index
      %get3A_178 = tpu.vector_load %arg12[%get3A_176, %get3A_177] {strides = array<i32>} : memref<40x128xi32, #tpu.memory_space<vmem>>, vector<16xi32>,
      %get3A_179 = arith.index_cast %while3A_159 : i32 to index
      %get3A_180 = arith.constant 16 : index
      %get3A_181 = tpu.vector_load %arg13[%get3A_179, %get3A_180] {strides = array<i32>} : memref<40x128xi32, #tpu.memory_space<vmem>>, vector<16xi32>,
      %gather3A_182 = tpu.vector_load_idx %arg8[%get3A_178] : memref<10240xf32, #tpu.memory_space<vmem>>[vector<16xi32>], vector<16xf32>,
      %gather3A_183 = tpu.vector_load_idx %arg10[%get3A_181] : memref<10240xf32, #tpu.memory_space<vmem>>[vector<16xi32>], vector<16xf32>,
      %add3A_184 = arith.addf %gather3A_182, %gather3A_183 : vector<16xf32>
      %exp3A_185 = math.exp %add3A_184 : vector<16xf32>
      %gather3A_186 = tpu.vector_load_idx %arg9[%get3A_178] : memref<10240xf32, #tpu.memory_space<vmem>>[vector<16xi32>], vector<16xf32>,
      %gather3A_187 = tpu.vector_load_idx %arg11[%get3A_181] : memref<10240xf32, #tpu.memory_space<vmem>>[vector<16xi32>], vector<16xf32>,
      %add3A_188 = arith.addf %gather3A_186, %gather3A_187 : vector<16xf32>
      %exp3A_189 = math.exp %add3A_188 : vector<16xf32>
      %swap3A_190 = arith.index_cast %while3A_159 : i32 to index
      %swap3A_191 = arith.constant 16 : index
      %swap3A_192 = tpu.vector_load %arg14[%swap3A_190, %swap3A_191] {strides = array<i32>} : memref<40x128xf32, #tpu.memory_space<vmem>>, vector<16xf32>,
      tpu.vector_store %arg14[%swap3A_190, %swap3A_191], %exp3A_185 {strides = array<i32>} : memref<40x128xf32, #tpu.memory_space<vmem>>, vector<16xf32>,
      %swap3A_193 = arith.index_cast %while3A_159 : i32 to index
      %swap3A_194 = arith.constant 16 : index
      %swap3A_195 = tpu.vector_load %arg15[%swap3A_193, %swap3A_194] {strides = array<i32>} : memref<40x128xf32, #tpu.memory_space<vmem>>, vector<16xf32>,
      tpu.vector_store %arg15[%swap3A_193, %swap3A_194], %exp3A_189 {strides = array<i32>} : memref<40x128xf32, #tpu.memory_space<vmem>>, vector<16xf32>,
      %get3A_196 = arith.index_cast %while3A_159 : i32 to index
      %get3A_197 = arith.constant 32 : index
      %get3A_198 = tpu.vector_load %arg12[%get3A_196, %get3A_197] {strides = array<i32>} : memref<40x128xi32, #tpu.memory_space<vmem>>, vector<16xi32>,
      %get3A_199 = arith.index_cast %while3A_159 : i32 to index
      %get3A_200 = arith.constant 32 : index
      %get3A_201 = tpu.vector_load %arg13[%get3A_199, %get3A_200] {strides = array<i32>} : memref<40x128xi32, #tpu.memory_space<vmem>>, vector<16xi32>,
      %gather3A_202 = tpu.vector_load_idx %arg8[%get3A_198] : memref<10240xf32, #tpu.memory_space<vmem>>[vector<16xi32>], vector<16xf32>,
      %gather3A_203 = tpu.vector_load_idx %arg10[%get3A_201] : memref<10240xf32, #tpu.memory_space<vmem>>[vector<16xi32>], vector<16xf32>,
      %add3A_204 = arith.addf %gather3A_202, %gather3A_203 : vector<16xf32>
      %exp3A_205 = math.exp %add3A_204 : vector<16xf32>
      %gather3A_206 = tpu.vector_load_idx %arg9[%get3A_198] : memref<10240xf32, #tpu.memory_space<vmem>>[vector<16xi32>], vector<16xf32>,
      %gather3A_207 = tpu.vector_load_idx %arg11[%get3A_201] : memref<10240xf32, #tpu.memory_space<vmem>>[vector<16xi32>], vector<16xf32>,
      %add3A_208 = arith.addf %gather3A_206, %gather3A_207 : vector<16xf32>
      %exp3A_209 = math.exp %add3A_208 : vector<16xf32>
      %swap3A_210 = arith.index_cast %while3A_159 : i32 to index
      %swap3A_211 = arith.constant 32 : index
      %swap3A_212 = tpu.vector_load %arg14[%swap3A_210, %swap3A_211] {strides = array<i32>} : memref<40x128xf32, #tpu.memory_space<vmem>>, vector<16xf32>,
      tpu.vector_store %arg14[%swap3A_210, %swap3A_211], %exp3A_205 {strides = array<i32>} : memref<40x128xf32, #tpu.memory_space<vmem>>, vector<16xf32>,
      %swap3A_213 = arith.index_cast %while3A_159 : i32 to index
      %swap3A_214 = arith.constant 32 : index
      %swap3A_215 = tpu.vector_load %arg15[%swap3A_213, %swap3A_214] {strides = array<i32>} : memref<40x128xf32, #tpu.memory_space<vmem>>, vector<16xf32>,
      tpu.vector_store %arg15[%swap3A_213, %swap3A_214], %exp3A_209 {strides = array<i32>} : memref<40x128xf32, #tpu.memory_space<vmem>>, vector<16xf32>,
      %get3A_216 = arith.index_cast %while3A_159 : i32 to index
      %get3A_217 = arith.constant 48 : index
      %get3A_218 = tpu.vector_load %arg12[%get3A_216, %get3A_217] {strides = array<i32>} : memref<40x128xi32, #tpu.memory_space<vmem>>, vector<16xi32>,
      %get3A_219 = arith.index_cast %while3A_159 : i32 to index
      %get3A_220 = arith.constant 48 : index
      %get3A_221 = tpu.vector_load %arg13[%get3A_219, %get3A_220] {strides = array<i32>} : memref<40x128xi32, #tpu.memory_space<vmem>>, vector<16xi32>,
      %gather3A_222 = tpu.vector_load_idx %arg8[%get3A_218] : memref<10240xf32, #tpu.memory_space<vmem>>[vector<16xi32>], vector<16xf32>,
      %gather3A_223 = tpu.vector_load_idx %arg10[%get3A_221] : memref<10240xf32, #tpu.memory_space<vmem>>[vector<16xi32>], vector<16xf32>,
      %add3A_224 = arith.addf %gather3A_222, %gather3A_223 : vector<16xf32>
      %exp3A_225 = math.exp %add3A_224 : vector<16xf32>
      %gather3A_226 = tpu.vector_load_idx %arg9[%get3A_218] : memref<10240xf32, #tpu.memory_space<vmem>>[vector<16xi32>], vector<16xf32>,
      %gather3A_227 = tpu.vector_load_idx %arg11[%get3A_221] : memref<10240xf32, #tpu.memory_space<vmem>>[vector<16xi32>], vector<16xf32>,
      %add3A_228 = arith.addf %gather3A_226, %gather3A_227 : vector<16xf32>
      %exp3A_229 = math.exp %add3A_228 : vector<16xf32>
      %swap3A_230 = arith.index_cast %while3A_159 : i32 to index
      %swap3A_231 = arith.constant 48 : index
      %swap3A_232 = tpu.vector_load %arg14[%swap3A_230, %swap3A_231] {strides = array<i32>} : memref<40x128xf32, #tpu.memory_space<vmem>>, vector<16xf32>,
      tpu.vector_store %arg14[%swap3A_230, %swap3A_231], %exp3A_225 {strides = array<i32>} : memref<40x128xf32, #tpu.memory_space<vmem>>, vector<16xf32>,
      %swap3A_233 = arith.index_cast %while3A_159 : i32 to index
      %swap3A_234 = arith.constant 48 : index
      %swap3A_235 = tpu.vector_load %arg15[%swap3A_233, %swap3A_234] {strides = array<i32>} : memref<40x128xf32, #tpu.memory_space<vmem>>, vector<16xf32>,
      tpu.vector_store %arg15[%swap3A_233, %swap3A_234], %exp3A_229 {strides = array<i32>} : memref<40x128xf32, #tpu.memory_space<vmem>>, vector<16xf32>,
      %get3A_236 = arith.index_cast %while3A_159 : i32 to index
      %get3A_237 = arith.constant 64 : index
      %get3A_238 = tpu.vector_load %arg12[%get3A_236, %get3A_237] {strides = array<i32>} : memref<40x128xi32, #tpu.memory_space<vmem>>, vector<16xi32>,
      %get3A_239 = arith.index_cast %while3A_159 : i32 to index
      %get3A_240 = arith.constant 64 : index
      %get3A_241 = tpu.vector_load %arg13[%get3A_239, %get3A_240] {strides = array<i32>} : memref<40x128xi32, #tpu.memory_space<vmem>>, vector<16xi32>,
      %gather3A_242 = tpu.vector_load_idx %arg8[%get3A_238] : memref<10240xf32, #tpu.memory_space<vmem>>[vector<16xi32>], vector<16xf32>,
      %gather3A_243 = tpu.vector_load_idx %arg10[%get3A_241] : memref<10240xf32, #tpu.memory_space<vmem>>[vector<16xi32>], vector<16xf32>,
      %add3A_244 = arith.addf %gather3A_242, %gather3A_243 : vector<16xf32>
      %exp3A_245 = math.exp %add3A_244 : vector<16xf32>
      %gather3A_246 = tpu.vector_load_idx %arg9[%get3A_238] : memref<10240xf32, #tpu.memory_space<vmem>>[vector<16xi32>], vector<16xf32>,
      %gather3A_247 = tpu.vector_load_idx %arg11[%get3A_241] : memref<10240xf32, #tpu.memory_space<vmem>>[vector<16xi32>], vector<16xf32>,
      %add3A_248 = arith.addf %gather3A_246, %gather3A_247 : vector<16xf32>
      %exp3A_249 = math.exp %add3A_248 : vector<16xf32>
      %swap3A_250 = arith.index_cast %while3A_159 : i32 to index
      %swap3A_251 = arith.constant 64 : index
      %swap3A_252 = tpu.vector_load %arg14[%swap3A_250, %swap3A_251] {strides = array<i32>} : memref<40x128xf32, #tpu.memory_space<vmem>>, vector<16xf32>,
      tpu.vector_store %arg14[%swap3A_250, %swap3A_251], %exp3A_245 {strides = array<i32>} : memref<40x128xf32, #tpu.memory_space<vmem>>, vector<16xf32>,
      %swap3A_253 = arith.index_cast %while3A_159 : i32 to index
      %swap3A_254 = arith.constant 64 : index
      %swap3A_255 = tpu.vector_load %arg15[%swap3A_253, %swap3A_254] {strides = array<i32>} : memref<40x128xf32, #tpu.memory_space<vmem>>, vector<16xf32>,
      tpu.vector_store %arg15[%swap3A_253, %swap3A_254], %exp3A_249 {strides = array<i32>} : memref<40x128xf32, #tpu.memory_space<vmem>>, vector<16xf32>,
      %get3A_256 = arith.index_cast %while3A_159 : i32 to index
      %get3A_257 = arith.constant 80 : index
      %get3A_258 = tpu.vector_load %arg12[%get3A_256, %get3A_257] {strides = array<i32>} : memref<40x128xi32, #tpu.memory_space<vmem>>, vector<16xi32>,
      %get3A_259 = arith.index_cast %while3A_159 : i32 to index
      %get3A_260 = arith.constant 80 : index
      %get3A_261 = tpu.vector_load %arg13[%get3A_259, %get3A_260] {strides = array<i32>} : memref<40x128xi32, #tpu.memory_space<vmem>>, vector<16xi32>,
      %gather3A_262 = tpu.vector_load_idx %arg8[%get3A_258] : memref<10240xf32, #tpu.memory_space<vmem>>[vector<16xi32>], vector<16xf32>,
      %gather3A_263 = tpu.vector_load_idx %arg10[%get3A_261] : memref<10240xf32, #tpu.memory_space<vmem>>[vector<16xi32>], vector<16xf32>,
      %add3A_264 = arith.addf %gather3A_262, %gather3A_263 : vector<16xf32>
      %exp3A_265 = math.exp %add3A_264 : vector<16xf32>
      %gather3A_266 = tpu.vector_load_idx %arg9[%get3A_258] : memref<10240xf32, #tpu.memory_space<vmem>>[vector<16xi32>], vector<16xf32>,
      %gather3A_267 = tpu.vector_load_idx %arg11[%get3A_261] : memref<10240xf32, #tpu.memory_space<vmem>>[vector<16xi32>], vector<16xf32>,
      %add3A_268 = arith.addf %gather3A_266, %gather3A_267 : vector<16xf32>
      %exp3A_269 = math.exp %add3A_268 : vector<16xf32>
      %swap3A_270 = arith.index_cast %while3A_159 : i32 to index
      %swap3A_271 = arith.constant 80 : index
      %swap3A_272 = tpu.vector_load %arg14[%swap3A_270, %swap3A_271] {strides = array<i32>} : memref<40x128xf32, #tpu.memory_space<vmem>>, vector<16xf32>,
      tpu.vector_store %arg14[%swap3A_270, %swap3A_271], %exp3A_265 {strides = array<i32>} : memref<40x128xf32, #tpu.memory_space<vmem>>, vector<16xf32>,
      %swap3A_273 = arith.index_cast %while3A_159 : i32 to index
      %swap3A_274 = arith.constant 80 : index
      %swap3A_275 = tpu.vector_load %arg15[%swap3A_273, %swap3A_274] {strides = array<i32>} : memref<40x128xf32, #tpu.memory_space<vmem>>, vector<16xf32>,
      tpu.vector_store %arg15[%swap3A_273, %swap3A_274], %exp3A_269 {strides = array<i32>} : memref<40x128xf32, #tpu.memory_space<vmem>>, vector<16xf32>,
      %get3A_276 = arith.index_cast %while3A_159 : i32 to index
      %get3A_277 = arith.constant 96 : index
      %get3A_278 = tpu.vector_load %arg12[%get3A_276, %get3A_277] {strides = array<i32>} : memref<40x128xi32, #tpu.memory_space<vmem>>, vector<16xi32>,
      %get3A_279 = arith.index_cast %while3A_159 : i32 to index
      %get3A_280 = arith.constant 96 : index
      %get3A_281 = tpu.vector_load %arg13[%get3A_279, %get3A_280] {strides = array<i32>} : memref<40x128xi32, #tpu.memory_space<vmem>>, vector<16xi32>,
      %gather3A_282 = tpu.vector_load_idx %arg8[%get3A_278] : memref<10240xf32, #tpu.memory_space<vmem>>[vector<16xi32>], vector<16xf32>,
      %gather3A_283 = tpu.vector_load_idx %arg10[%get3A_281] : memref<10240xf32, #tpu.memory_space<vmem>>[vector<16xi32>], vector<16xf32>,
      %add3A_284 = arith.addf %gather3A_282, %gather3A_283 : vector<16xf32>
      %exp3A_285 = math.exp %add3A_284 : vector<16xf32>
      %gather3A_286 = tpu.vector_load_idx %arg9[%get3A_278] : memref<10240xf32, #tpu.memory_space<vmem>>[vector<16xi32>], vector<16xf32>,
      %gather3A_287 = tpu.vector_load_idx %arg11[%get3A_281] : memref<10240xf32, #tpu.memory_space<vmem>>[vector<16xi32>], vector<16xf32>,
      %add3A_288 = arith.addf %gather3A_286, %gather3A_287 : vector<16xf32>
      %exp3A_289 = math.exp %add3A_288 : vector<16xf32>
      %swap3A_290 = arith.index_cast %while3A_159 : i32 to index
      %swap3A_291 = arith.constant 96 : index
      %swap3A_292 = tpu.vector_load %arg14[%swap3A_290, %swap3A_291] {strides = array<i32>} : memref<40x128xf32, #tpu.memory_space<vmem>>, vector<16xf32>,
      tpu.vector_store %arg14[%swap3A_290, %swap3A_291], %exp3A_285 {strides = array<i32>} : memref<40x128xf32, #tpu.memory_space<vmem>>, vector<16xf32>,
      %swap3A_293 = arith.index_cast %while3A_159 : i32 to index
      %swap3A_294 = arith.constant 96 : index
      %swap3A_295 = tpu.vector_load %arg15[%swap3A_293, %swap3A_294] {strides = array<i32>} : memref<40x128xf32, #tpu.memory_space<vmem>>, vector<16xf32>,
      tpu.vector_store %arg15[%swap3A_293, %swap3A_294], %exp3A_289 {strides = array<i32>} : memref<40x128xf32, #tpu.memory_space<vmem>>, vector<16xf32>,
      %get3A_296 = arith.index_cast %while3A_159 : i32 to index
      %get3A_297 = arith.constant 112 : index
      %get3A_298 = tpu.vector_load %arg12[%get3A_296, %get3A_297] {strides = array<i32>} : memref<40x128xi32, #tpu.memory_space<vmem>>, vector<16xi32>,
      %get3A_299 = arith.index_cast %while3A_159 : i32 to index
      %get3A_300 = arith.constant 112 : index
      %get3A_301 = tpu.vector_load %arg13[%get3A_299, %get3A_300] {strides = array<i32>} : memref<40x128xi32, #tpu.memory_space<vmem>>, vector<16xi32>,
      %gather3A_302 = tpu.vector_load_idx %arg8[%get3A_298] : memref<10240xf32, #tpu.memory_space<vmem>>[vector<16xi32>], vector<16xf32>,
      %gather3A_303 = tpu.vector_load_idx %arg10[%get3A_301] : memref<10240xf32, #tpu.memory_space<vmem>>[vector<16xi32>], vector<16xf32>,
      %add3A_304 = arith.addf %gather3A_302, %gather3A_303 : vector<16xf32>
      %exp3A_305 = math.exp %add3A_304 : vector<16xf32>
      %gather3A_306 = tpu.vector_load_idx %arg9[%get3A_298] : memref<10240xf32, #tpu.memory_space<vmem>>[vector<16xi32>], vector<16xf32>,
      %gather3A_307 = tpu.vector_load_idx %arg11[%get3A_301] : memref<10240xf32, #tpu.memory_space<vmem>>[vector<16xi32>], vector<16xf32>,
      %add3A_308 = arith.addf %gather3A_306, %gather3A_307 : vector<16xf32>
      %exp3A_309 = math.exp %add3A_308 : vector<16xf32>
      %swap3A_310 = arith.index_cast %while3A_159 : i32 to index
      %swap3A_311 = arith.constant 112 : index
      %swap3A_312 = tpu.vector_load %arg14[%swap3A_310, %swap3A_311] {strides = array<i32>} : memref<40x128xf32, #tpu.memory_space<vmem>>, vector<16xf32>,
      tpu.vector_store %arg14[%swap3A_310, %swap3A_311], %exp3A_305 {strides = array<i32>} : memref<40x128xf32, #tpu.memory_space<vmem>>, vector<16xf32>,
      %swap3A_313 = arith.index_cast %while3A_159 : i32 to index
      %swap3A_314 = arith.constant 112 : index
      %swap3A_315 = tpu.vector_load %arg15[%swap3A_313, %swap3A_314] {strides = array<i32>} : memref<40x128xf32, #tpu.memory_space<vmem>>, vector<16xf32>,
      tpu.vector_store %arg15[%swap3A_313, %swap3A_314], %exp3A_309 {strides = array<i32>} : memref<40x128xf32, #tpu.memory_space<vmem>>, vector<16xf32>,
      %dma_start3A_316 = arith.constant 0 : i32
      %dma_start3A_317 = tpu.memref_slice %arg14[%while3A_159, %dma_start3A_316] : memref<40x128xf32, #tpu.memory_space<vmem>> -> memref<1x128xf32, #tpu.memory_space<vmem>>
      %dma_start3A_318 = tpu.memref_squeeze %dma_start3A_317 : memref<1x128xf32, #tpu.memory_space<vmem>> -> memref<128xf32, #tpu.memory_space<vmem>>
      %dma_start3A_319 = arith.constant 0 : i32
      %dma_start3A_320 = tpu.memref_slice %arg13[%while3A_159, %dma_start3A_319] : memref<40x128xi32, #tpu.memory_space<vmem>> -> memref<1x128xi32, #tpu.memory_space<vmem>>
      %dma_start3A_321 = tpu.memref_squeeze %dma_start3A_320 : memref<1x128xi32, #tpu.memory_space<vmem>> -> memref<128xi32, #tpu.memory_space<vmem>>
      %dma_start3A_322 = arith.constant 0 : i32
      %dma_start3A_323 = tpu.memref_slice %arg16[%dma_start3A_322] : memref<10240xf32, #tpu.memory_space<vmem_shared>> -> memref<10240xf32, #tpu.memory_space<vmem_shared>>
      tpu.enqueue_indirect_dma source(%dma_start3A_318 : memref<128xf32, #tpu.memory_space<vmem>>) target(%dma_start3A_323 : memref<10240xf32, #tpu.memory_space<vmem_shared>>) offsets(%dma_start3A_321 : memref<128xi32, #tpu.memory_space<vmem>>) semaphore(%arg19 : memref<!tpu.dma_semaphore, #tpu.memory_space<semaphore_mem>>) {add = true}
      %dma_start3A_324 = arith.constant 0 : i32
      %dma_start3A_325 = tpu.memref_slice %arg15[%while3A_159, %dma_start3A_324] : memref<40x128xf32, #tpu.memory_space<vmem>> -> memref<1x128xf32, #tpu.memory_space<vmem>>
      %dma_start3A_326 = tpu.memref_squeeze %dma_start3A_325 : memref<1x128xf32, #tpu.memory_space<vmem>> -> memref<128xf32, #tpu.memory_space<vmem>>
      %dma_start3A_327 = arith.constant 0 : i32
      %dma_start3A_328 = tpu.memref_slice %arg13[%while3A_159, %dma_start3A_327] : memref<40x128xi32, #tpu.memory_space<vmem>> -> memref<1x128xi32, #tpu.memory_space<vmem>>
      %dma_start3A_329 = tpu.memref_squeeze %dma_start3A_328 : memref<1x128xi32, #tpu.memory_space<vmem>> -> memref<128xi32, #tpu.memory_space<vmem>>
      %dma_start3A_330 = arith.constant 0 : i32
      %dma_start3A_331 = tpu.memref_slice %arg17[%dma_start3A_330] : memref<10240xf32, #tpu.memory_space<vmem_shared>> -> memref<10240xf32, #tpu.memory_space<vmem_shared>>
      tpu.enqueue_indirect_dma source(%dma_start3A_326 : memref<128xf32, #tpu.memory_space<vmem>>) target(%dma_start3A_331 : memref<10240xf32, #tpu.memory_space<vmem_shared>>) offsets(%dma_start3A_329 : memref<128xi32, #tpu.memory_space<vmem>>) semaphore(%arg19 : memref<!tpu.dma_semaphore, #tpu.memory_space<semaphore_mem>>) {add = true}
    }
    %dma_start3A_99 = arith.constant 0 : i32
    %dma_start3A_100 = arith.constant 0 : i32
    %dma_start3A_101 = arith.constant 0 : i32
    %dma_start3A_102 = tpu.memref_slice %arg6[%dma_start3A_99, %add3A, %dma_start3A_100, %dma_start3A_101] : memref<2x32x40x128xf32, #tpu.memory_space<hbm>> -> memref<1x1x40x128xf32, #tpu.memory_space<hbm>>
    %dma_start3A_103 = tpu.memref_squeeze %dma_start3A_102 : memref<1x1x40x128xf32, #tpu.memory_space<hbm>> -> memref<40x128xf32, #tpu.memory_space<hbm>>
    %dma_start3A_104 = arith.constant 0 : i32
    %dma_start3A_105 = arith.constant 0 : i32
    %dma_start3A_106 = tpu.memref_slice %arg6[%dma_start3A_99, %add3A, %dma_start3A_104, %dma_start3A_105] : memref<2x32x40x128xf32, #tpu.memory_space<hbm>> -> memref<1x1x40x128xf32, #tpu.memory_space<hbm>>
    %dma_start3A_107 = tpu.memref_squeeze %dma_start3A_106 : memref<1x1x40x128xf32, #tpu.memory_space<hbm>> -> memref<40x128xf32, #tpu.memory_space<hbm>>
    tpu.enqueue_dma source(%arg14 : memref<40x128xf32, #tpu.memory_space<vmem>>) target(%dma_start3A_107 : memref<40x128xf32, #tpu.memory_space<hbm>>) target_semaphore(%arg20 : memref<!tpu.dma_semaphore, #tpu.memory_space<semaphore_mem>>)
    %dma_start3A_108 = arith.constant 1 : i32
    %dma_start3A_109 = arith.constant 0 : i32
    %dma_start3A_110 = arith.constant 0 : i32
    %dma_start3A_111 = tpu.memref_slice %arg6[%dma_start3A_108, %add3A, %dma_start3A_109, %dma_start3A_110] : memref<2x32x40x128xf32, #tpu.memory_space<hbm>> -> memref<1x1x40x128xf32, #tpu.memory_space<hbm>>
    %dma_start3A_112 = tpu.memref_squeeze %dma_start3A_111 : memref<1x1x40x128xf32, #tpu.memory_space<hbm>> -> memref<40x128xf32, #tpu.memory_space<hbm>>
    %dma_start3A_113 = arith.constant 0 : i32
    %dma_start3A_114 = arith.constant 0 : i32
    %dma_start3A_115 = tpu.memref_slice %arg6[%dma_start3A_108, %add3A, %dma_start3A_113, %dma_start3A_114] : memref<2x32x40x128xf32, #tpu.memory_space<hbm>> -> memref<1x1x40x128xf32, #tpu.memory_space<hbm>>
    %dma_start3A_116 = tpu.memref_squeeze %dma_start3A_115 : memref<1x1x40x128xf32, #tpu.memory_space<hbm>> -> memref<40x128xf32, #tpu.memory_space<hbm>>
    tpu.enqueue_dma source(%arg15 : memref<40x128xf32, #tpu.memory_space<vmem>>) target(%dma_start3A_116 : memref<40x128xf32, #tpu.memory_space<hbm>>) target_semaphore(%arg20 : memref<!tpu.dma_semaphore, #tpu.memory_space<semaphore_mem>>)
    %dma_wait3A_117 = arith.constant 0 : i32
    %dma_wait3A_118 = arith.constant 0 : i32
    %dma_wait3A_119 = arith.constant 0 : i32
    %dma_wait3A_120 = tpu.memref_slice %arg6[%dma_wait3A_117, %add3A, %dma_wait3A_118, %dma_wait3A_119] : memref<2x32x40x128xf32, #tpu.memory_space<hbm>> -> memref<1x1x40x128xf32, #tpu.memory_space<hbm>>
    %dma_wait3A_121 = tpu.memref_squeeze %dma_wait3A_120 : memref<1x1x40x128xf32, #tpu.memory_space<hbm>> -> memref<40x128xf32, #tpu.memory_space<hbm>>
    %dma_wait3A_122 = arith.constant 0 : i32
    %dma_wait3A_123 = arith.constant 0 : i32
    %dma_wait3A_124 = tpu.memref_slice %arg6[%dma_wait3A_117, %add3A, %dma_wait3A_122, %dma_wait3A_123] : memref<2x32x40x128xf32, #tpu.memory_space<hbm>> -> memref<1x1x40x128xf32, #tpu.memory_space<hbm>>
    %dma_wait3A_125 = tpu.memref_squeeze %dma_wait3A_124 : memref<1x1x40x128xf32, #tpu.memory_space<hbm>> -> memref<40x128xf32, #tpu.memory_space<hbm>>
    tpu.wait_dma2 semaphore(%arg19 : memref<!tpu.dma_semaphore, #tpu.memory_space<semaphore_mem>>) src(%dma_wait3A_125 : memref<40x128xf32, #tpu.memory_space<hbm>>) dst(%arg14 : memref<40x128xf32, #tpu.memory_space<vmem>>)
    %dma_wait3A_126 = arith.constant 1 : i32
    %dma_wait3A_127 = arith.constant 0 : i32
    %dma_wait3A_128 = arith.constant 0 : i32
    %dma_wait3A_129 = tpu.memref_slice %arg6[%dma_wait3A_126, %add3A, %dma_wait3A_127, %dma_wait3A_128] : memref<2x32x40x128xf32, #tpu.memory_space<hbm>> -> memref<1x1x40x128xf32, #tpu.memory_space<hbm>>
    %dma_wait3A_130 = tpu.memref_squeeze %dma_wait3A_129 : memref<1x1x40x128xf32, #tpu.memory_space<hbm>> -> memref<40x128xf32, #tpu.memory_space<hbm>>
    %dma_wait3A_131 = arith.constant 0 : i32
    %dma_wait3A_132 = arith.constant 0 : i32
    %dma_wait3A_133 = tpu.memref_slice %arg6[%dma_wait3A_126, %add3A, %dma_wait3A_131, %dma_wait3A_132] : memref<2x32x40x128xf32, #tpu.memory_space<hbm>> -> memref<1x1x40x128xf32, #tpu.memory_space<hbm>>
    %dma_wait3A_134 = tpu.memref_squeeze %dma_wait3A_133 : memref<1x1x40x128xf32, #tpu.memory_space<hbm>> -> memref<40x128xf32, #tpu.memory_space<hbm>>
    tpu.wait_dma2 semaphore(%arg19 : memref<!tpu.dma_semaphore, #tpu.memory_space<semaphore_mem>>) src(%dma_wait3A_134 : memref<40x128xf32, #tpu.memory_space<hbm>>) dst(%arg15 : memref<40x128xf32, #tpu.memory_space<vmem>>)
    %dma_wait3A_135 = arith.constant 0 : i32
    %dma_wait3A_136 = arith.constant 0 : i32
    %dma_wait3A_137 = arith.constant 0 : i32
    %dma_wait3A_138 = tpu.memref_slice %arg6[%dma_wait3A_135, %add3A, %dma_wait3A_136, %dma_wait3A_137] : memref<2x32x40x128xf32, #tpu.memory_space<hbm>> -> memref<1x1x40x128xf32, #tpu.memory_space<hbm>>
    %dma_wait3A_139 = tpu.memref_squeeze %dma_wait3A_138 : memref<1x1x40x128xf32, #tpu.memory_space<hbm>> -> memref<40x128xf32, #tpu.memory_space<hbm>>
    %dma_wait3A_140 = arith.constant 0 : i32
    %dma_wait3A_141 = arith.constant 0 : i32
    %dma_wait3A_142 = tpu.memref_slice %arg6[%dma_wait3A_135, %add3A, %dma_wait3A_140, %dma_wait3A_141] : memref<2x32x40x128xf32, #tpu.memory_space<hbm>> -> memref<1x1x40x128xf32, #tpu.memory_space<hbm>>
    %dma_wait3A_143 = tpu.memref_squeeze %dma_wait3A_142 : memref<1x1x40x128xf32, #tpu.memory_space<hbm>> -> memref<40x128xf32, #tpu.memory_space<hbm>>
    tpu.wait_dma2 semaphore(%arg20 : memref<!tpu.dma_semaphore, #tpu.memory_space<semaphore_mem>>) src(%arg14 : memref<40x128xf32, #tpu.memory_space<vmem>>) dst(%dma_wait3A_143 : memref<40x128xf32, #tpu.memory_space<hbm>>)
    %dma_wait3A_144 = arith.constant 1 : i32
    %dma_wait3A_145 = arith.constant 0 : i32
    %dma_wait3A_146 = arith.constant 0 : i32
    %dma_wait3A_147 = tpu.memref_slice %arg6[%dma_wait3A_144, %add3A, %dma_wait3A_145, %dma_wait3A_146] : memref<2x32x40x128xf32, #tpu.memory_space<hbm>> -> memref<1x1x40x128xf32, #tpu.memory_space<hbm>>
    %dma_wait3A_148 = tpu.memref_squeeze %dma_wait3A_147 : memref<1x1x40x128xf32, #tpu.memory_space<hbm>> -> memref<40x128xf32, #tpu.memory_space<hbm>>
    %dma_wait3A_149 = arith.constant 0 : i32
    %dma_wait3A_150 = arith.constant 0 : i32
    %dma_wait3A_151 = tpu.memref_slice %arg6[%dma_wait3A_144, %add3A, %dma_wait3A_149, %dma_wait3A_150] : memref<2x32x40x128xf32, #tpu.memory_space<hbm>> -> memref<1x1x40x128xf32, #tpu.memory_space<hbm>>
    %dma_wait3A_152 = tpu.memref_squeeze %dma_wait3A_151 : memref<1x1x40x128xf32, #tpu.memory_space<hbm>> -> memref<40x128xf32, #tpu.memory_space<hbm>>
    tpu.wait_dma2 semaphore(%arg20 : memref<!tpu.dma_semaphore, #tpu.memory_space<semaphore_mem>>) src(%arg15 : memref<40x128xf32, #tpu.memory_space<vmem>>) dst(%dma_wait3A_152 : memref<40x128xf32, #tpu.memory_space<hbm>>)
    %barrier3A_153 = arith.constant 0 : index
    tpu.barrier barrier_id(%barrier3A_153)
    %eq3A_154 = arith.constant 0 : i32
    %eq3A_155 = arith.cmpi eq, %arg1, %eq3A_154 : i32
    %convert_element_type3A_156 = arith.extui %eq3A_155 : i1 to i32
    %cond3A_157 = arith.constant 0 : i32
    %cond3A_158 = arith.cmpi ne, %convert_element_type3A_156, %cond3A_157 : i32
    scf.if %cond3A_158 {
      %mul3A_159 = arith.constant 2 : i32
      %mul3A_160 = arith.muli %mul3A_159, %arg0 : i32
      %dma_start3A_161 = arith.constant 0 : i32
      %dma_start3A_162 = tpu.memref_slice %arg7[%mul3A_160, %dma_start3A_161] : memref<4x10240xf32, #tpu.memory_space<hbm>> -> memref<1x10240xf32, #tpu.memory_space<hbm>>
      %dma_start3A_163 = tpu.memref_squeeze %dma_start3A_162 : memref<1x10240xf32, #tpu.memory_space<hbm>> -> memref<10240xf32, #tpu.memory_space<hbm>>
      tpu.enqueue_dma source(%arg16 : memref<10240xf32, #tpu.memory_space<vmem_shared>>) target(%dma_start3A_163 : memref<10240xf32, #tpu.memory_space<hbm>>) target_semaphore(%arg20 : memref<!tpu.dma_semaphore, #tpu.memory_space<semaphore_mem>>)
      %mul3A_164 = arith.constant 2 : i32
      %mul3A_165 = arith.muli %mul3A_164, %arg0 : i32
      %add3A_166 = arith.constant 1 : i32
      %add3A_167 = arith.addi %mul3A_165, %add3A_166 : i32
      %dma_start3A_168 = arith.constant 0 : i32
      %dma_start3A_169 = tpu.memref_slice %arg7[%add3A_167, %dma_start3A_168] : memref<4x10240xf32, #tpu.memory_space<hbm>> -> memref<1x10240xf32, #tpu.memory_space<hbm>>
      %dma_start3A_170 = tpu.memref_squeeze %dma_start3A_169 : memref<1x10240xf32, #tpu.memory_space<hbm>> -> memref<10240xf32, #tpu.memory_space<hbm>>
      tpu.enqueue_dma source(%arg17 : memref<10240xf32, #tpu.memory_space<vmem_shared>>) target(%dma_start3A_170 : memref<10240xf32, #tpu.memory_space<hbm>>) target_semaphore(%arg20 : memref<!tpu.dma_semaphore, #tpu.memory_space<semaphore_mem>>)
      %dma_wait3A_171 = arith.constant 0 : i32
      %dma_wait3A_172 = tpu.memref_slice %arg7[%mul3A_160, %dma_wait3A_171] : memref<4x10240xf32, #tpu.memory_space<hbm>> -> memref<1x10240xf32, #tpu.memory_space<hbm>>
      %dma_wait3A_173 = tpu.memref_squeeze %dma_wait3A_172 : memref<1x10240xf32, #tpu.memory_space<hbm>> -> memref<10240xf32, #tpu.memory_space<hbm>>
      tpu.wait_dma2 semaphore(%arg20 : memref<!tpu.dma_semaphore, #tpu.memory_space<semaphore_mem>>) src(%arg16 : memref<10240xf32, #tpu.memory_space<vmem_shared>>) dst(%dma_wait3A_173 : memref<10240xf32, #tpu.memory_space<hbm>>)
      %dma_wait3A_174 = arith.constant 0 : i32
      %dma_wait3A_175 = tpu.memref_slice %arg7[%add3A_167, %dma_wait3A_174] : memref<4x10240xf32, #tpu.memory_space<hbm>> -> memref<1x10240xf32, #tpu.memory_space<hbm>>
      %dma_wait3A_176 = tpu.memref_squeeze %dma_wait3A_175 : memref<1x10240xf32, #tpu.memory_space<hbm>> -> memref<10240xf32, #tpu.memory_space<hbm>>
      tpu.wait_dma2 semaphore(%arg20 : memref<!tpu.dma_semaphore, #tpu.memory_space<semaphore_mem>>) src(%arg17 : memref<10240xf32, #tpu.memory_space<vmem_shared>>) dst(%dma_wait3A_176 : memref<10240xf32, #tpu.memory_space<hbm>>)
    } else {
    }
    return
  }
}

module attributes {stable_mosaic.version = 14 : i64} {
  func.func @body(%arg0: i32, %arg1: memref<2560x256xf32, #tpu.memory_space<vmem>>, %arg2: memref<8x256xf32, #tpu.memory_space<vmem>>, %arg3: memref<8x128xf32, #tpu.memory_space<vmem>>, %arg4: memref<8x2560xf32, #tpu.memory_space<vmem>>, %arg5: memref<2560x256xf32, #tpu.memory_space<vmem>>) attributes {dimension_semantics = [#tpu.dimension_semantics<arbitrary>], iteration_bounds = array<i64: 4>, scalar_prefetch = 0 : i64, scratch_operands = 0 : i64, tpu.core_type = #tpu.core_type<tc>, window_params = [{transform_indices = @transform_0, window_bounds = array<i64: 2560, 256>}, {transform_indices = @transform_1, window_bounds = array<i64: 8, 256>}, {transform_indices = @transform_2, window_bounds = array<i64: 8, 128>}, {transform_indices = @transform_3, window_bounds = array<i64: 8, 2560>}, {transform_indices = @transform_4, window_bounds = array<i64: 2560, 256>}]} {
    %get3A = arith.constant 0 : index
    %get3A_0 = arith.constant 0 : index
    %get3A_1 = vector.load %arg2[%get3A, %get3A_0] : memref<8x256xf32, #tpu.memory_space<vmem>>, vector<8x256xf32>
    %get3A_2 = arith.constant 0 : index
    %get3A_3 = arith.constant 0 : index
    %get3A_4 = vector.load %arg1[%get3A_2, %get3A_3] : memref<2560x256xf32, #tpu.memory_space<vmem>>, vector<2560x256xf32>
    %dot_general3A = arith.constant dense<0.000000e+00> : vector<8x2560xf32>
    %dot_general3A_5 = tpu.matmul %get3A_1, %get3A_4, %dot_general3A {dimension_numbers = #tpu.dot_dimension_numbers<[1], [1], [0], [0], [0, 0, 1, 0], [], []>, transpose_lhs_hint = false} : vector<8x256xf32>, vector<2560x256xf32>, vector<8x2560xf32> -> vector<8x2560xf32>
    %get3A_6 = arith.constant 0 : index
    %get3A_7 = arith.constant 0 : index
    %get3A_8 = vector.load %arg3[%get3A_6, %get3A_7] : memref<8x128xf32, #tpu.memory_space<vmem>>, vector<8x128xf32>
    %slice3A = vector.extract_strided_slice %get3A_8 {offsets = [0, 0], sizes = [8, 1], strides = [1, 1]} : vector<8x128xf32> to vector<8x1xf32>
    %add3A = vector.broadcast %slice3A : vector<8x1xf32> to vector<8x2560xf32>
    %add3A_9 = arith.addf %dot_general3A_5, %add3A : vector<8x2560xf32>
    %swap3A = arith.constant 0 : index
    %swap3A_10 = arith.constant 0 : index
    %swap3A_11 = vector.load %arg4[%swap3A, %swap3A_10] : memref<8x2560xf32, #tpu.memory_space<vmem>>, vector<8x2560xf32>
    tpu.vector_store %arg4[%swap3A, %swap3A_10], %add3A_9 {strides = array<i32>} : memref<8x2560xf32, #tpu.memory_space<vmem>>, vector<8x2560xf32>,
    %get3A_12 = arith.constant 0 : index
    %get3A_13 = arith.constant 0 : index
    %get3A_14 = vector.load %arg1[%get3A_12, %get3A_13] : memref<2560x256xf32, #tpu.memory_space<vmem>>, vector<2560x256xf32>
    %swap3A_15 = arith.constant 0 : index
    %swap3A_16 = arith.constant 0 : index
    %swap3A_17 = vector.load %arg5[%swap3A_15, %swap3A_16] : memref<2560x256xf32, #tpu.memory_space<vmem>>, vector<2560x256xf32>
    tpu.vector_store %arg5[%swap3A_15, %swap3A_16], %get3A_14 {strides = array<i32>} : memref<2560x256xf32, #tpu.memory_space<vmem>>, vector<2560x256xf32>,
    return
  }
  func.func @transform_0(%arg0: i32) -> (i32, i32) {
    %mul3A = arith.constant 0 : i32
    %mul3A_0 = arith.muli %arg0, %mul3A : i32
    %c0_i32 = arith.constant 0 : i32
    return %arg0, %mul3A_0 : i32, i32
  }
  func.func @transform_1(%arg0: i32) -> (i32, i32) {
    %mul3A = arith.constant 0 : i32
    %mul3A_0 = arith.muli %arg0, %mul3A : i32
    %mul3A_1 = arith.constant 0 : i32
    %mul3A_2 = arith.muli %arg0, %mul3A_1 : i32
    %c0_i32 = arith.constant 0 : i32
    return %mul3A_0, %mul3A_2 : i32, i32
  }
  func.func @transform_2(%arg0: i32) -> (i32, i32) {
    %mul3A = arith.constant 0 : i32
    %mul3A_0 = arith.muli %arg0, %mul3A : i32
    %mul3A_1 = arith.constant 0 : i32
    %mul3A_2 = arith.muli %arg0, %mul3A_1 : i32
    %c0_i32 = arith.constant 0 : i32
    return %mul3A_0, %mul3A_2 : i32, i32
  }
  func.func @transform_3(%arg0: i32) -> (i32, i32) {
    %mul3A = arith.constant 0 : i32
    %mul3A_0 = arith.muli %arg0, %mul3A : i32
    %c0_i32 = arith.constant 0 : i32
    return %mul3A_0, %arg0 : i32, i32
  }
  func.func @transform_4(%arg0: i32) -> (i32, i32) {
    %mul3A = arith.constant 0 : i32
    %mul3A_0 = arith.muli %arg0, %mul3A : i32
    %c0_i32 = arith.constant 0 : i32
    return %arg0, %mul3A_0 : i32, i32
  }
}

</mosaic_0001>

<sc_bundles>
// kernel: kernel.5.cloned.1.call-start
scs
__scs_entry_jumppad:
0x0: {  	(pc) =	sbr.rel $0x88, $3  }
0x1: {  	(tag) =	ssettag $0x0;
	lr =	simm.s32 $0x1  }
0x2: {  	[smem:$0x3F9C] =	sst lr;
	_ =	strace $0xD0000000  }
0x3: {  	_ = 	snop  }
0x4: {  	_ = 	snop  }
0x5: {  	_ = 	snop  }
0x6: {  	_ = 	snop  }
0x7: {  	_ = 	snop  }
__scs_overlays_trampoline_lowered:
0x8: {  	[smem:$0x3FAB] =	sst s0  }
0x9: {  	[smem:$0x3FAC] =	sst s1  }
0xa: {  	[smem:$0x3FAD] =	sst s2  }
0xb: {  	[smem:$0x3FAE] =	sst s3  }
0xc: {  	[smem:$0x3FAF] =	sst s4  }
0xd: {  	[smem:$0x3FB0] =	sst s5  }
0xe: {  	[smem:$0x3FB1] =	sst s6  }
0xf: {  	[smem:$0x3FB2] =	sst s7  }
0x10: {  	[smem:$0x3FB3] =	sst s8  }
0x11: {  	[smem:$0x3FB4] =	sst s9;
	s0 =	simm.s32 @!p0 $0x0  }
0x12: {  	s1 =	sld [smem:$0x3F9A];
	s0 =	simm.s32 @p0 $0x1  }
0x13: {  	[smem:$0x3FB5] =	sst s0;
	s0 =	simm.s32 @!p1 $0x0  }
0x14: {  	s2 =	sld [smem:$0x3F99];
	s0 =	simm.s32 @p1 $0x1  }
0x15: {  	[smem:$0x3FB6] =	sst s0;
	s0 =	simm.s32 @!p2 $0x0  }
0x16: {  	s3 =	sld [smem:$0x3FDB];
	s0 =	simm.s32 @p2 $0x1  }
0x17: {  	s4 =	simm.s32 $0x1BF5;
	[smem:$0x3FB8] =	sst s0  }
0x18: {  	s0 =	sld [smem:$0x3F9B];
	_ =	swait.ge [sflag:s4], $0x0  }
0x19: {  	s7 =	sld [smem:$0x3F9C]  }
0x1a: {  	s8 =	sadd.s32 $0xFFFFE003, lr  }
0x1b: {  	s9 =	sadd.s32 $0xFFFFFEF7, lr;
	s5 =	simm.s32 $0xFFFFFFFF;
	p2 =	slt.u32 s8, $0xFFFFF086  }
0x1c: {  	p1 =	slt.u32 s9, $0xF7A;
	s5 =	simm.s32 @!p2 $0x0  }
0x1d: {  	s5 =	simm.s32 @p1 $0x1;
	p0 =	seq.s32 s7, s2  }
0x1e: {  	s7 =	smul.u32 @!p0 $0xF7A, s2;
	p2 =	seq.s32 @!p0 s5, $0x0  }
0x1f: {  	s9 =	smul.u32 $0xF7A, s1;
	s8 =	simm.s32 @!p0 $0x1BF5;
	p2 =	por !p2, p0  }
0x20: {  	[sflag:s8] =	ssyncset.s32 @!p0 $0xFFFFF086;
	s6 =	sadd.s32 @!p0 s3, s7;
	s7 =	simm.s32 @!p0 $0x108  }
0x21: {  	s3 =	sadd.s32 s3, s9;
	s6 =	sadd.s32 @!p0 $0x88, s6;
	s7 =	simm.s32 @p2 $0x1082  }
0x22: {  	[simem:s7], [sflag:s8] =	dma.local @!p0 [hbm:s6], $0xF7A  }
0x23: {  	s9 =	sor.u32 $0xD0000000, s2;
	s6 =	simm.s32 $0x108;
	_ =	swait.ge @!p0 [sflag:s8], $0x0  }
0x24: {  	s3 =	sadd.s32 $0x88, s3;
	s6 =	simm.s32 @!p1 $0x1082;
	[sflag:s4] =	ssyncset.s32 $0xFFFFF086  }
0x25: {  	[simem:s6], [sflag:s4] =	dma.local [hbm:s3], $0xF7A  }
0x26: {  	[smem:$0x3F9C] =	sst s1;
	(tag) =	ssettag s2;
	_ =	strace s9  }
0x27: {  	s1 =	sld [smem:$0x3FAC]  }
0x28: {  	s2 =	sld [smem:$0x3FAD]  }
0x29: {  	s4 =	sld [smem:$0x3FAF]  }
0x2a: {  	p0 =	seq.s32 s5, $0x0;
	s5 =	sld [smem:$0x3FB0]  }
0x2b: {  	s6 =	sld [smem:$0x3FB1]  }
0x2c: {  	s7 =	sld [smem:$0x3FB2]  }
0x2d: {  	s3 =	simm.s32 $0x108;
	s8 =	sld [smem:$0x3FB3]  }
0x2e: {  	s3 =	simm.s32 @!p0 $0x1082;
	s9 =	sld [smem:$0x3FB4]  }
0x2f: {  	lr =	sadd.s32 s0, s3;
	s0 =	sld [smem:$0x3FAB]  }
0x30: {  	s3 =	sld [smem:$0x3FAE]  }
0x31: {  	[smem:$0x3FB7] =	sst s10  }
0x32: {  	s10 =	sld [smem:$0x3FB5];
	_ =	sdelay $0x3  }
0x33: {  	p0 =	seq.s32 s10, $0x1;
	s10 =	sld [smem:$0x3FB7];
	_ =	sdelay $0x3  }
0x34: {  	[smem:$0x3FB7] =	sst s10  }
0x35: {  	s10 =	sld [smem:$0x3FB6];
	_ =	sdelay $0x3  }
0x36: {  	p1 =	seq.s32 s10, $0x1;
	s10 =	sld [smem:$0x3FB7];
	_ =	sdelay $0x3  }
0x37: {  	[smem:$0x3FB7] =	sst s10  }
0x38: {  	s10 =	sld [smem:$0x3FB8]  }
0x39: {  	_ = 	snop;
	(pc) =	sbr.ind lr, $3  }
0x3a: {  	_ = 	snop  }
0x3b: {  	_ = 	snop  }
0x3c: {  	p2 =	seq.s32 s10, $0x1;
	s10 =	sld [smem:$0x3FB7]  }
0x3d: {  	_ =	shalt  }
0x3e: {  	_ =	shalt  }
0x3f: {  	_ =	shalt  }
0x40: {  	_ =	shalt  }
0x41: {  	_ =	shalt  }
0x42: {  	_ =	shalt  }
0x43: {  	_ =	shalt  }
0x44: {  	_ =	shalt  }
0x45: {  	_ =	shalt  }
0x46: {  	_ =	shalt  }
0x47: {  	_ =	shalt  }
0x48: {  	_ =	shalt  }
0x49: {  	_ =	shalt  }
0x4a: {  	_ =	shalt  }
0x4b: {  	_ =	shalt  }
0x4c: {  	_ =	shalt  }
0x4d: {  	_ =	shalt  }
0x4e: {  	_ =	shalt  }
0x4f: {  	_ =	shalt  }
0x50: {  	_ =	shalt  }
0x51: {  	_ =	shalt  }
0x52: {  	_ =	shalt  }
0x53: {  	_ =	shalt  }
0x54: {  	_ =	shalt  }
0x55: {  	_ =	shalt  }
0x56: {  	_ =	shalt  }
0x57: {  	_ =	shalt  }
0x58: {  	_ =	shalt  }
0x59: {  	_ =	shalt  }
0x5a: {  	_ =	shalt  }
0x5b: {  	_ =	shalt  }
0x5c: {  	_ =	shalt  }
0x5d: {  	_ =	shalt  }
0x5e: {  	_ =	shalt  }
0x5f: {  	_ =	shalt  }
0x60: {  	_ =	shalt  }
0x61: {  	_ =	shalt  }
0x62: {  	_ =	shalt  }
0x63: {  	_ =	shalt  }
0x64: {  	_ =	shalt  }
0x65: {  	_ =	shalt  }
0x66: {  	_ =	shalt  }
0x67: {  	_ =	shalt  }
0x68: {  	_ =	shalt  }
0x69: {  	_ =	shalt  }
0x6a: {  	_ =	shalt  }
0x6b: {  	_ =	shalt  }
0x6c: {  	_ =	shalt  }
0x6d: {  	_ =	shalt  }
0x6e: {  	_ =	shalt  }
0x6f: {  	_ =	shalt  }
0x70: {  	_ =	shalt  }
0x71: {  	_ =	shalt  }
0x72: {  	_ =	shalt  }
0x73: {  	_ =	shalt  }
0x74: {  	_ =	shalt  }
0x75: {  	_ =	shalt  }
0x76: {  	_ =	shalt  }
0x77: {  	_ =	shalt  }
0x78: {  	_ =	shalt  }
0x79: {  	_ =	shalt  }
0x7a: {  	_ =	shalt  }
0x7b: {  	_ =	shalt  }
0x7c: {  	_ =	shalt  }
0x7d: {  	_ =	shalt  }
0x7e: {  	_ =	shalt  }
0x7f: {  	_ =	shalt  }
0x80: {  	_ =	shalt  }
0x81: {  	_ =	shalt  }
0x82: {  	_ =	shalt  }
0x83: {  	_ =	shalt  }
0x84: {  	_ =	shalt  }
0x85: {  	_ =	shalt  }
0x86: {  	_ =	shalt  }
0x87: {  	_ =	shalt  }
.Lfunc_end0:
.L_simem_size_0:
called_computation_lowered:
.L_overlay_start_0:
0x88: {  	s2 =	sld [smem:$0x3FD9]  }
0x89: {  	s3 =	sld [smem:$0x3FFE];
	_ =	sdelay $0x1  }
0x8a: {  	s1 =	srdreg.scid  }
0x8b: {  	s0 =	sand.u32 $0x1, s1  }
0x8c: {  	s14 =	sshll.u32 s0, $0xA;
	s2 =	sadd.s32 s3, s2  }
0x8d: {  	s2 =	sadd.s32 s2, s14  }
0x8e: {  	[smem:$0x3FC3] =	sst s2  }
0x8f: {  	_ = 	snop  }
0x90: {  	s2 =	sld [smem:$0x3FD0];
	_ =	sdelay $0x2  }
0x91: {  	s15 =	simm.s32 $0xA;
	s4 =	simm.s32 $0x10  }
0x92: {  	[smem:s4], [sflag:s15] =	dma.local [hbm:s2], $0x1  }
0x93: {  	_ =	swait.eq [sflag:s15], $0x1  }
0x94: {  	s16 =	sld [smem:$0x11];
	[sflag:s15] =	ssyncset.done $0x0  }
0x95: {  	s17 =	sld [smem:$0x12];
	[sflag:s15] =	ssyncadd.s32 $0xFFFFFFFF  }
0x96: {  	s18 =	sld [smem:$0x13];
	(tm) =	ssettm $0x1  }
0x97: {  	s5 =	sld [smem:$0x3FFB];
	_ =	sdelay $0x3  }
0x98: {  	_ =	strace s5  }
0x99: {  	s5 =	sld [smem:$0x3FFC];
	_ =	sdelay $0x3  }
0x9a: {  	_ =	strace s5  }
0x9b: {  	s5 =	sld [smem:$0x3FFD];
	_ =	sdelay $0x3  }
0x9c: {  	_ =	strace s5  }
0x9d: {  	_ =	strace $0x8FFFFFFF  }
0x9e: {  	s19 =	sld [smem:$0x3FDB];
	_ =	sdelay $0x1  }
0x9f: {  	s6 =	simm.s32 $_scs_section_size  }
0xa0: {  	s7 =	simm.s32 $_size__tile_overlayer_lowered;
	s8 =	simm.s32 $_tile_overlayer_lowered  }
0xa1: {  	s22 =	simm.s32 $0x1BFF;
	s21 =	sshll.u32 s8, $0x1;
	s5 =	sadd.s32 s6, s19  }
0xa2: {  	s9 =	simm.s32 $0x0;
	s20 =	sshll.u32 s7, $0x1;
	s7 =	sadd.s32 s21, s5  }
0xa3: {  	[timem:s9], [sflag:s22] =	dma.local [hbm:s7], s20  }
0xa4: {  	_ =	swait.ge [sflag:s22], s20  }
0xa5: {  	s6 =	ssub.s32 $0x0, s20;
	[sflag:s22] =	ssyncset.done $0x0  }
0xa6: {  	[sflag:s22] =	ssyncadd.s32 s6;
	_ =	sdelay $0x1  }
0xa7: {  	s23 =	simm.s32 $0x1B8B  }
0xa8: {  	_ =	swait.ge [sflag:s23], $0x1  }
0xa9: {  	[sflag:s23] =	ssyncset.done $0x0  }
0xaa: {  	s25 =	simm.s32 $0x1B8E;
	s24 =	sld [smem:$0x3FFE];
	[sflag:s23] =	ssyncadd.s32 $0xFFFFFFFF  }
0xab: {  	s26 =	simm.s32 $execute0_lowered;
	[smem:$0x3FD2] =	sst s25  }
0xac: {  	s7 =	sshll.u32 s26, $0x1;
	_ =	strace $0x80000046;
	[dreg:$0x1] =	wrdreg $0xFFFFFFFF  }
0xad: {  	s28 =	simm.s32 $_size_execute0_lowered;
	s5 =	sadd.s32 s5, s7;
	[dreg:$0x0] =	wrdreg $0x0  }
0xae: {  	s7 =	sshll.u32 s28, $0x1;
	[dreg:$0x2] =	wrdreg s5  }
0xaf: {  	[dreg:$0x3] =	wrdreg s7  }
0xb0: {  	[dreg:$0x4] =	wrdreg $0xC0  }
0xb1: {  	_ =	task [dreg:s9], $0x5FFFF  }
0xb2: {  	[dreg:$0x1] =	wrdreg $0xFFFFFFFF  }
0xb3: {  	[dreg:$0x0] =	wrdreg $0x60  }
0xb4: {  	[dreg:$0x2] =	wrdreg s16  }
0xb5: {  	[dreg:$0x3] =	wrdreg s18  }
0xb6: {  	[dreg:$0x4] =	wrdreg s24  }
0xb7: {  	[dreg:$0x5] =	wrdreg s17  }
0xb8: {  	[dreg:$0x6] =	wrdreg $0xF0000  }
0xb9: {  	[dreg:$0x7] =	wrdreg $0xF2800  }
0xba: {  	[dreg:$0x8] =	wrdreg $0x9  }
0xbb: {  	_ =	task.clear_ibuf [dreg:s9], $0x9FFFF;
	_ =	strace $0x90000046  }
0xbc: {  	s29 =	simm.s32 $0x9;
	_ =	strace $0x80000048  }
0xbd: {  	_ =	swait.ge [sflag:s29], $0x1  }
0xbe: {  	[sflag:s29] =	ssyncadd.s32 $0xFFFFFFFF  }
0xbf: {  	_ =	strace $0x90000048  }
0xc0: {  	_ =	sfence  }
0xc1: {  	s30 =	sld [smem:$0x0];
	_ =	sdelay $0x2  }
0xc2: {  	s31 =	sshll.u32 s1, $0xD;
	s1 =	sshrl.u32 s1, $0x2  }
0xc3: {  	s3 =	sand.u32 $0x4000, s31;
	s1 =	sadd.s32 s1, s30  }
0xc4: {  	s0 =	sor.u32 s3, s0;
	s1 =	sshll.u32 s1, $0x11  }
0xc5: {  	s0 =	sor.u32 s1, s0  }
0xc6: {  	s0 =	sadd.s32 $0x8F2B, s0  }
0xc7: {  	[sflag:s0] =	ssyncadd.remote.s32 $0x1  }
0xc8: {  	_ =	sfence.sel $0xFFFF  }
0xc9: {  	[dreg:$0x0] =	wrdreg $0xFFFFFFFF;
	(pc) =	sbr.abs _section_cstart, $3  }
0xca: {  	[dreg:$0x1] =	wrdreg $0xFFFFFFFF  }
0xcb: {  	_ =	task.clear_ibuf [dreg:s9], $0x2FFFF;
	_ =	strace $0x9FFFFFFF  }
0xcc: {  	(tm) =	ssettm $0x7FFFFFFF  }
0xcd: {  	_ =	shalt  }
tec
execute0_lowered:
.L_overlay_start_1:
0x0: {  	(tag) =	ssettag $0x1  }
0x1: {  	s0 =	rddreg [dreg:$0x0]  }
0x2: {  	s2 =	rddreg [dreg:$0x1]  }
0x3: {  	s6 =	rddreg [dreg:$0x2]  }
0x4: {  	s1 =	rddreg [dreg:$0x3];
	s4 =	srdreg.scid  }
0x5: {  	s16 =	stileid.u32;
	s3 =	rddreg [dreg:$0x4]  }
0x6: {  	s18 =	simm.s32 $0x80;
	s19 =	simm.s32 $0x400;
	s20 =	simm.s32 $0x2800  }
0x7: {  	s21 =	simm.s32 $0x5000;
	s22 =	simm.s32 $0x7800;
	s24 =	simm.s32 $0x1  }
0x8: {  	s28 =	simm.s32 $0x2;
	s29 =	simm.s32 $0x3;
	s30 =	simm.s32 $0x0  }
0x9: {  	s7 =	sand.u32 $0x1, s4;
	s5 =	sshll.u32 s16, $0x1;
	s4 =	rddreg [dreg:$0x5]  }
0xa: {  	p0 =	sne.s32 s16, $0x0;
	s8 =	sor.u32 s7, s5;
	s5 =	simm.s32 $0x0  }
0xb: {  	s9 =	ssub.s32 $0x2, s7;
	s7 =	sshll.u32 s7, $0x5;
	s23 =	sshrl.u32 @!p0 s3, $0x3  }
0xc: {  	s8 =	smul.u32 $0x1400, s8;
	[smem:$0x7FF] =	sst s5;
	s10 =	sshrl.u32 s9, $0x1  }
0xd: {  	s14 =	sadd.s32 s7, s6;
	_ =	strace $0x80000047;
	s15 =	ssub.s32 s9, s10  }
0xe: {  	s9 =	sadd.s32 $0x20, s0;
	s10 =	sadd.s32 $0x30, s0;
	s13 =	sadd.s32 $0xFE00, s14  }
0xf: {  	s14 =	sadd.s32 $0xFE10, s14;
	s8 =	sshrl.u32 s8, $0x3;
	s15 =	smax.u32 s15, $0x1  }
0x10: {  	s12 =	sadd.s32 s8, s6;
	s6 =	sadd.s32 s2, s8;
	s8 =	sadd.s32 $0x10, s0  }
0x11: {  	s7 =	sadd.s32 $0xE00, s12;
	s11 =	sadd.s32 $0x5E00, s12;
	s12 =	sadd.s32 $0xAE00, s12  }
.LBB2_1:
0x12: {  	s0 =	simm.s32 $0xA000  }
0x13: {  	[tilespmem:s0], [sflag:$0x1] =	stream.linear.gather [hbm4b:s6+s5], $0x1400, $0x38;
	[tilespmem:$0xF500] =	vst v63  }
0x14: {  	s25 =	simm.s32 $0xB400  }
0x15: {  	[tilespmem:s25], [sflag:$0x1] =	stream.linear.gather [hbm4b:s7+s5], $0x1400, $0x38;
	[tilespmem:$0xF500] =	vst v63  }
0x16: {  	s26 =	rddreg [dreg:$0x0]  }
0x17: {  	[tilespmem:s5], [sflag:$0x1] =	stream.strided.gather [hbm4b:s26+s18], $0x2800, s19, s18, $0x38;
	[tilespmem:$0xF500] =	vst v63  }
0x18: {  	_ = 	snop  }
0x19: {  	[tilespmem:s20], [sflag:$0x1] =	stream.strided.gather [hbm4b:s8+s18], $0x2800, s19, s18, $0x38;
	[tilespmem:$0xF500] =	vst v63  }
0x1a: {  	_ = 	snop  }
0x1b: {  	[tilespmem:s21], [sflag:$0x1] =	stream.strided.gather [hbm4b:s9+s18], $0x2800, s19, s18, $0x38;
	[tilespmem:$0xF500] =	vst v63  }
0x1c: {  	s2 =	simm.s32 @!p0 $0x1C04;
	s16 =	simm.s32 @!p0 $0x4  }
0x1d: {  	[tilespmem:s22], [sflag:$0x1] =	stream.strided.gather [hbm4b:s10+s18], $0x2800, s19, s18, $0x38;
	[tilespmem:$0xF500] =	vst v63  }
0x1e: {  	[spmem:s23], [sflag:s2] =	dma.local @!p0 [hbm:s1], $0x500  }
0x1f: {  	_ =	swait.ge @!p0 [sflag:s16], $0x500  }
0x20: {  	[sflag:s16] =	ssyncset.done @!p0 $0x0  }
0x21: {  	s31 =	sshrl.u32 @!p0 s4, $0x3;
	[sflag:s16] =	ssyncadd.s32 @!p0 $0xFFFFFB00  }
0x22: {  	[spmem:s31], [sflag:s2] =	dma.local @!p0 [hbm:s1], $0x500  }
0x23: {  	_ =	swait.ge @!p0 [sflag:s16], $0x500  }
0x24: {  	[sflag:s16] =	ssyncset.done @!p0 $0x0  }
0x25: {  	[sflag:s16] =	ssyncadd.s32 @!p0 $0xFFFFFB00  }
0x26: {  	_ =	swait.ge [sflag:s24], $0x1400  }
0x27: {  	[sflag:s24] =	ssyncset.done $0x0  }
0x28: {  	[sflag:s24] =	ssyncadd.s32 $0xFFFFEC00  }
0x29: {  	_ =	swait.ge [sflag:s24], $0x1400  }
0x2a: {  	[sflag:s24] =	ssyncset.done $0x0  }
0x2b: {  	[sflag:s24] =	ssyncadd.s32 $0xFFFFEC00  }
0x2c: {  	_ =	swait.ge [sflag:s24], $0x2800  }
0x2d: {  	[sflag:s24] =	ssyncset.done $0x0  }
0x2e: {  	[sflag:s24] =	ssyncadd.s32 $0xFFFFD800  }
0x2f: {  	_ =	swait.ge [sflag:s24], $0x2800  }
0x30: {  	[sflag:s24] =	ssyncset.done $0x0  }
0x31: {  	[sflag:s24] =	ssyncadd.s32 $0xFFFFD800  }
0x32: {  	_ =	swait.ge [sflag:s24], $0x2800  }
0x33: {  	[sflag:s24] =	ssyncset.done $0x0  }
0x34: {  	[sflag:s24] =	ssyncadd.s32 $0xFFFFD800  }
0x35: {  	_ =	swait.ge [sflag:s24], $0x2800  }
0x36: {  	[sflag:s24] =	ssyncset.done $0x0  }
0x37: {  	[sflag:s24] =	ssyncadd.s32 $0xFFFFD800  }
0x38: {  	s2 =	simm.s32 $0x0;
	[bflag:$0x0] =	sbarrier.arrive $0xFFFF  }
0x39: {  	v0 =	vld [tilespmem:s2+$0xA000];
	_ =	sdelay $0x1  }
0x3a: {  	v1 =	vld [tilespmem:s2+$0xB400];
	_ =	sdelay $0x5  }
0x3b: {  	v2 =	vld.idx.msk [tilespmem:v0+s5+$0x0], $0xffff  }
0x3c: {  	v0 =	vld.idx.msk [tilespmem:v0+s20+$0x0], $0xffff  }
0x3d: {  	v3 =	vld.idx.msk [tilespmem:v1+s21+$0x0], $0xffff  }
0x3e: {  	v1 =	vld.idx.msk [tilespmem:v1+s22+$0x0], $0xffff;
	_ =	sdelay $0x3  }
0x3f: {  	v2 =	vadd.f32 v3, v2  }
0x40: {  	v0 =	vadd.f32 v1, v0  }
0x41: {  	v1 =	vmul.f32 $1.442695020e+00, v2  }
0x42: {  	v0 =	vmul.f32 $1.442695020e+00, v0  }
0x43: {  	(erf) = vpow2.f32 v1  }
0x44: {  	(erf) = vpow2.f32 v0;
	_ =	sdelay $0x2  }
0x45: {  	v0 =	vld [tilespmem:s2+$0xB410]  }
0x46: {  	v1 =	vld [tilespmem:s2+$0xA010];
	_ =	sdelay $0x3  }
0x47: {  	v2 =	vpop (erf)  }
0x48: {  	[tilespmem:s2+$0xC800] =	vst v2;
	v2 =	vpop (erf)  }
0x49: {  	[tilespmem:s2+$0xDC00] =	vst v2  }
0x4a: {  	v2 =	vld.idx.msk [tilespmem:v0+s22+$0x0], $0xffff  }
0x4b: {  	v3 =	vld.idx.msk [tilespmem:v1+s5+$0x0], $0xffff  }
0x4c: {  	v0 =	vld.idx.msk [tilespmem:v0+s21+$0x0], $0xffff  }
0x4d: {  	v1 =	vld.idx.msk [tilespmem:v1+s20+$0x0], $0xffff;
	_ =	sdelay $0x3  }
0x4e: {  	v0 =	vadd.f32 v0, v3  }
0x4f: {  	v1 =	vadd.f32 v2, v1  }
0x50: {  	v0 =	vmul.f32 $1.442695020e+00, v0  }
0x51: {  	v1 =	vmul.f32 $1.442695020e+00, v1  }
0x52: {  	(erf) = vpow2.f32 v0  }
0x53: {  	(erf) = vpow2.f32 v1;
	_ =	sdelay $0x2  }
0x54: {  	v0 =	vld [tilespmem:s2+$0xA020]  }
0x55: {  	v1 =	vld [tilespmem:s2+$0xB420];
	_ =	sdelay $0x3  }
0x56: {  	v2 =	vpop (erf)  }
0x57: {  	[tilespmem:s2+$0xC810] =	vst v2;
	v2 =	vpop (erf)  }
0x58: {  	[tilespmem:s2+$0xDC10] =	vst v2  }
0x59: {  	v2 =	vld.idx.msk [tilespmem:v0+s5+$0x0], $0xffff  }
0x5a: {  	v3 =	vld.idx.msk [tilespmem:v1+s21+$0x0], $0xffff  }
0x5b: {  	v0 =	vld.idx.msk [tilespmem:v0+s20+$0x0], $0xffff  }
0x5c: {  	v1 =	vld.idx.msk [tilespmem:v1+s22+$0x0], $0xffff;
	_ =	sdelay $0x3  }
0x5d: {  	v2 =	vadd.f32 v3, v2  }
0x5e: {  	v0 =	vadd.f32 v1, v0  }
0x5f: {  	v1 =	vmul.f32 $1.442695020e+00, v2  }
0x60: {  	v0 =	vmul.f32 $1.442695020e+00, v0  }
0x61: {  	(erf) = vpow2.f32 v1  }
0x62: {  	(erf) = vpow2.f32 v0;
	_ =	sdelay $0x2  }
0x63: {  	v0 =	vld [tilespmem:s2+$0xA030]  }
0x64: {  	v1 =	vld [tilespmem:s2+$0xB430];
	_ =	sdelay $0x3  }
0x65: {  	v2 =	vpop (erf)  }
0x66: {  	[tilespmem:s2+$0xC820] =	vst v2;
	v2 =	vpop (erf)  }
0x67: {  	[tilespmem:s2+$0xDC20] =	vst v2  }
0x68: {  	v2 =	vld.idx.msk [tilespmem:v0+s20+$0x0], $0xffff  }
0x69: {  	v3 =	vld.idx.msk [tilespmem:v1+s21+$0x0], $0xffff  }
0x6a: {  	v0 =	vld.idx.msk [tilespmem:v0+s5+$0x0], $0xffff  }
0x6b: {  	v1 =	vld.idx.msk [tilespmem:v1+s22+$0x0], $0xffff;
	_ =	sdelay $0x3  }
0x6c: {  	v0 =	vadd.f32 v3, v0  }
0x6d: {  	v1 =	vadd.f32 v1, v2  }
0x6e: {  	v0 =	vmul.f32 $1.442695020e+00, v0  }
0x6f: {  	v1 =	vmul.f32 $1.442695020e+00, v1  }
0x70: {  	(erf) = vpow2.f32 v0  }
0x71: {  	(erf) = vpow2.f32 v1;
	_ =	sdelay $0x2  }
0x72: {  	v0 =	vld [tilespmem:s2+$0xB440];
	_ =	sdelay $0x1  }
0x73: {  	v1 =	vld [tilespmem:s2+$0xA040];
	_ =	sdelay $0x2  }
0x74: {  	v2 =	vpop (erf)  }
0x75: {  	[tilespmem:s2+$0xC830] =	vst v2;
	v2 =	vpop (erf)  }
0x76: {  	[tilespmem:s2+$0xDC30] =	vst v2  }
0x77: {  	v2 =	vld.idx.msk [tilespmem:v0+s22+$0x0], $0xffff  }
0x78: {  	v0 =	vld.idx.msk [tilespmem:v0+s21+$0x0], $0xffff  }
0x79: {  	v3 =	vld.idx.msk [tilespmem:v1+s5+$0x0], $0xffff  }
0x7a: {  	v1 =	vld.idx.msk [tilespmem:v1+s20+$0x0], $0xffff;
	_ =	sdelay $0x3  }
0x7b: {  	v0 =	vadd.f32 v0, v3  }
0x7c: {  	v1 =	vadd.f32 v2, v1  }
0x7d: {  	v0 =	vmul.f32 $1.442695020e+00, v0  }
0x7e: {  	v1 =	vmul.f32 $1.442695020e+00, v1  }
0x7f: {  	(erf) = vpow2.f32 v0  }
0x80: {  	(erf) = vpow2.f32 v1;
	_ =	sdelay $0x2  }
0x81: {  	v0 =	vld [tilespmem:s2+$0xB450];
	_ =	sdelay $0x1  }
0x82: {  	v1 =	vld [tilespmem:s2+$0xA050];
	_ =	sdelay $0x2  }
0x83: {  	v2 =	vpop (erf)  }
0x84: {  	[tilespmem:s2+$0xC840] =	vst v2;
	v2 =	vpop (erf)  }
0x85: {  	[tilespmem:s2+$0xDC40] =	vst v2  }
0x86: {  	v2 =	vld.idx.msk [tilespmem:v0+s22+$0x0], $0xffff  }
0x87: {  	v0 =	vld.idx.msk [tilespmem:v0+s21+$0x0], $0xffff  }
0x88: {  	v3 =	vld.idx.msk [tilespmem:v1+s5+$0x0], $0xffff  }
0x89: {  	v1 =	vld.idx.msk [tilespmem:v1+s20+$0x0], $0xffff;
	_ =	sdelay $0x3  }
0x8a: {  	v0 =	vadd.f32 v0, v3  }
0x8b: {  	v1 =	vadd.f32 v2, v1  }
0x8c: {  	v0 =	vmul.f32 $1.442695020e+00, v0  }
0x8d: {  	v1 =	vmul.f32 $1.442695020e+00, v1  }
0x8e: {  	(erf) = vpow2.f32 v0  }
0x8f: {  	(erf) = vpow2.f32 v1;
	_ =	sdelay $0x2  }
0x90: {  	v0 =	vld [tilespmem:s2+$0xB460];
	_ =	sdelay $0x1  }
0x91: {  	v1 =	vld [tilespmem:s2+$0xA060];
	_ =	sdelay $0x2  }
0x92: {  	v2 =	vpop (erf)  }
0x93: {  	[tilespmem:s2+$0xC850] =	vst v2;
	v2 =	vpop (erf)  }
0x94: {  	[tilespmem:s2+$0xDC50] =	vst v2  }
0x95: {  	v2 =	vld.idx.msk [tilespmem:v0+s22+$0x0], $0xffff  }
0x96: {  	v0 =	vld.idx.msk [tilespmem:v0+s21+$0x0], $0xffff  }
0x97: {  	v3 =	vld.idx.msk [tilespmem:v1+s5+$0x0], $0xffff  }
0x98: {  	v1 =	vld.idx.msk [tilespmem:v1+s20+$0x0], $0xffff;
	_ =	sdelay $0x3  }
0x99: {  	v0 =	vadd.f32 v0, v3  }
0x9a: {  	v1 =	vadd.f32 v2, v1  }
0x9b: {  	v0 =	vmul.f32 $1.442695020e+00, v0  }
0x9c: {  	v1 =	vmul.f32 $1.442695020e+00, v1  }
0x9d: {  	(erf) = vpow2.f32 v0  }
0x9e: {  	(erf) = vpow2.f32 v1;
	_ =	sdelay $0x2  }
0x9f: {  	v0 =	vld [tilespmem:s2+$0xA070]  }
0xa0: {  	v1 =	vld [tilespmem:s2+$0xB470];
	_ =	sdelay $0x3  }
0xa1: {  	v2 =	vpop (erf)  }
0xa2: {  	[tilespmem:s2+$0xC860] =	vst v2;
	v2 =	vpop (erf)  }
0xa3: {  	[tilespmem:s2+$0xDC60] =	vst v2  }
0xa4: {  	v2 =	vld.idx.msk [tilespmem:v0+s5+$0x0], $0xffff  }
0xa5: {  	s16 =	simm.s32 $0x200;
	v3 =	vld.idx.msk [tilespmem:v1+s21+$0x0], $0xffff  }
.LBB2_2:
0xa6: {  	p1 =	sne.s32 s16, $0x4E00;
	v1 =	vld.idx.msk [tilespmem:v1+s22+$0x0], $0xffff;
	s17 =	smov.u32 s16;
	s16 =	sadd.s32 $0x200, s16  }
0xa7: {  	v0 =	vld.idx.msk [tilespmem:v0+s20+$0x0], $0xffff;
	_ =	sdelay $0x3  }
0xa8: {  	v2 =	vadd.f32 v3, v2;
	_ =	sdelay $0x1  }
0xa9: {  	v2 =	vmul.f32 $1.442695020e+00, v2;
	v0 =	vadd.f32 v1, v0;
	_ =	sdelay $0x1  }
0xaa: {  	v0 =	vmul.f32 $1.442695020e+00, v0;
	(erf) = vpow2.f32 v2;
	_ =	sdelay $0x1  }
0xab: {  	(erf) = vpow2.f32 v0;
	_ =	sdelay $0x6  }
0xac: {  	v0 =	vpop (erf)  }
0xad: {  	[tilespmem:s2+$0xC870] =	vst v0  }
0xae: {  	s25 =	sadd.s32 $0xB400, s2;
	s26 =	sadd.s32 $0xC800, s2;
	v0 =	vpop (erf)  }
0xaf: {  	s0 =	sadd.s32 $0xDC00, s2;
	[tilespmem:s2+$0xDC70] =	vst v0  }
0xb0: {  	[spmem:s3] =	stream.indirect.scatter.add.f32 [tilespmem:s26], [sflag:$0x2], $0x1, s25, s18, $0xb8;
	[tilespmem:$0xF500] =	vst v63  }
0xb1: {  	s2 =	sshra.s32 s17, $0x2  }
0xb2: {  	[spmem:s4] =	stream.indirect.scatter.add.f32 [tilespmem:s0], [sflag:$0x2], $0x1, s25, s18, $0xb8;
	[tilespmem:$0xF500] =	vst v63  }
0xb3: {  	v0 =	vld [tilespmem:s2+$0xA000]  }
0xb4: {  	v1 =	vld [tilespmem:s2+$0xB400];
	_ =	sdelay $0x6  }
0xb5: {  	v2 =	vld.idx.msk [tilespmem:v0+s5+$0x0], $0xffff  }
0xb6: {  	v0 =	vld.idx.msk [tilespmem:v0+s20+$0x0], $0xffff  }
0xb7: {  	v3 =	vld.idx.msk [tilespmem:v1+s21+$0x0], $0xffff  }
0xb8: {  	v1 =	vld.idx.msk [tilespmem:v1+s22+$0x0], $0xffff;
	_ =	sdelay $0x4  }
0xb9: {  	v2 =	vadd.f32 v3, v2  }
0xba: {  	v0 =	vadd.f32 v1, v0  }
0xbb: {  	v1 =	vmul.f32 $1.442695020e+00, v2  }
0xbc: {  	v0 =	vmul.f32 $1.442695020e+00, v0  }
0xbd: {  	(erf) = vpow2.f32 v1  }
0xbe: {  	(erf) = vpow2.f32 v0;
	_ =	sdelay $0x2  }
0xbf: {  	v0 =	vld [tilespmem:s2+$0xB410]  }
0xc0: {  	v1 =	vld [tilespmem:s2+$0xA010];
	_ =	sdelay $0x3  }
0xc1: {  	v2 =	vpop (erf)  }
0xc2: {  	[tilespmem:s2+$0xC800] =	vst v2;
	v2 =	vpop (erf)  }
0xc3: {  	[tilespmem:s2+$0xDC00] =	vst v2  }
0xc4: {  	v2 =	vld.idx.msk [tilespmem:v0+s22+$0x0], $0xffff  }
0xc5: {  	v3 =	vld.idx.msk [tilespmem:v1+s5+$0x0], $0xffff  }
0xc6: {  	v0 =	vld.idx.msk [tilespmem:v0+s21+$0x0], $0xffff  }
0xc7: {  	v1 =	vld.idx.msk [tilespmem:v1+s20+$0x0], $0xffff;
	_ =	sdelay $0x4  }
0xc8: {  	v0 =	vadd.f32 v0, v3  }
0xc9: {  	v1 =	vadd.f32 v2, v1  }
0xca: {  	v0 =	vmul.f32 $1.442695020e+00, v0  }
0xcb: {  	v1 =	vmul.f32 $1.442695020e+00, v1  }
0xcc: {  	(erf) = vpow2.f32 v0  }
0xcd: {  	(erf) = vpow2.f32 v1;
	_ =	sdelay $0x2  }
0xce: {  	v0 =	vld [tilespmem:s2+$0xA020]  }
0xcf: {  	v1 =	vld [tilespmem:s2+$0xB420];
	_ =	sdelay $0x3  }
0xd0: {  	v2 =	vpop (erf)  }
0xd1: {  	[tilespmem:s2+$0xC810] =	vst v2;
	v2 =	vpop (erf)  }
0xd2: {  	[tilespmem:s2+$0xDC10] =	vst v2  }
0xd3: {  	v2 =	vld.idx.msk [tilespmem:v0+s5+$0x0], $0xffff  }
0xd4: {  	v3 =	vld.idx.msk [tilespmem:v1+s21+$0x0], $0xffff  }
0xd5: {  	v0 =	vld.idx.msk [tilespmem:v0+s20+$0x0], $0xffff  }
0xd6: {  	v1 =	vld.idx.msk [tilespmem:v1+s22+$0x0], $0xffff;
	_ =	sdelay $0x3  }
0xd7: {  	v2 =	vadd.f32 v3, v2;
	_ =	sdelay $0x1  }
0xd8: {  	v2 =	vmul.f32 $1.442695020e+00, v2;
	v0 =	vadd.f32 v1, v0;
	_ =	sdelay $0x1  }
0xd9: {  	v0 =	vmul.f32 $1.442695020e+00, v0;
	(erf) = vpow2.f32 v2;
	_ =	sdelay $0x1  }
0xda: {  	(erf) = vpow2.f32 v0;
	_ =	sdelay $0x2  }
0xdb: {  	v0 =	vld [tilespmem:s2+$0xA030]  }
0xdc: {  	v1 =	vld [tilespmem:s2+$0xB430];
	_ =	sdelay $0x2  }
0xdd: {  	v2 =	vpop (erf)  }
0xde: {  	[tilespmem:s2+$0xC820] =	vst v2  }
0xdf: {  	v2 =	vpop (erf)  }
0xe0: {  	[tilespmem:s2+$0xDC20] =	vst v2  }
0xe1: {  	v2 =	vld.idx.msk [tilespmem:v0+s20+$0x0], $0xffff  }
0xe2: {  	v3 =	vld.idx.msk [tilespmem:v1+s21+$0x0], $0xffff  }
0xe3: {  	v0 =	vld.idx.msk [tilespmem:v0+s5+$0x0], $0xffff  }
0xe4: {  	v1 =	vld.idx.msk [tilespmem:v1+s22+$0x0], $0xffff;
	_ =	sdelay $0x4  }
0xe5: {  	v0 =	vadd.f32 v3, v0  }
0xe6: {  	v1 =	vadd.f32 v1, v2  }
0xe7: {  	v0 =	vmul.f32 $1.442695020e+00, v0  }
0xe8: {  	v1 =	vmul.f32 $1.442695020e+00, v1  }
0xe9: {  	(erf) = vpow2.f32 v0  }
0xea: {  	(erf) = vpow2.f32 v1;
	_ =	sdelay $0x2  }
0xeb: {  	v0 =	vld [tilespmem:s2+$0xB440];
	_ =	sdelay $0x1  }
0xec: {  	v1 =	vld [tilespmem:s2+$0xA040];
	_ =	sdelay $0x2  }
0xed: {  	v2 =	vpop (erf)  }
0xee: {  	[tilespmem:s2+$0xC830] =	vst v2;
	v2 =	vpop (erf)  }
0xef: {  	[tilespmem:s2+$0xDC30] =	vst v2  }
0xf0: {  	v2 =	vld.idx.msk [tilespmem:v0+s22+$0x0], $0xffff  }
0xf1: {  	v0 =	vld.idx.msk [tilespmem:v0+s21+$0x0], $0xffff  }
0xf2: {  	v3 =	vld.idx.msk [tilespmem:v1+s5+$0x0], $0xffff  }
0xf3: {  	v1 =	vld.idx.msk [tilespmem:v1+s20+$0x0], $0xffff;
	_ =	sdelay $0x4  }
0xf4: {  	v0 =	vadd.f32 v0, v3  }
0xf5: {  	v1 =	vadd.f32 v2, v1  }
0xf6: {  	v0 =	vmul.f32 $1.442695020e+00, v0  }
0xf7: {  	v1 =	vmul.f32 $1.442695020e+00, v1  }
0xf8: {  	(erf) = vpow2.f32 v0  }
0xf9: {  	(erf) = vpow2.f32 v1;
	_ =	sdelay $0x2  }
0xfa: {  	v0 =	vld [tilespmem:s2+$0xB450];
	_ =	sdelay $0x1  }
0xfb: {  	v1 =	vld [tilespmem:s2+$0xA050];
	_ =	sdelay $0x2  }
0xfc: {  	v2 =	vpop (erf)  }
0xfd: {  	[tilespmem:s2+$0xC840] =	vst v2;
	v2 =	vpop (erf)  }
0xfe: {  	[tilespmem:s2+$0xDC40] =	vst v2  }
0xff: {  	v2 =	vld.idx.msk [tilespmem:v0+s22+$0x0], $0xffff  }
0x100: {  	v0 =	vld.idx.msk [tilespmem:v0+s21+$0x0], $0xffff  }
0x101: {  	v3 =	vld.idx.msk [tilespmem:v1+s5+$0x0], $0xffff  }
0x102: {  	v1 =	vld.idx.msk [tilespmem:v1+s20+$0x0], $0xffff;
	_ =	sdelay $0x4  }
0x103: {  	v0 =	vadd.f32 v0, v3  }
0x104: {  	v1 =	vadd.f32 v2, v1  }
0x105: {  	v0 =	vmul.f32 $1.442695020e+00, v0  }
0x106: {  	v1 =	vmul.f32 $1.442695020e+00, v1  }
0x107: {  	(erf) = vpow2.f32 v0  }
0x108: {  	(erf) = vpow2.f32 v1;
	_ =	sdelay $0x2  }
0x109: {  	v0 =	vld [tilespmem:s2+$0xB460];
	_ =	sdelay $0x1  }
0x10a: {  	v1 =	vld [tilespmem:s2+$0xA060];
	_ =	sdelay $0x2  }
0x10b: {  	v2 =	vpop (erf)  }
0x10c: {  	[tilespmem:s2+$0xC850] =	vst v2;
	v2 =	vpop (erf)  }
0x10d: {  	[tilespmem:s2+$0xDC50] =	vst v2  }
0x10e: {  	v2 =	vld.idx.msk [tilespmem:v0+s22+$0x0], $0xffff  }
0x10f: {  	v0 =	vld.idx.msk [tilespmem:v0+s21+$0x0], $0xffff  }
0x110: {  	v3 =	vld.idx.msk [tilespmem:v1+s5+$0x0], $0xffff  }
0x111: {  	v1 =	vld.idx.msk [tilespmem:v1+s20+$0x0], $0xffff;
	_ =	sdelay $0x4  }
0x112: {  	v0 =	vadd.f32 v0, v3  }
0x113: {  	v1 =	vadd.f32 v2, v1  }
0x114: {  	v0 =	vmul.f32 $1.442695020e+00, v0  }
0x115: {  	v1 =	vmul.f32 $1.442695020e+00, v1  }
0x116: {  	(erf) = vpow2.f32 v0  }
0x117: {  	(erf) = vpow2.f32 v1;
	_ =	sdelay $0x2  }
0x118: {  	v0 =	vld [tilespmem:s2+$0xA070]  }
0x119: {  	v1 =	vld [tilespmem:s2+$0xB470];
	_ =	sdelay $0x3  }
.Ltmp0:
0x11a: {  	v2 =	vpop (erf);
	(pc) =	sbr.rel @p1 .LBB2_2-.Ltmp0, $4  }
0x11b: {  	[tilespmem:s2+$0xC860] =	vst v2;
	v2 =	vpop (erf)  }
0x11c: {  	[tilespmem:s2+$0xDC60] =	vst v2  }
0x11d: {  	v2 =	vld.idx.msk [tilespmem:v0+s5+$0x0], $0xffff  }
0x11e: {  	v3 =	vld.idx.msk [tilespmem:v1+s21+$0x0], $0xffff  }
0x11f: {  	_ =	sdelay $0x3  }
0x120: {  	v1 =	vld.idx.msk [tilespmem:v1+s22+$0x0], $0xffff  }
0x121: {  	v0 =	vld.idx.msk [tilespmem:v0+s20+$0x0], $0xffff;
	_ =	sdelay $0x3  }
0x122: {  	v2 =	vadd.f32 v3, v2  }
0x123: {  	v0 =	vadd.f32 v1, v0  }
0x124: {  	v61 =	vmul.f32 $1.442695020e+00, v2  }
0x125: {  	v0 =	vmul.f32 $1.442695020e+00, v0  }
0x126: {  	(erf) = vpow2.f32 v61  }
0x127: {  	(erf) = vpow2.f32 v0;
	_ =	sdelay $0x7  }
0x128: {  	v62 =	vpop (erf)  }
0x129: {  	[tilespmem:s2+$0xC870] =	vst v62;
	v63 =	vpop (erf)  }
0x12a: {  	s0 =	sadd.s32 $0xB400, s2;
	s16 =	sadd.s32 $0xC800, s2;
	[tilespmem:s2+$0xDC70] =	vst v63  }
0x12b: {  	[spmem:s3] =	stream.indirect.scatter.add.f32 [tilespmem:s16], [sflag:$0x2], $0x1, s0, s18, $0xb8;
	[tilespmem:$0xF500] =	vst v63  }
0x12c: {  	s17 =	sadd.s32 $0xDC00, s2  }
0x12d: {  	[spmem:s4] =	stream.indirect.scatter.add.f32 [tilespmem:s17], [sflag:$0x2], $0x1, s0, s18, $0xb8;
	[tilespmem:$0xF500] =	vst v63  }
0x12e: {  	s25 =	simm.s32 $0xC800  }
0x12f: {  	[hbm4b:s11+s5] =	stream.linear.scatter [tilespmem:s25], [sflag:$0x3], $0x1400, $0x38;
	[tilespmem:$0xF500] =	vst v63  }
0x130: {  	s26 =	simm.s32 $0xDC00  }
0x131: {  	[hbm4b:s12+s5] =	stream.linear.scatter [tilespmem:s26], [sflag:$0x3], $0x1400, $0x38;
	[tilespmem:$0xF500] =	vst v63  }
0x132: {  	_ =	swait.ge [sflag:s28], $0x1400  }
0x133: {  	[sflag:s28] =	ssyncset.done $0x0  }
0x134: {  	[sflag:s28] =	ssyncadd.s32 $0xFFFFEC00  }
0x135: {  	_ =	swait.ge [sflag:s28], $0x1400  }
0x136: {  	[sflag:s28] =	ssyncset.done $0x0  }
0x137: {  	[sflag:s28] =	ssyncadd.s32 $0xFFFFEC00  }
0x138: {  	_ =	swait.ge [sflag:s29], $0x1400  }
0x139: {  	[sflag:s29] =	ssyncset.done $0x0  }
0x13a: {  	[sflag:s29] =	ssyncadd.s32 $0xFFFFEC00  }
0x13b: {  	_ =	swait.ge [sflag:s29], $0x1400  }
0x13c: {  	[sflag:s29] =	ssyncset.done $0x0  }
0x13d: {  	s2 =	simm.s32 @!p0 $0x40;
	s16 =	simm.s32 @!p0 $0x10;
	[sflag:s29] =	ssyncadd.s32 $0xFFFFEC00  }
0x13e: {  	s0 =	simm.s32 @!p0 $0x1;
	s17 =	simm.s32 @!p0 $0x1C03;
	[bflag:$0x0] =	sbarrier.arrive $0xFFFF  }
0x13f: {  	[hbm:s13@s2], [sflag:s17] =	dma.strided @!p0 [spmem:s23@s16], $0x500, s0, $0x10   }
0x140: {  	[hbm:s14@s2], [sflag:s17] =	dma.strided @!p0 [spmem:s31@s16], $0x500, s0, $0x10   }
0x141: {  	s30 =	sadd.s32 $0x1, s30;
	s0 =	simm.s32 @!p0 $0x3  }
0x142: {  	p1 =	sne.s32 s30, s15;
	_ =	swait.ge @!p0 [sflag:s0], $0x500  }
.Ltmp1:
0x143: {  	[sflag:s0] =	ssyncset.done @!p0 $0x0;
	(pc) =	sbr.rel @p1 .LBB2_1-.Ltmp1, $4  }
0x144: {  	[sflag:s0] =	ssyncadd.s32 @!p0 $0xFFFFFB00  }
0x145: {  	_ =	swait.ge @!p0 [sflag:s0], $0x500  }
0x146: {  	[sflag:s0] =	ssyncset.done @!p0 $0x0  }
0x147: {  	[sflag:s0] =	ssyncadd.s32 @!p0 $0xFFFFFB00  }
0x148: {  	_ =	sfence.sel $0x180000  }
0x149: {  	[bflag:$0x0] =	sbarrier.arrive $0xFFFF  }
0x14a: {  	_ =	strace $0x90000047  }
0x14b: {  	[bflag:$0x2] =	sbarrier.arrive $0xFFFF  }
0x14c: {  	s0 =	rddreg [dreg:$0x6]  }
0x14d: {  	s0 =	sadd.s32 @!p0 $0x100000, s0  }
0x14e: {  	[sflag:s0] =	ssyncadd.tile.s32 @!p0 $0x1;
	_ =	shalt  }
.Lfunc_end2:
_tile_overlayer_lowered:
.L_overlay_start_2:
0x14f: {  	(tag) =	ssettag $0x2  }
0x150: {  	s0 =	rddreg [dreg:$0x0];
	s2 =	stileid.u32  }
0x151: {  	s1 =	rddreg [dreg:$0x1];
	p0 =	sne.s32 s2, $0x0  }
0x152: {  	s3 =	rddreg [dreg:$0x2];
	[bflag:$0x3] =	sbarrier.arrive $0xFFFF;
	s2 =	simm.s32 @!p0 $0x1C04  }
0x153: {  	[timem:s3], [sflag:s2] =	dma.local @!p0 [hbm:s0], s1  }
0x154: {  	s0 =	simm.s32 @!p0 $0x4  }
0x155: {  	_ =	swait.ge @!p0 [sflag:s0], s1  }
0x156: {  	s1 =	ssub.s32 @!p0 $0x0, s1;
	[sflag:s0] =	ssyncset.done @!p0 $0x0  }
0x157: {  	[sflag:s0] =	ssyncadd.s32 @!p0 s1  }
0x158: {  	[bflag:$0x3] =	sbarrier.arrive $0xFFFF  }
0x159: {  	_ =	shalt  }

// kernel: kernel.8.cloned.1.call-start
scs
__scs_entry_jumppad:
0x0: {  	(pc) =	sbr.rel $0x88, $3  }
0x1: {  	(tag) =	ssettag $0x0;
	lr =	simm.s32 $0x1  }
0x2: {  	[smem:$0x3F9C] =	sst lr;
	_ =	strace $0xD0000000  }
0x3: {  	_ = 	snop  }
0x4: {  	_ = 	snop  }
0x5: {  	_ = 	snop  }
0x6: {  	_ = 	snop  }
0x7: {  	_ = 	snop  }
__scs_overlays_trampoline_lowered:
0x8: {  	[smem:$0x3FAB] =	sst s0  }
0x9: {  	[smem:$0x3FAC] =	sst s1  }
0xa: {  	[smem:$0x3FAD] =	sst s2  }
0xb: {  	[smem:$0x3FAE] =	sst s3  }
0xc: {  	[smem:$0x3FAF] =	sst s4  }
0xd: {  	[smem:$0x3FB0] =	sst s5  }
0xe: {  	[smem:$0x3FB1] =	sst s6  }
0xf: {  	[smem:$0x3FB2] =	sst s7  }
0x10: {  	[smem:$0x3FB3] =	sst s8  }
0x11: {  	[smem:$0x3FB4] =	sst s9;
	s0 =	simm.s32 @!p0 $0x0  }
0x12: {  	s1 =	sld [smem:$0x3F9A];
	s0 =	simm.s32 @p0 $0x1  }
0x13: {  	[smem:$0x3FB5] =	sst s0;
	s0 =	simm.s32 @!p1 $0x0  }
0x14: {  	s2 =	sld [smem:$0x3F99];
	s0 =	simm.s32 @p1 $0x1  }
0x15: {  	[smem:$0x3FB6] =	sst s0;
	s0 =	simm.s32 @!p2 $0x0  }
0x16: {  	s3 =	sld [smem:$0x3FDB];
	s0 =	simm.s32 @p2 $0x1  }
0x17: {  	s4 =	simm.s32 $0x1BF5;
	[smem:$0x3FB8] =	sst s0  }
0x18: {  	s0 =	sld [smem:$0x3F9B];
	_ =	swait.ge [sflag:s4], $0x0  }
0x19: {  	s7 =	sld [smem:$0x3F9C]  }
0x1a: {  	s8 =	sadd.s32 $0xFFFFE003, lr  }
0x1b: {  	s9 =	sadd.s32 $0xFFFFFEF7, lr;
	s5 =	simm.s32 $0xFFFFFFFF;
	p2 =	slt.u32 s8, $0xFFFFF086  }
0x1c: {  	p1 =	slt.u32 s9, $0xF7A;
	s5 =	simm.s32 @!p2 $0x0  }
0x1d: {  	s5 =	simm.s32 @p1 $0x1;
	p0 =	seq.s32 s7, s2  }
0x1e: {  	s7 =	smul.u32 @!p0 $0xF7A, s2;
	p2 =	seq.s32 @!p0 s5, $0x0  }
0x1f: {  	s9 =	smul.u32 $0xF7A, s1;
	s8 =	simm.s32 @!p0 $0x1BF5;
	p2 =	por !p2, p0  }
0x20: {  	[sflag:s8] =	ssyncset.s32 @!p0 $0xFFFFF086;
	s6 =	sadd.s32 @!p0 s3, s7;
	s7 =	simm.s32 @!p0 $0x108  }
0x21: {  	s3 =	sadd.s32 s3, s9;
	s6 =	sadd.s32 @!p0 $0x88, s6;
	s7 =	simm.s32 @p2 $0x1082  }
0x22: {  	[simem:s7], [sflag:s8] =	dma.local @!p0 [hbm:s6], $0xF7A  }
0x23: {  	s9 =	sor.u32 $0xD0000000, s2;
	s6 =	simm.s32 $0x108;
	_ =	swait.ge @!p0 [sflag:s8], $0x0  }
0x24: {  	s3 =	sadd.s32 $0x88, s3;
	s6 =	simm.s32 @!p1 $0x1082;
	[sflag:s4] =	ssyncset.s32 $0xFFFFF086  }
0x25: {  	[simem:s6], [sflag:s4] =	dma.local [hbm:s3], $0xF7A  }
0x26: {  	[smem:$0x3F9C] =	sst s1;
	(tag) =	ssettag s2;
	_ =	strace s9  }
0x27: {  	s1 =	sld [smem:$0x3FAC]  }
0x28: {  	s2 =	sld [smem:$0x3FAD]  }
0x29: {  	s4 =	sld [smem:$0x3FAF]  }
0x2a: {  	p0 =	seq.s32 s5, $0x0;
	s5 =	sld [smem:$0x3FB0]  }
0x2b: {  	s6 =	sld [smem:$0x3FB1]  }
0x2c: {  	s7 =	sld [smem:$0x3FB2]  }
0x2d: {  	s3 =	simm.s32 $0x108;
	s8 =	sld [smem:$0x3FB3]  }
0x2e: {  	s3 =	simm.s32 @!p0 $0x1082;
	s9 =	sld [smem:$0x3FB4]  }
0x2f: {  	lr =	sadd.s32 s0, s3;
	s0 =	sld [smem:$0x3FAB]  }
0x30: {  	s3 =	sld [smem:$0x3FAE]  }
0x31: {  	[smem:$0x3FB7] =	sst s10  }
0x32: {  	s10 =	sld [smem:$0x3FB5];
	_ =	sdelay $0x3  }
0x33: {  	p0 =	seq.s32 s10, $0x1;
	s10 =	sld [smem:$0x3FB7];
	_ =	sdelay $0x3  }
0x34: {  	[smem:$0x3FB7] =	sst s10  }
0x35: {  	s10 =	sld [smem:$0x3FB6];
	_ =	sdelay $0x3  }
0x36: {  	p1 =	seq.s32 s10, $0x1;
	s10 =	sld [smem:$0x3FB7];
	_ =	sdelay $0x3  }
0x37: {  	[smem:$0x3FB7] =	sst s10  }
0x38: {  	s10 =	sld [smem:$0x3FB8]  }
0x39: {  	_ = 	snop;
	(pc) =	sbr.ind lr, $3  }
0x3a: {  	_ = 	snop  }
0x3b: {  	_ = 	snop  }
0x3c: {  	p2 =	seq.s32 s10, $0x1;
	s10 =	sld [smem:$0x3FB7]  }
0x3d: {  	_ =	shalt  }
0x3e: {  	_ =	shalt  }
0x3f: {  	_ =	shalt  }
0x40: {  	_ =	shalt  }
0x41: {  	_ =	shalt  }
0x42: {  	_ =	shalt  }
0x43: {  	_ =	shalt  }
0x44: {  	_ =	shalt  }
0x45: {  	_ =	shalt  }
0x46: {  	_ =	shalt  }
0x47: {  	_ =	shalt  }
0x48: {  	_ =	shalt  }
0x49: {  	_ =	shalt  }
0x4a: {  	_ =	shalt  }
0x4b: {  	_ =	shalt  }
0x4c: {  	_ =	shalt  }
0x4d: {  	_ =	shalt  }
0x4e: {  	_ =	shalt  }
0x4f: {  	_ =	shalt  }
0x50: {  	_ =	shalt  }
0x51: {  	_ =	shalt  }
0x52: {  	_ =	shalt  }
0x53: {  	_ =	shalt  }
0x54: {  	_ =	shalt  }
0x55: {  	_ =	shalt  }
0x56: {  	_ =	shalt  }
0x57: {  	_ =	shalt  }
0x58: {  	_ =	shalt  }
0x59: {  	_ =	shalt  }
0x5a: {  	_ =	shalt  }
0x5b: {  	_ =	shalt  }
0x5c: {  	_ =	shalt  }
0x5d: {  	_ =	shalt  }
0x5e: {  	_ =	shalt  }
0x5f: {  	_ =	shalt  }
0x60: {  	_ =	shalt  }
0x61: {  	_ =	shalt  }
0x62: {  	_ =	shalt  }
0x63: {  	_ =	shalt  }
0x64: {  	_ =	shalt  }
0x65: {  	_ =	shalt  }
0x66: {  	_ =	shalt  }
0x67: {  	_ =	shalt  }
0x68: {  	_ =	shalt  }
0x69: {  	_ =	shalt  }
0x6a: {  	_ =	shalt  }
0x6b: {  	_ =	shalt  }
0x6c: {  	_ =	shalt  }
0x6d: {  	_ =	shalt  }
0x6e: {  	_ =	shalt  }
0x6f: {  	_ =	shalt  }
0x70: {  	_ =	shalt  }
0x71: {  	_ =	shalt  }
0x72: {  	_ =	shalt  }
0x73: {  	_ =	shalt  }
0x74: {  	_ =	shalt  }
0x75: {  	_ =	shalt  }
0x76: {  	_ =	shalt  }
0x77: {  	_ =	shalt  }
0x78: {  	_ =	shalt  }
0x79: {  	_ =	shalt  }
0x7a: {  	_ =	shalt  }
0x7b: {  	_ =	shalt  }
0x7c: {  	_ =	shalt  }
0x7d: {  	_ =	shalt  }
0x7e: {  	_ =	shalt  }
0x7f: {  	_ =	shalt  }
0x80: {  	_ =	shalt  }
0x81: {  	_ =	shalt  }
0x82: {  	_ =	shalt  }
0x83: {  	_ =	shalt  }
0x84: {  	_ =	shalt  }
0x85: {  	_ =	shalt  }
0x86: {  	_ =	shalt  }
0x87: {  	_ =	shalt  }
.Lfunc_end0:
.L_simem_size_0:
called_computation.1_lowered:
.L_overlay_start_0:
0x88: {  	s2 =	sld [smem:$0x3FD9]  }
0x89: {  	s3 =	sld [smem:$0x3FFE];
	_ =	sdelay $0x1  }
0x8a: {  	s1 =	srdreg.scid  }
0x8b: {  	s0 =	sand.u32 $0x1, s1  }
0x8c: {  	s16 =	sshll.u32 s0, $0xA;
	s2 =	sadd.s32 s3, s2  }
0x8d: {  	s2 =	sadd.s32 s2, s16  }
0x8e: {  	[smem:$0x3FC3] =	sst s2  }
0x8f: {  	_ = 	snop  }
0x90: {  	(tm) =	ssettm $0x1  }
0x91: {  	s17 =	sld [smem:$0x3FFB];
	_ =	sdelay $0x3  }
0x92: {  	_ =	strace s17  }
0x93: {  	s2 =	sld [smem:$0x3FFC];
	_ =	sdelay $0x3  }
0x94: {  	_ =	strace s2  }
0x95: {  	s2 =	sld [smem:$0x3FFD];
	_ =	sdelay $0x3  }
0x96: {  	_ =	strace s2  }
0x97: {  	_ =	strace $0x8FFFFFFF  }
0x98: {  	s18 =	sld [smem:$0x3FDB];
	_ =	sdelay $0x1  }
0x99: {  	s19 =	simm.s32 $_scs_section_size  }
0x9a: {  	s4 =	simm.s32 $_size__tile_overlayer_lowered;
	s5 =	simm.s32 $_tile_overlayer_lowered  }
0x9b: {  	s22 =	simm.s32 $0x1BFF;
	s21 =	sshll.u32 s5, $0x1;
	s2 =	sadd.s32 s19, s18  }
0x9c: {  	s6 =	simm.s32 $0x0;
	s20 =	sshll.u32 s4, $0x1;
	s4 =	sadd.s32 s21, s2  }
0x9d: {  	[timem:s6], [sflag:s22] =	dma.local [hbm:s4], s20  }
0x9e: {  	_ =	swait.ge [sflag:s22], s20  }
0x9f: {  	s3 =	ssub.s32 $0x0, s20;
	[sflag:s22] =	ssyncset.done $0x0  }
0xa0: {  	[sflag:s22] =	ssyncadd.s32 s3;
	_ =	sdelay $0x1  }
0xa1: {  	s23 =	simm.s32 $0x1B8B  }
0xa2: {  	_ =	swait.ge [sflag:s23], $0x1  }
0xa3: {  	[sflag:s23] =	ssyncset.done $0x0  }
0xa4: {  	s25 =	simm.s32 $0x1B8E;
	s24 =	sld [smem:$0x3FFE];
	[sflag:s23] =	ssyncadd.s32 $0xFFFFFFFF  }
0xa5: {  	s26 =	simm.s32 $execute0_lowered;
	[smem:$0x3FD2] =	sst s25  }
0xa6: {  	s4 =	sshll.u32 s26, $0x1;
	_ =	strace $0x80000049;
	[dreg:$0x1] =	wrdreg $0xFFFFFFFF  }
0xa7: {  	s28 =	simm.s32 $_size_execute0_lowered;
	s2 =	sadd.s32 s2, s4;
	[dreg:$0x0] =	wrdreg $0x0  }
0xa8: {  	s4 =	sshll.u32 s28, $0x1;
	[dreg:$0x2] =	wrdreg s2  }
0xa9: {  	[dreg:$0x3] =	wrdreg s4  }
0xaa: {  	[dreg:$0x4] =	wrdreg $0xC0  }
0xab: {  	_ =	task [dreg:s6], $0x5FFFF  }
0xac: {  	[dreg:$0x1] =	wrdreg $0xFFFFFFFF  }
0xad: {  	[dreg:$0x0] =	wrdreg $0x60  }
0xae: {  	[dreg:$0x2] =	wrdreg s24  }
0xaf: {  	[dreg:$0x3] =	wrdreg $0x9  }
0xb0: {  	_ =	task.clear_ibuf [dreg:s6], $0x4FFFF;
	_ =	strace $0x90000049  }
0xb1: {  	s29 =	simm.s32 $0x9;
	_ =	strace $0x8000004B  }
0xb2: {  	_ =	swait.ge [sflag:s29], $0x1  }
0xb3: {  	[sflag:s29] =	ssyncadd.s32 $0xFFFFFFFF  }
0xb4: {  	_ =	strace $0x9000004B  }
0xb5: {  	_ =	sfence  }
0xb6: {  	s30 =	sld [smem:$0x0];
	_ =	sdelay $0x2  }
0xb7: {  	s31 =	sshll.u32 s1, $0xD;
	s1 =	sshrl.u32 s1, $0x2  }
0xb8: {  	s3 =	sand.u32 $0x4000, s31;
	s1 =	sadd.s32 s1, s30  }
0xb9: {  	s0 =	sor.u32 s3, s0;
	s1 =	sshll.u32 s1, $0x11  }
0xba: {  	s0 =	sor.u32 s1, s0  }
0xbb: {  	s0 =	sadd.s32 $0x8F2B, s0  }
0xbc: {  	[sflag:s0] =	ssyncadd.remote.s32 $0x1  }
0xbd: {  	_ =	sfence.sel $0xFFFF  }
0xbe: {  	[dreg:$0x0] =	wrdreg $0xFFFFFFFF;
	(pc) =	sbr.abs _section_cstart, $3  }
0xbf: {  	[dreg:$0x1] =	wrdreg $0xFFFFFFFF  }
0xc0: {  	_ =	task.clear_ibuf [dreg:s6], $0x2FFFF;
	_ =	strace $0x9FFFFFFF  }
0xc1: {  	(tm) =	ssettm $0x7FFFFFFF  }
tec
execute0_lowered:
.L_overlay_start_1:
0x0: {  	(tag) =	ssettag $0x1  }
0x1: {  	s1 =	srdreg.scid  }
0x2: {  	s0 =	stileid.u32;
	s6 =	rddreg [dreg:$0x0];
	s2 =	simm.s32 $0x0  }
0x3: {  	s14 =	simm.s32 $0x200;
	s15 =	simm.s32 $0x5000;
	s16 =	simm.s32 $0x2800  }
0x4: {  	s17 =	simm.s32 $0x7800;
	s18 =	simm.s32 $0xA000;
	s19 =	simm.s32 $0xB400  }
0x5: {  	s20 =	simm.s32 $0xC800;
	s21 =	simm.s32 $0x1;
	s22 =	simm.s32 $0x2  }
0x6: {  	s23 =	simm.s32 $0x0;
	s4 =	sand.u32 $0x1, s1;
	s1 =	rddreg [dreg:$0x1]  }
0x7: {  	s3 =	sshll.u32 s0, $0x1;
	[smem:$0x7FF] =	sst s2;
	s9 =	sadd.s32 $0x5E00, s6  }
0x8: {  	s11 =	sadd.s32 $0x11200, s6;
	s3 =	sor.u32 s4, s3;
	s4 =	ssub.s32 $0x2, s4  }
0x9: {  	_ =	strace $0x8000004A;
	s5 =	smul.u32 $0x1400, s3;
	s31 =	sshrl.u32 s4, $0x1  }
0xa: {  	s3 =	sadd.s32 $0xFE00, s6;
	s12 =	ssub.s32 s4, s31;
	s4 =	sadd.s32 $0xFE20, s6  }
0xb: {  	s10 =	sshrl.u32 s5, $0x3;
	s5 =	sadd.s32 $0xFE10, s6;
	s12 =	smax.u32 s12, $0x1  }
0xc: {  	s7 =	sadd.s32 s10, s6;
	s6 =	sadd.s32 $0xFE30, s6;
	s8 =	sadd.s32 s9, s10  }
0xd: {  	s13 =	sadd.s32 $0x5000, s10;
	s10 =	sadd.s32 s11, s10;
	s7 =	sadd.s32 $0xE00, s7  }
0xe: {  	s9 =	sadd.s32 s9, s13;
	s11 =	sadd.s32 s11, s13;
	s13 =	simm.s32 $0x80  }
.LBB2_1:
0xf: {  	[tilespmem:s2], [sflag:$0x1] =	stream.strided.gather [hbm4b:s3+s13], $0x2800, s14, s13, $0x38;
	[tilespmem:$0xDC00] =	vst v63  }
0x10: {  	_ = 	snop  }
0x11: {  	[tilespmem:s15], [sflag:$0x1] =	stream.strided.gather [hbm4b:s4+s13], $0x2800, s14, s13, $0x38;
	[tilespmem:$0xDC00] =	vst v63  }
0x12: {  	_ = 	snop  }
0x13: {  	[tilespmem:s16], [sflag:$0x1] =	stream.strided.gather [hbm4b:s5+s13], $0x2800, s14, s13, $0x38;
	[tilespmem:$0xDC00] =	vst v63  }
0x14: {  	_ = 	snop  }
0x15: {  	[tilespmem:s17], [sflag:$0x1] =	stream.strided.gather [hbm4b:s6+s13], $0x2800, s14, s13, $0x38;
	[tilespmem:$0xDC00] =	vst v63  }
0x16: {  	_ = 	snop  }
0x17: {  	[tilespmem:s18], [sflag:$0x1] =	stream.linear.gather [hbm4b:s7+s2], $0x1400, $0x38;
	[tilespmem:$0xDC00] =	vst v63  }
0x18: {  	_ = 	snop  }
0x19: {  	[tilespmem:s19], [sflag:$0x1] =	stream.linear.gather [hbm4b:s8+s2], $0x1400, $0x38;
	[tilespmem:$0xDC00] =	vst v63  }
0x1a: {  	_ = 	snop  }
0x1b: {  	[tilespmem:s20], [sflag:$0x1] =	stream.linear.gather [hbm4b:s9+s2], $0x1400, $0x38;
	[tilespmem:$0xDC00] =	vst v63  }
0x1c: {  	_ =	swait.ge [sflag:s21], $0x2800  }
0x1d: {  	[sflag:s21] =	ssyncset.done $0x0  }
0x1e: {  	[sflag:s21] =	ssyncadd.s32 $0xFFFFD800  }
0x1f: {  	_ =	swait.ge [sflag:s21], $0x2800  }
0x20: {  	[sflag:s21] =	ssyncset.done $0x0  }
0x21: {  	[sflag:s21] =	ssyncadd.s32 $0xFFFFD800  }
0x22: {  	_ =	swait.ge [sflag:s21], $0x2800  }
0x23: {  	[sflag:s21] =	ssyncset.done $0x0  }
0x24: {  	[sflag:s21] =	ssyncadd.s32 $0xFFFFD800  }
0x25: {  	_ =	swait.ge [sflag:s21], $0x2800  }
0x26: {  	[sflag:s21] =	ssyncset.done $0x0  }
0x27: {  	[sflag:s21] =	ssyncadd.s32 $0xFFFFD800  }
0x28: {  	_ =	swait.ge [sflag:s21], $0x1400  }
0x29: {  	[sflag:s21] =	ssyncset.done $0x0  }
0x2a: {  	[sflag:s21] =	ssyncadd.s32 $0xFFFFEC00  }
0x2b: {  	_ =	swait.ge [sflag:s21], $0x1400  }
0x2c: {  	[sflag:s21] =	ssyncset.done $0x0  }
0x2d: {  	[sflag:s21] =	ssyncadd.s32 $0xFFFFEC00  }
0x2e: {  	_ =	swait.ge [sflag:s21], $0x1400  }
0x2f: {  	[sflag:s21] =	ssyncset.done $0x0  }
0x30: {  	s24 =	simm.s32 $0x0;
	[sflag:s21] =	ssyncadd.s32 $0xFFFFEC00  }
0x31: {  	v6 =	vld [tilespmem:s24+$0x5000]  }
0x32: {  	v7 =	vld [tilespmem:s24+$0x7800]  }
0x33: {  	v8 =	vld [tilespmem:s24+$0x5010]  }
0x34: {  	v9 =	vld [tilespmem:s24+$0x7810]  }
0x35: {  	v10 =	vld [tilespmem:s24+$0x5020]  }
0x36: {  	v11 =	vld [tilespmem:s24+$0x7820]  }
0x37: {  	v12 =	vld [tilespmem:s24+$0x5030]  }
0x38: {  	v13 =	vld [tilespmem:s24+$0x7830]  }
0x39: {  	v14 =	vld [tilespmem:s24+$0x5040]  }
0x3a: {  	v15 =	vld [tilespmem:s24+$0x7840]  }
0x3b: {  	v5 =	vld [tilespmem:s24+$0x5050]  }
0x3c: {  	v4 =	vld [tilespmem:s24+$0x7850]  }
0x3d: {  	v3 =	vld [tilespmem:s24+$0x5060]  }
0x3e: {  	v2 =	vld [tilespmem:s24+$0x7860]  }
0x3f: {  	v1 =	vld [tilespmem:s24+$0x5070]  }
0x40: {  	v0 =	vld [tilespmem:s24+$0x7870]  }
0x41: {  	v16 =	vld [tilespmem:s24+$0x0]  }
0x42: {  	v17 =	vld [tilespmem:s24+$0x2800]  }
0x43: {  	v18 =	vld [tilespmem:s24+$0x10]  }
0x44: {  	v19 =	vld [tilespmem:s24+$0x2810]  }
0x45: {  	v20 =	vld [tilespmem:s24+$0x20]  }
0x46: {  	v60 =	vld [tilespmem:s24+$0x2820];
	v6 =	vadd.f32 v6, v16  }
0x47: {  	v21 =	vld [tilespmem:s24+$0x30];
	v7 =	vadd.f32 v7, v17  }
0x48: {  	v61 =	vld [tilespmem:s24+$0x2830];
	[tilespmem:s24+$0x0] =	vst v6;
	v6 =	vadd.f32 v8, v18  }
0x49: {  	v62 =	vld [tilespmem:s24+$0x40];
	[tilespmem:s24+$0x2800] =	vst v7;
	v7 =	vadd.f32 v9, v19  }
0x4a: {  	v63 =	vld [tilespmem:s24+$0x2840];
	[tilespmem:s24+$0x10] =	vst v6;
	v6 =	vadd.f32 v10, v20  }
0x4b: {  	v8 =	vadd.f32 v11, v60;
	[tilespmem:s24+$0x2810] =	vst v7;
	v7 =	vld [tilespmem:s24+$0x50]  }
0x4c: {  	v9 =	vadd.f32 v12, v21;
	[tilespmem:s24+$0x20] =	vst v6;
	v6 =	vld [tilespmem:s24+$0x2850]  }
0x4d: {  	[tilespmem:s24+$0x2820] =	vst v8;
	v8 =	vld [tilespmem:s24+$0x60];
	v10 =	vadd.f32 v13, v61  }
0x4e: {  	v12 =	vadd.f32 v14, v62;
	[tilespmem:s24+$0x30] =	vst v9;
	v9 =	vld [tilespmem:s24+$0x2860]  }
0x4f: {  	s25 =	simm.s32 $0x200;
	v11 =	vadd.f32 v15, v63;
	[tilespmem:s24+$0x2830] =	vst v10;
	v10 =	vld [tilespmem:s24+$0x70]  }
.LBB2_2:
0x50: {  	s26 =	sshra.s32 s25, $0x2;
	p0 =	sne.s32 s25, $0x9E00;
	[tilespmem:s24+$0x40] =	vst v12;
	v5 =	vadd.f32 v5, v7;
	v7 =	vld [tilespmem:s24+$0x2870]  }
0x51: {  	v12 =	vld [tilespmem:s26+$0x5000];
	[tilespmem:s24+$0x2840] =	vst v11;
	v4 =	vadd.f32 v4, v6  }
0x52: {  	v6 =	vld [tilespmem:s26+$0x7800];
	[tilespmem:s24+$0x50] =	vst v5;
	v3 =	vadd.f32 v3, v8  }
0x53: {  	v8 =	vld [tilespmem:s26+$0x5010];
	[tilespmem:s24+$0x2850] =	vst v4;
	v2 =	vadd.f32 v2, v9  }
0x54: {  	v9 =	vld [tilespmem:s26+$0x7810];
	[tilespmem:s24+$0x60] =	vst v3;
	v1 =	vadd.f32 v1, v10  }
0x55: {  	v10 =	vld [tilespmem:s26+$0x5020];
	[tilespmem:s24+$0x2860] =	vst v2;
	v0 =	vadd.f32 v0, v7  }
0x56: {  	v7 =	vld [tilespmem:s26+$0x7820];
	[tilespmem:s24+$0x70] =	vst v1  }
0x57: {  	v11 =	vld [tilespmem:s26+$0x5030];
	[tilespmem:s24+$0x2870] =	vst v0;
	s24 =	smov.u32 s26  }
0x58: {  	v13 =	vld [tilespmem:s24+$0x7830]  }
0x59: {  	v14 =	vld [tilespmem:s24+$0x5040]  }
0x5a: {  	v15 =	vld [tilespmem:s24+$0x7840]  }
0x5b: {  	v5 =	vld [tilespmem:s24+$0x5050]  }
0x5c: {  	v4 =	vld [tilespmem:s24+$0x7850]  }
0x5d: {  	v3 =	vld [tilespmem:s24+$0x5060]  }
0x5e: {  	v2 =	vld [tilespmem:s24+$0x7860]  }
0x5f: {  	v1 =	vld [tilespmem:s24+$0x5070]  }
0x60: {  	v0 =	vld [tilespmem:s24+$0x7870]  }
0x61: {  	v16 =	vld [tilespmem:s24+$0x0]  }
0x62: {  	v17 =	vld [tilespmem:s24+$0x2800]  }
0x63: {  	v18 =	vld [tilespmem:s24+$0x10]  }
0x64: {  	v19 =	vld [tilespmem:s24+$0x2810]  }
0x65: {  	v20 =	vld [tilespmem:s24+$0x20]  }
0x66: {  	v12 =	vadd.f32 v12, v16;
	v16 =	vld [tilespmem:s24+$0x2820]  }
0x67: {  	v6 =	vadd.f32 v6, v17;
	v17 =	vld [tilespmem:s24+$0x30]  }
0x68: {  	[tilespmem:s24+$0x0] =	vst v12;
	v8 =	vadd.f32 v8, v18;
	v12 =	vld [tilespmem:s24+$0x2830]  }
0x69: {  	[tilespmem:s24+$0x2800] =	vst v6;
	v6 =	vadd.f32 v9, v19;
	v9 =	vld [tilespmem:s24+$0x40]  }
0x6a: {  	[tilespmem:s24+$0x10] =	vst v8;
	v8 =	vadd.f32 v10, v20;
	v10 =	vld [tilespmem:s24+$0x2840]  }
.Ltmp0:
0x6b: {  	[tilespmem:s24+$0x2810] =	vst v6;
	v16 =	vadd.f32 v7, v16;
	v7 =	vld [tilespmem:s24+$0x50];
	(pc) =	sbr.rel @p0 .LBB2_2-.Ltmp0, $4  }
0x6c: {  	[tilespmem:s24+$0x20] =	vst v8;
	v11 =	vadd.f32 v11, v17;
	v6 =	vld [tilespmem:s24+$0x2850]  }
0x6d: {  	[tilespmem:s24+$0x2820] =	vst v16;
	v13 =	vadd.f32 v13, v12;
	v8 =	vld [tilespmem:s24+$0x60]  }
0x6e: {  	[tilespmem:s24+$0x30] =	vst v11;
	v12 =	vadd.f32 v14, v9;
	v9 =	vld [tilespmem:s24+$0x2860]  }
0x6f: {  	s25 =	sadd.s32 $0x200, s25;
	[tilespmem:s24+$0x2830] =	vst v13;
	v11 =	vadd.f32 v15, v10;
	v10 =	vld [tilespmem:s24+$0x70]  }
0x70: {  	[tilespmem:s24+$0x40] =	vst v12;
	v5 =	vadd.f32 v5, v7;
	v63 =	vld [tilespmem:s24+$0x2870]  }
0x71: {  	[tilespmem:s24+$0x2840] =	vst v11;
	v4 =	vadd.f32 v4, v6  }
0x72: {  	[tilespmem:s24+$0x50] =	vst v5;
	v3 =	vadd.f32 v3, v8  }
0x73: {  	[tilespmem:s24+$0x2850] =	vst v4;
	v2 =	vadd.f32 v2, v9  }
0x74: {  	[tilespmem:s24+$0x60] =	vst v3;
	v1 =	vadd.f32 v1, v10  }
0x75: {  	[tilespmem:s24+$0x2860] =	vst v2;
	v0 =	vadd.f32 v0, v63  }
0x76: {  	[tilespmem:s24+$0x70] =	vst v1  }
0x77: {  	[tilespmem:s24+$0x2870] =	vst v0;
	s24 =	simm.s32 $0x0  }
0x78: {  	v0 =	vld [tilespmem:s24+$0xA000];
	_ =	sdelay $0x7  }
0x79: {  	v1 =	vld.idx.msk [tilespmem:v0+s2+$0x0], $0xffff  }
0x7a: {  	v0 =	vld.idx.msk [tilespmem:v0+s16+$0x0], $0xffff;
	_ =	sdelay $0x3  }
0x7b: {  	v1 =	vadd.f32 $1.000000020e-16, v1  }
0x7c: {  	v0 =	vadd.f32 $1.000000020e-16, v0  }
0x7d: {  	(erf) = vrcp.f32 v1  }
0x7e: {  	(erf) = vrcp.f32 v0;
	_ =	sdelay $0x3  }
0x7f: {  	v0 =	vld [tilespmem:s24+$0xB400]  }
0x80: {  	v1 =	vld [tilespmem:s24+$0xC800];
	_ =	sdelay $0x1  }
0x81: {  	v2 =	vld [tilespmem:s24+$0xA010]  }
0x82: {  	v3 =	vpop (erf)  }
0x83: {  	v0 =	vmul.f32 v3, v0;
	v3 =	vpop (erf)  }
0x84: {  	v1 =	vmul.f32 v1, v3  }
0x85: {  	v0 =	vadd.f32 $5.000000000e-01, v0  }
0x86: {  	v1 =	vadd.f32 $5.000000000e-01, v1  }
0x87: {  	[tilespmem:s24+$0xB400] =	vst v0  }
0x88: {  	[tilespmem:s24+$0xC800] =	vst v1  }
0x89: {  	v0 =	vld.idx.msk [tilespmem:v2+s2+$0x0], $0xffff  }
0x8a: {  	v1 =	vld.idx.msk [tilespmem:v2+s16+$0x0], $0xffff;
	_ =	sdelay $0x3  }
0x8b: {  	v0 =	vadd.f32 $1.000000020e-16, v0  }
0x8c: {  	v1 =	vadd.f32 $1.000000020e-16, v1  }
0x8d: {  	(erf) = vrcp.f32 v0  }
0x8e: {  	(erf) = vrcp.f32 v1;
	_ =	sdelay $0x3  }
0x8f: {  	v0 =	vld [tilespmem:s24+$0xB410]  }
0x90: {  	v1 =	vld [tilespmem:s24+$0xC810];
	_ =	sdelay $0x1  }
0x91: {  	v2 =	vld [tilespmem:s24+$0xA020]  }
0x92: {  	v3 =	vpop (erf)  }
0x93: {  	v0 =	vmul.f32 v3, v0;
	v3 =	vpop (erf)  }
0x94: {  	v1 =	vmul.f32 v1, v3  }
0x95: {  	v0 =	vadd.f32 $5.000000000e-01, v0  }
0x96: {  	v1 =	vadd.f32 $5.000000000e-01, v1  }
0x97: {  	[tilespmem:s24+$0xB410] =	vst v0  }
0x98: {  	[tilespmem:s24+$0xC810] =	vst v1  }
0x99: {  	v0 =	vld.idx.msk [tilespmem:v2+s2+$0x0], $0xffff  }
0x9a: {  	v1 =	vld.idx.msk [tilespmem:v2+s16+$0x0], $0xffff;
	_ =	sdelay $0x3  }
0x9b: {  	v0 =	vadd.f32 $1.000000020e-16, v0  }
0x9c: {  	v1 =	vadd.f32 $1.000000020e-16, v1  }
0x9d: {  	(erf) = vrcp.f32 v0  }
0x9e: {  	(erf) = vrcp.f32 v1;
	_ =	sdelay $0x3  }
0x9f: {  	v0 =	vld [tilespmem:s24+$0xB420]  }
0xa0: {  	v1 =	vld [tilespmem:s24+$0xC820];
	_ =	sdelay $0x1  }
0xa1: {  	v2 =	vld [tilespmem:s24+$0xA030]  }
0xa2: {  	v3 =	vpop (erf)  }
0xa3: {  	v0 =	vmul.f32 v3, v0;
	v3 =	vpop (erf)  }
0xa4: {  	v1 =	vmul.f32 v1, v3  }
0xa5: {  	v0 =	vadd.f32 $5.000000000e-01, v0  }
0xa6: {  	v1 =	vadd.f32 $5.000000000e-01, v1  }
0xa7: {  	[tilespmem:s24+$0xB420] =	vst v0  }
0xa8: {  	[tilespmem:s24+$0xC820] =	vst v1  }
0xa9: {  	v0 =	vld.idx.msk [tilespmem:v2+s2+$0x0], $0xffff  }
0xaa: {  	v1 =	vld.idx.msk [tilespmem:v2+s16+$0x0], $0xffff;
	_ =	sdelay $0x3  }
0xab: {  	v0 =	vadd.f32 $1.000000020e-16, v0  }
0xac: {  	v1 =	vadd.f32 $1.000000020e-16, v1  }
0xad: {  	(erf) = vrcp.f32 v0  }
0xae: {  	(erf) = vrcp.f32 v1;
	_ =	sdelay $0x3  }
0xaf: {  	v0 =	vld [tilespmem:s24+$0xB430]  }
0xb0: {  	v1 =	vld [tilespmem:s24+$0xC830];
	_ =	sdelay $0x1  }
0xb1: {  	v2 =	vld [tilespmem:s24+$0xA040]  }
0xb2: {  	v3 =	vpop (erf)  }
0xb3: {  	v0 =	vmul.f32 v3, v0;
	v3 =	vpop (erf)  }
0xb4: {  	v1 =	vmul.f32 v1, v3  }
0xb5: {  	v0 =	vadd.f32 $5.000000000e-01, v0  }
0xb6: {  	v1 =	vadd.f32 $5.000000000e-01, v1  }
0xb7: {  	[tilespmem:s24+$0xB430] =	vst v0  }
0xb8: {  	[tilespmem:s24+$0xC830] =	vst v1  }
0xb9: {  	v0 =	vld.idx.msk [tilespmem:v2+s2+$0x0], $0xffff  }
0xba: {  	v1 =	vld.idx.msk [tilespmem:v2+s16+$0x0], $0xffff;
	_ =	sdelay $0x3  }
0xbb: {  	v0 =	vadd.f32 $1.000000020e-16, v0  }
0xbc: {  	v1 =	vadd.f32 $1.000000020e-16, v1  }
0xbd: {  	(erf) = vrcp.f32 v0  }
0xbe: {  	(erf) = vrcp.f32 v1;
	_ =	sdelay $0x3  }
0xbf: {  	v0 =	vld [tilespmem:s24+$0xB440]  }
0xc0: {  	v1 =	vld [tilespmem:s24+$0xC840];
	_ =	sdelay $0x1  }
0xc1: {  	v2 =	vld [tilespmem:s24+$0xA050]  }
0xc2: {  	v3 =	vpop (erf)  }
0xc3: {  	v0 =	vmul.f32 v3, v0;
	v3 =	vpop (erf)  }
0xc4: {  	v1 =	vmul.f32 v1, v3  }
0xc5: {  	v0 =	vadd.f32 $5.000000000e-01, v0  }
0xc6: {  	v1 =	vadd.f32 $5.000000000e-01, v1  }
0xc7: {  	[tilespmem:s24+$0xB440] =	vst v0  }
0xc8: {  	[tilespmem:s24+$0xC840] =	vst v1  }
0xc9: {  	v0 =	vld.idx.msk [tilespmem:v2+s2+$0x0], $0xffff  }
0xca: {  	v1 =	vld.idx.msk [tilespmem:v2+s16+$0x0], $0xffff;
	_ =	sdelay $0x3  }
0xcb: {  	v0 =	vadd.f32 $1.000000020e-16, v0  }
0xcc: {  	v1 =	vadd.f32 $1.000000020e-16, v1  }
0xcd: {  	(erf) = vrcp.f32 v0  }
0xce: {  	(erf) = vrcp.f32 v1;
	_ =	sdelay $0x3  }
0xcf: {  	v0 =	vld [tilespmem:s24+$0xB450]  }
0xd0: {  	v1 =	vld [tilespmem:s24+$0xC850];
	_ =	sdelay $0x1  }
0xd1: {  	v2 =	vld [tilespmem:s24+$0xA060]  }
0xd2: {  	v3 =	vpop (erf)  }
0xd3: {  	v0 =	vmul.f32 v3, v0;
	v3 =	vpop (erf)  }
0xd4: {  	v1 =	vmul.f32 v1, v3  }
0xd5: {  	v0 =	vadd.f32 $5.000000000e-01, v0  }
0xd6: {  	v1 =	vadd.f32 $5.000000000e-01, v1  }
0xd7: {  	[tilespmem:s24+$0xB450] =	vst v0  }
0xd8: {  	[tilespmem:s24+$0xC850] =	vst v1  }
0xd9: {  	v0 =	vld.idx.msk [tilespmem:v2+s2+$0x0], $0xffff  }
0xda: {  	v1 =	vld.idx.msk [tilespmem:v2+s16+$0x0], $0xffff;
	_ =	sdelay $0x3  }
0xdb: {  	v0 =	vadd.f32 $1.000000020e-16, v0  }
0xdc: {  	v1 =	vadd.f32 $1.000000020e-16, v1  }
0xdd: {  	(erf) = vrcp.f32 v0  }
0xde: {  	(erf) = vrcp.f32 v1;
	_ =	sdelay $0x3  }
0xdf: {  	v0 =	vld [tilespmem:s24+$0xB460]  }
0xe0: {  	v1 =	vld [tilespmem:s24+$0xC860];
	_ =	sdelay $0x1  }
0xe1: {  	v2 =	vld [tilespmem:s24+$0xA070]  }
0xe2: {  	v3 =	vpop (erf)  }
0xe3: {  	v0 =	vmul.f32 v3, v0;
	v3 =	vpop (erf)  }
0xe4: {  	v1 =	vmul.f32 v1, v3  }
0xe5: {  	v0 =	vadd.f32 $5.000000000e-01, v0  }
0xe6: {  	v1 =	vadd.f32 $5.000000000e-01, v1  }
0xe7: {  	[tilespmem:s24+$0xB460] =	vst v0  }
0xe8: {  	[tilespmem:s24+$0xC860] =	vst v1  }
0xe9: {  	v0 =	vld.idx.msk [tilespmem:v2+s2+$0x0], $0xffff  }
0xea: {  	v1 =	vld.idx.msk [tilespmem:v2+s16+$0x0], $0xffff;
	_ =	sdelay $0x3  }
0xeb: {  	v2 =	vadd.f32 $1.000000020e-16, v0  }
0xec: {  	v3 =	vadd.f32 $1.000000020e-16, v1  }
0xed: {  	v0 =	vld [tilespmem:s24+$0xB470];
	(erf) = vrcp.f32 v2  }
0xee: {  	s25 =	simm.s32 $0x200;
	s26 =	simm.s32 $0x400;
	v1 =	vld [tilespmem:s24+$0xC870];
	(erf) = vrcp.f32 v3  }
.LBB2_4:
0xef: {  	_ =	sdelay $0x3  }
0xf0: {  	p0 =	sne.s32 s26, $0x4E00  }
0xf1: {  	s28 =	sshra.s32 s25, $0x2;
	s25 =	smov.u32 s26;
	s26 =	sadd.s32 $0x200, s26  }
0xf2: {  	v2 =	vld [tilespmem:s28+$0xA000]  }
0xf3: {  	v3 =	vpop (erf)  }
0xf4: {  	v0 =	vmul.f32 v3, v0;
	v3 =	vpop (erf)  }
0xf5: {  	v1 =	vmul.f32 v1, v3  }
0xf6: {  	v0 =	vadd.f32 $5.000000000e-01, v0  }
0xf7: {  	v1 =	vadd.f32 $5.000000000e-01, v1  }
0xf8: {  	[tilespmem:s24+$0xB470] =	vst v0  }
0xf9: {  	[tilespmem:s24+$0xC870] =	vst v1;
	s24 =	smov.u32 s28  }
0xfa: {  	v0 =	vld.idx.msk [tilespmem:v2+s2+$0x0], $0xffff  }
0xfb: {  	v1 =	vld.idx.msk [tilespmem:v2+s16+$0x0], $0xffff;
	_ =	sdelay $0x4  }
0xfc: {  	v0 =	vadd.f32 $1.000000020e-16, v0  }
0xfd: {  	v1 =	vadd.f32 $1.000000020e-16, v1  }
0xfe: {  	(erf) = vrcp.f32 v0  }
0xff: {  	(erf) = vrcp.f32 v1;
	_ =	sdelay $0x2  }
0x100: {  	v0 =	vld [tilespmem:s24+$0xC800]  }
0x101: {  	v1 =	vld [tilespmem:s24+$0xB400];
	_ =	sdelay $0x2  }
0x102: {  	v2 =	vld [tilespmem:s24+$0xA010]  }
0x103: {  	v3 =	vpop (erf)  }
0x104: {  	v1 =	vmul.f32 v3, v1;
	v3 =	vpop (erf)  }
0x105: {  	v0 =	vmul.f32 v0, v3  }
0x106: {  	v1 =	vadd.f32 $5.000000000e-01, v1  }
0x107: {  	v0 =	vadd.f32 $5.000000000e-01, v0  }
0x108: {  	[tilespmem:s24+$0xB400] =	vst v1  }
0x109: {  	[tilespmem:s24+$0xC800] =	vst v0  }
0x10a: {  	v0 =	vld.idx.msk [tilespmem:v2+s2+$0x0], $0xffff  }
0x10b: {  	v1 =	vld.idx.msk [tilespmem:v2+s16+$0x0], $0xffff;
	_ =	sdelay $0x4  }
0x10c: {  	v0 =	vadd.f32 $1.000000020e-16, v0  }
0x10d: {  	v1 =	vadd.f32 $1.000000020e-16, v1  }
0x10e: {  	(erf) = vrcp.f32 v0  }
0x10f: {  	(erf) = vrcp.f32 v1;
	_ =	sdelay $0x1  }
0x110: {  	v0 =	vld [tilespmem:s24+$0xC810]  }
0x111: {  	v1 =	vld [tilespmem:s24+$0xB410];
	_ =	sdelay $0x3  }
0x112: {  	v2 =	vld [tilespmem:s24+$0xA020]  }
0x113: {  	v3 =	vpop (erf)  }
0x114: {  	v1 =	vmul.f32 v3, v1;
	v3 =	vpop (erf)  }
0x115: {  	v0 =	vmul.f32 v0, v3  }
0x116: {  	v1 =	vadd.f32 $5.000000000e-01, v1  }
0x117: {  	v0 =	vadd.f32 $5.000000000e-01, v0  }
0x118: {  	[tilespmem:s24+$0xB410] =	vst v1  }
0x119: {  	[tilespmem:s24+$0xC810] =	vst v0  }
0x11a: {  	v0 =	vld.idx.msk [tilespmem:v2+s2+$0x0], $0xffff  }
0x11b: {  	v1 =	vld.idx.msk [tilespmem:v2+s16+$0x0], $0xffff;
	_ =	sdelay $0x4  }
0x11c: {  	v0 =	vadd.f32 $1.000000020e-16, v0  }
0x11d: {  	v1 =	vadd.f32 $1.000000020e-16, v1  }
0x11e: {  	(erf) = vrcp.f32 v0  }
0x11f: {  	(erf) = vrcp.f32 v1  }
0x120: {  	v0 =	vld [tilespmem:s24+$0xC820]  }
0x121: {  	v1 =	vld [tilespmem:s24+$0xB420];
	_ =	sdelay $0x4  }
0x122: {  	v2 =	vld [tilespmem:s24+$0xA030]  }
0x123: {  	v3 =	vpop (erf)  }
0x124: {  	v1 =	vmul.f32 v3, v1;
	v3 =	vpop (erf)  }
0x125: {  	v0 =	vmul.f32 v0, v3  }
0x126: {  	v1 =	vadd.f32 $5.000000000e-01, v1  }
0x127: {  	v0 =	vadd.f32 $5.000000000e-01, v0  }
0x128: {  	[tilespmem:s24+$0xB420] =	vst v1  }
0x129: {  	[tilespmem:s24+$0xC820] =	vst v0  }
0x12a: {  	v0 =	vld.idx.msk [tilespmem:v2+s2+$0x0], $0xffff  }
0x12b: {  	v1 =	vld.idx.msk [tilespmem:v2+s16+$0x0], $0xffff;
	_ =	sdelay $0x4  }
0x12c: {  	v0 =	vadd.f32 $1.000000020e-16, v0  }
0x12d: {  	v1 =	vadd.f32 $1.000000020e-16, v1  }
0x12e: {  	(erf) = vrcp.f32 v0  }
0x12f: {  	v0 =	vld [tilespmem:s24+$0xC830];
	(erf) = vrcp.f32 v1  }
0x130: {  	v1 =	vld [tilespmem:s24+$0xB430];
	_ =	sdelay $0x5  }
0x131: {  	v2 =	vld [tilespmem:s24+$0xA040]  }
0x132: {  	v3 =	vpop (erf)  }
0x133: {  	v1 =	vmul.f32 v3, v1;
	v3 =	vpop (erf)  }
0x134: {  	v0 =	vmul.f32 v0, v3  }
0x135: {  	v1 =	vadd.f32 $5.000000000e-01, v1  }
0x136: {  	v0 =	vadd.f32 $5.000000000e-01, v0  }
0x137: {  	[tilespmem:s24+$0xB430] =	vst v1  }
0x138: {  	[tilespmem:s24+$0xC830] =	vst v0  }
0x139: {  	v0 =	vld.idx.msk [tilespmem:v2+s2+$0x0], $0xffff  }
0x13a: {  	v1 =	vld.idx.msk [tilespmem:v2+s16+$0x0], $0xffff;
	_ =	sdelay $0x4  }
0x13b: {  	v0 =	vadd.f32 $1.000000020e-16, v0  }
0x13c: {  	v1 =	vadd.f32 $1.000000020e-16, v1  }
0x13d: {  	v2 =	vld [tilespmem:s24+$0xC840];
	(erf) = vrcp.f32 v0  }
0x13e: {  	v0 =	vld [tilespmem:s24+$0xB440];
	(erf) = vrcp.f32 v1;
	_ =	sdelay $0x6  }
0x13f: {  	v1 =	vld [tilespmem:s24+$0xA050]  }
0x140: {  	v3 =	vpop (erf)  }
0x141: {  	v0 =	vmul.f32 v3, v0;
	v3 =	vpop (erf)  }
0x142: {  	v2 =	vmul.f32 v2, v3  }
0x143: {  	v0 =	vadd.f32 $5.000000000e-01, v0  }
0x144: {  	v2 =	vadd.f32 $5.000000000e-01, v2  }
0x145: {  	[tilespmem:s24+$0xB440] =	vst v0  }
0x146: {  	[tilespmem:s24+$0xC840] =	vst v2  }
0x147: {  	v0 =	vld.idx.msk [tilespmem:v1+s2+$0x0], $0xffff  }
0x148: {  	v1 =	vld.idx.msk [tilespmem:v1+s16+$0x0], $0xffff;
	_ =	sdelay $0x4  }
0x149: {  	v0 =	vadd.f32 $1.000000020e-16, v0  }
0x14a: {  	v1 =	vadd.f32 $1.000000020e-16, v1;
	v2 =	vld [tilespmem:s24+$0xC850]  }
0x14b: {  	v3 =	vld [tilespmem:s24+$0xB450];
	(erf) = vrcp.f32 v0  }
0x14c: {  	(erf) = vrcp.f32 v1;
	_ =	sdelay $0x6  }
0x14d: {  	v0 =	vld [tilespmem:s24+$0xA060]  }
0x14e: {  	v1 =	vpop (erf)  }
0x14f: {  	v1 =	vmul.f32 v1, v3;
	v3 =	vpop (erf)  }
0x150: {  	v2 =	vmul.f32 v2, v3  }
0x151: {  	v1 =	vadd.f32 $5.000000000e-01, v1  }
0x152: {  	v2 =	vadd.f32 $5.000000000e-01, v2  }
0x153: {  	[tilespmem:s24+$0xB450] =	vst v1  }
0x154: {  	[tilespmem:s24+$0xC850] =	vst v2  }
0x155: {  	v1 =	vld.idx.msk [tilespmem:v0+s2+$0x0], $0xffff  }
0x156: {  	v0 =	vld.idx.msk [tilespmem:v0+s16+$0x0], $0xffff;
	_ =	sdelay $0x4  }
0x157: {  	v1 =	vadd.f32 $1.000000020e-16, v1;
	v2 =	vld [tilespmem:s24+$0xC860]  }
0x158: {  	v0 =	vadd.f32 $1.000000020e-16, v0;
	v3 =	vld [tilespmem:s24+$0xB460]  }
0x159: {  	(erf) = vrcp.f32 v1  }
0x15a: {  	(erf) = vrcp.f32 v0;
	_ =	sdelay $0x6  }
0x15b: {  	v0 =	vld [tilespmem:s24+$0xA070]  }
0x15c: {  	v1 =	vpop (erf)  }
0x15d: {  	v1 =	vmul.f32 v1, v3;
	v3 =	vpop (erf)  }
0x15e: {  	v2 =	vmul.f32 v2, v3  }
0x15f: {  	v1 =	vadd.f32 $5.000000000e-01, v1  }
0x160: {  	v2 =	vadd.f32 $5.000000000e-01, v2  }
0x161: {  	[tilespmem:s24+$0xB460] =	vst v1  }
0x162: {  	[tilespmem:s24+$0xC860] =	vst v2  }
0x163: {  	v1 =	vld.idx.msk [tilespmem:v0+s2+$0x0], $0xffff  }
0x164: {  	v2 =	vld.idx.msk [tilespmem:v0+s16+$0x0], $0xffff;
	_ =	sdelay $0x3  }
.Ltmp1:
0x165: {  	v0 =	vld [tilespmem:s24+$0xB470];
	(pc) =	sbr.rel @p0 .LBB2_4-.Ltmp1, $4  }
0x166: {  	v3 =	vadd.f32 $1.000000020e-16, v1;
	v1 =	vld [tilespmem:s24+$0xC870]  }
0x167: {  	v2 =	vadd.f32 $1.000000020e-16, v2  }
0x168: {  	(erf) = vrcp.f32 v3  }
0x169: {  	(erf) = vrcp.f32 v2  }
0x16a: {  	_ =	sdelay $0x4  }
0x16b: {  	s25 =	sshra.s32 s25, $0x2  }
0x16c: {  	v2 =	vld [tilespmem:s25+$0xA000]  }
0x16d: {  	v3 =	vpop (erf)  }
0x16e: {  	v0 =	vmul.f32 v3, v0;
	v24 =	vpop (erf)  }
0x16f: {  	v1 =	vmul.f32 v1, v24  }
0x170: {  	v0 =	vadd.f32 $5.000000000e-01, v0  }
0x171: {  	v1 =	vadd.f32 $5.000000000e-01, v1  }
0x172: {  	[tilespmem:s24+$0xB470] =	vst v0  }
0x173: {  	[tilespmem:s24+$0xC870] =	vst v1  }
0x174: {  	v0 =	vld.idx.msk [tilespmem:v2+s2+$0x0], $0xffff  }
0x175: {  	v1 =	vld.idx.msk [tilespmem:v2+s16+$0x0], $0xffff;
	_ =	sdelay $0x3  }
0x176: {  	v0 =	vadd.f32 $1.000000020e-16, v0  }
0x177: {  	v1 =	vadd.f32 $1.000000020e-16, v1  }
0x178: {  	(erf) = vrcp.f32 v0  }
0x179: {  	(erf) = vrcp.f32 v1;
	_ =	sdelay $0x3  }
0x17a: {  	v25 =	vld [tilespmem:s25+$0xB400]  }
0x17b: {  	v26 =	vld [tilespmem:s25+$0xC800];
	_ =	sdelay $0x1  }
0x17c: {  	v27 =	vld [tilespmem:s25+$0xA010]  }
0x17d: {  	v28 =	vpop (erf)  }
0x17e: {  	v0 =	vmul.f32 v28, v25;
	v29 =	vpop (erf)  }
0x17f: {  	v1 =	vmul.f32 v26, v29  }
0x180: {  	v0 =	vadd.f32 $5.000000000e-01, v0  }
0x181: {  	v1 =	vadd.f32 $5.000000000e-01, v1  }
0x182: {  	[tilespmem:s25+$0xB400] =	vst v0  }
0x183: {  	[tilespmem:s25+$0xC800] =	vst v1  }
0x184: {  	v0 =	vld.idx.msk [tilespmem:v27+s2+$0x0], $0xffff  }
0x185: {  	v1 =	vld.idx.msk [tilespmem:v27+s16+$0x0], $0xffff;
	_ =	sdelay $0x3  }
0x186: {  	v0 =	vadd.f32 $1.000000020e-16, v0  }
0x187: {  	v1 =	vadd.f32 $1.000000020e-16, v1  }
0x188: {  	(erf) = vrcp.f32 v0  }
0x189: {  	(erf) = vrcp.f32 v1;
	_ =	sdelay $0x3  }
0x18a: {  	v30 =	vld [tilespmem:s25+$0xB410]  }
0x18b: {  	v31 =	vld [tilespmem:s25+$0xC810];
	_ =	sdelay $0x1  }
0x18c: {  	v32 =	vld [tilespmem:s25+$0xA020]  }
0x18d: {  	v33 =	vpop (erf)  }
0x18e: {  	v0 =	vmul.f32 v33, v30;
	v34 =	vpop (erf)  }
0x18f: {  	v1 =	vmul.f32 v31, v34  }
0x190: {  	v0 =	vadd.f32 $5.000000000e-01, v0  }
0x191: {  	v1 =	vadd.f32 $5.000000000e-01, v1  }
0x192: {  	[tilespmem:s25+$0xB410] =	vst v0  }
0x193: {  	[tilespmem:s25+$0xC810] =	vst v1  }
0x194: {  	v0 =	vld.idx.msk [tilespmem:v32+s2+$0x0], $0xffff  }
0x195: {  	v1 =	vld.idx.msk [tilespmem:v32+s16+$0x0], $0xffff;
	_ =	sdelay $0x3  }
0x196: {  	v0 =	vadd.f32 $1.000000020e-16, v0  }
0x197: {  	v1 =	vadd.f32 $1.000000020e-16, v1  }
0x198: {  	(erf) = vrcp.f32 v0  }
0x199: {  	(erf) = vrcp.f32 v1;
	_ =	sdelay $0x3  }
0x19a: {  	v35 =	vld [tilespmem:s25+$0xB420]  }
0x19b: {  	v36 =	vld [tilespmem:s25+$0xC820];
	_ =	sdelay $0x1  }
0x19c: {  	v37 =	vld [tilespmem:s25+$0xA030]  }
0x19d: {  	v38 =	vpop (erf)  }
0x19e: {  	v0 =	vmul.f32 v38, v35;
	v39 =	vpop (erf)  }
0x19f: {  	v1 =	vmul.f32 v36, v39  }
0x1a0: {  	v0 =	vadd.f32 $5.000000000e-01, v0  }
0x1a1: {  	v1 =	vadd.f32 $5.000000000e-01, v1  }
0x1a2: {  	[tilespmem:s25+$0xB420] =	vst v0  }
0x1a3: {  	[tilespmem:s25+$0xC820] =	vst v1  }
0x1a4: {  	v0 =	vld.idx.msk [tilespmem:v37+s2+$0x0], $0xffff  }
0x1a5: {  	v1 =	vld.idx.msk [tilespmem:v37+s16+$0x0], $0xffff;
	_ =	sdelay $0x3  }
0x1a6: {  	v0 =	vadd.f32 $1.000000020e-16, v0  }
0x1a7: {  	v1 =	vadd.f32 $1.000000020e-16, v1  }
0x1a8: {  	(erf) = vrcp.f32 v0  }
0x1a9: {  	(erf) = vrcp.f32 v1;
	_ =	sdelay $0x3  }
0x1aa: {  	v40 =	vld [tilespmem:s25+$0xB430]  }
0x1ab: {  	v41 =	vld [tilespmem:s25+$0xC830];
	_ =	sdelay $0x1  }
0x1ac: {  	v42 =	vld [tilespmem:s25+$0xA040]  }
0x1ad: {  	v43 =	vpop (erf)  }
0x1ae: {  	v0 =	vmul.f32 v43, v40;
	v44 =	vpop (erf)  }
0x1af: {  	v1 =	vmul.f32 v41, v44  }
0x1b0: {  	v0 =	vadd.f32 $5.000000000e-01, v0  }
0x1b1: {  	v1 =	vadd.f32 $5.000000000e-01, v1  }
0x1b2: {  	[tilespmem:s25+$0xB430] =	vst v0  }
0x1b3: {  	[tilespmem:s25+$0xC830] =	vst v1  }
0x1b4: {  	v0 =	vld.idx.msk [tilespmem:v42+s2+$0x0], $0xffff  }
0x1b5: {  	v1 =	vld.idx.msk [tilespmem:v42+s16+$0x0], $0xffff;
	_ =	sdelay $0x3  }
0x1b6: {  	v0 =	vadd.f32 $1.000000020e-16, v0  }
0x1b7: {  	v1 =	vadd.f32 $1.000000020e-16, v1  }
0x1b8: {  	(erf) = vrcp.f32 v0  }
0x1b9: {  	(erf) = vrcp.f32 v1;
	_ =	sdelay $0x3  }
0x1ba: {  	v45 =	vld [tilespmem:s25+$0xB440]  }
0x1bb: {  	v46 =	vld [tilespmem:s25+$0xC840];
	_ =	sdelay $0x1  }
0x1bc: {  	v47 =	vld [tilespmem:s25+$0xA050]  }
0x1bd: {  	v48 =	vpop (erf)  }
0x1be: {  	v0 =	vmul.f32 v48, v45;
	v49 =	vpop (erf)  }
0x1bf: {  	v1 =	vmul.f32 v46, v49  }
0x1c0: {  	v0 =	vadd.f32 $5.000000000e-01, v0  }
0x1c1: {  	v1 =	vadd.f32 $5.000000000e-01, v1  }
0x1c2: {  	[tilespmem:s25+$0xB440] =	vst v0  }
0x1c3: {  	[tilespmem:s25+$0xC840] =	vst v1  }
0x1c4: {  	v0 =	vld.idx.msk [tilespmem:v47+s2+$0x0], $0xffff  }
0x1c5: {  	v1 =	vld.idx.msk [tilespmem:v47+s16+$0x0], $0xffff;
	_ =	sdelay $0x3  }
0x1c6: {  	v0 =	vadd.f32 $1.000000020e-16, v0  }
0x1c7: {  	v1 =	vadd.f32 $1.000000020e-16, v1  }
0x1c8: {  	(erf) = vrcp.f32 v0  }
0x1c9: {  	(erf) = vrcp.f32 v1;
	_ =	sdelay $0x3  }
0x1ca: {  	v50 =	vld [tilespmem:s25+$0xB450]  }
0x1cb: {  	v51 =	vld [tilespmem:s25+$0xC850];
	_ =	sdelay $0x1  }
0x1cc: {  	v52 =	vld [tilespmem:s25+$0xA060]  }
0x1cd: {  	v53 =	vpop (erf)  }
0x1ce: {  	v0 =	vmul.f32 v53, v50;
	v54 =	vpop (erf)  }
0x1cf: {  	v1 =	vmul.f32 v51, v54  }
0x1d0: {  	v0 =	vadd.f32 $5.000000000e-01, v0  }
0x1d1: {  	v1 =	vadd.f32 $5.000000000e-01, v1  }
0x1d2: {  	[tilespmem:s25+$0xB450] =	vst v0  }
0x1d3: {  	[tilespmem:s25+$0xC850] =	vst v1  }
0x1d4: {  	v0 =	vld.idx.msk [tilespmem:v52+s2+$0x0], $0xffff  }
0x1d5: {  	v1 =	vld.idx.msk [tilespmem:v52+s16+$0x0], $0xffff;
	_ =	sdelay $0x3  }
0x1d6: {  	v0 =	vadd.f32 $1.000000020e-16, v0  }
0x1d7: {  	v1 =	vadd.f32 $1.000000020e-16, v1  }
0x1d8: {  	(erf) = vrcp.f32 v0  }
0x1d9: {  	(erf) = vrcp.f32 v1;
	_ =	sdelay $0x3  }
0x1da: {  	v55 =	vld [tilespmem:s25+$0xB460]  }
0x1db: {  	v56 =	vld [tilespmem:s25+$0xC860];
	_ =	sdelay $0x1  }
0x1dc: {  	v57 =	vld [tilespmem:s25+$0xA070]  }
0x1dd: {  	v58 =	vpop (erf)  }
0x1de: {  	v0 =	vmul.f32 v58, v55;
	v59 =	vpop (erf)  }
0x1df: {  	v1 =	vmul.f32 v56, v59  }
0x1e0: {  	v0 =	vadd.f32 $5.000000000e-01, v0  }
0x1e1: {  	v1 =	vadd.f32 $5.000000000e-01, v1  }
0x1e2: {  	[tilespmem:s25+$0xB460] =	vst v0  }
0x1e3: {  	[tilespmem:s25+$0xC860] =	vst v1  }
0x1e4: {  	v0 =	vld.idx.msk [tilespmem:v57+s2+$0x0], $0xffff  }
0x1e5: {  	v1 =	vld.idx.msk [tilespmem:v57+s16+$0x0], $0xffff;
	_ =	sdelay $0x3  }
0x1e6: {  	v0 =	vadd.f32 $1.000000020e-16, v0  }
0x1e7: {  	v1 =	vadd.f32 $1.000000020e-16, v1  }
0x1e8: {  	(erf) = vrcp.f32 v0  }
0x1e9: {  	(erf) = vrcp.f32 v1;
	_ =	sdelay $0x3  }
0x1ea: {  	v60 =	vld [tilespmem:s25+$0xB470]  }
0x1eb: {  	v61 =	vld [tilespmem:s25+$0xC870];
	_ =	sdelay $0x2  }
0x1ec: {  	v62 =	vpop (erf)  }
0x1ed: {  	v0 =	vmul.f32 v62, v60;
	v63 =	vpop (erf)  }
0x1ee: {  	v1 =	vmul.f32 v61, v63  }
0x1ef: {  	v0 =	vadd.f32 $5.000000000e-01, v0  }
0x1f0: {  	v1 =	vadd.f32 $5.000000000e-01, v1  }
0x1f1: {  	[tilespmem:s25+$0xB470] =	vst v0  }
0x1f2: {  	[tilespmem:s25+$0xC870] =	vst v1  }
0x1f3: {  	[hbm4b:s10+s2] =	stream.linear.scatter [tilespmem:s19], [sflag:$0x2], $0x1400, $0x38;
	[tilespmem:$0xDC00] =	vst v63  }
0x1f4: {  	s23 =	sadd.s32 $0x1, s23  }
0x1f5: {  	[hbm4b:s11+s2] =	stream.linear.scatter [tilespmem:s20], [sflag:$0x2], $0x1400, $0x38;
	[tilespmem:$0xDC00] =	vst v63  }
0x1f6: {  	p0 =	sne.s32 s23, s12;
	_ =	swait.ge [sflag:s22], $0x1400  }
.Ltmp2:
0x1f7: {  	[sflag:s22] =	ssyncset.done $0x0;
	(pc) =	sbr.rel @p0 .LBB2_1-.Ltmp2, $4  }
0x1f8: {  	[sflag:s22] =	ssyncadd.s32 $0xFFFFEC00  }
0x1f9: {  	_ =	swait.ge [sflag:s22], $0x1400  }
0x1fa: {  	[sflag:s22] =	ssyncset.done $0x0  }
0x1fb: {  	[sflag:s22] =	ssyncadd.s32 $0xFFFFEC00  }
0x1fc: {  	_ =	sfence.sel $0x180000  }
0x1fd: {  	[bflag:$0x0] =	sbarrier.arrive $0xFFFF  }
0x1fe: {  	p0 =	sne.s32 s0, $0x0;
	_ =	strace $0x9000004A  }
0x1ff: {  	s0 =	sadd.s32 @!p0 $0x100000, s1;
	[bflag:$0x2] =	sbarrier.arrive $0xFFFF  }
0x200: {  	[sflag:s0] =	ssyncadd.tile.s32 @!p0 $0x1;
	_ =	shalt  }
.Lfunc_end2:
_tile_overlayer_lowered:
.L_overlay_start_2:
0x201: {  	(tag) =	ssettag $0x2  }
0x202: {  	s0 =	rddreg [dreg:$0x0];
	s2 =	stileid.u32  }
0x203: {  	s1 =	rddreg [dreg:$0x1];
	p0 =	sne.s32 s2, $0x0  }
0x204: {  	s3 =	rddreg [dreg:$0x2];
	[bflag:$0x3] =	sbarrier.arrive $0xFFFF;
	s2 =	simm.s32 @!p0 $0x1C03  }
0x205: {  	[timem:s3], [sflag:s2] =	dma.local @!p0 [hbm:s0], s1  }
0x206: {  	s0 =	simm.s32 @!p0 $0x3  }
0x207: {  	_ =	swait.ge @!p0 [sflag:s0], s1  }
0x208: {  	s1 =	ssub.s32 @!p0 $0x0, s1;
	[sflag:s0] =	ssyncset.done @!p0 $0x0  }
0x209: {  	[sflag:s0] =	ssyncadd.s32 @!p0 s1  }
0x20a: {  	[bflag:$0x3] =	sbarrier.arrive $0xFFFF  }
0x20b: {  	_ =	shalt  }

</sc_bundles>
